<compile_context>
chip_gen: v7x
topology: tpu7x:2x2x1
jax: 0.10.2.dev20260603
libtpu: 0.0.44.dev20260713+nightly
codegen_flags: <defaults>
</compile_context>

<pallas_src>
import functools

import numpy as np
import jax
import jax.numpy as jnp
from jax import lax
from jax.experimental import pallas as pl
from jax.experimental.pallas import tpu as pltpu, tpu_sc as plsc

S = 128
NP = 1000
NPP = 1024
T = 2048
C = 32
D = 8
TT = 512
DT = 384


def _threefry2x32_np(k1, k2, x0, x1):
    ks = [np.uint32(k1), np.uint32(k2),
          np.uint32(np.uint32(k1) ^ np.uint32(k2) ^ np.uint32(0x1BD11BDA))]
    rot = [[13, 15, 26, 6], [17, 29, 16, 24]]
    x0 = np.uint32(x0)
    x1 = np.uint32(x1)

    def rotl(v, r):
        return np.uint32((v << np.uint32(r)) | (v >> np.uint32(32 - r)))

    with np.errstate(over="ignore"):
        x0 = np.uint32(x0 + ks[0])
        x1 = np.uint32(x1 + ks[1])
        for i in range(5):
            for r in rot[i % 2]:
                x0 = np.uint32(x0 + x1)
                x1 = np.uint32(rotl(x1, r) ^ x0)
            x0 = np.uint32(x0 + ks[(i + 1) % 3])
            x1 = np.uint32(x1 + ks[(i + 2) % 3] + np.uint32(i + 1))
    return x0, x1


def _i32(v):
    return int(np.int32(np.uint32(v)))


def _wrap32(v):
    v &= 0xFFFFFFFF
    return v - (1 << 32) if v >= (1 << 31) else v

_NK1, _NK2 = _threefry2x32_np(0, 42, 0, 1)
_KS = (_i32(_NK1), _i32(_NK2), _i32(np.uint32(_NK1) ^ np.uint32(_NK2) ^ np.uint32(0x1BD11BDA)))
_ROT = ((13, 15, 26, 6), (17, 29, 16, 24))

_LO = np.float32(np.nextafter(np.float32(-1.0), np.float32(0.0)))
_SQRT2 = np.float32(np.sqrt(np.float32(2.0)))

_POLY_SMALL = tuple(np.float32(c) for c in (
    2.81022636e-08, 3.43273939e-07, -3.5233877e-06, -4.39150654e-06,
    0.00021858087, -0.00125372503, -0.00417768164, 0.246640727, 1.50140941))
_POLY_LARGE = tuple(np.float32(c) for c in (
    -0.000200214257, 0.000100950558, 0.00134934322, -0.00367342844,
    0.00573950773, -0.0076224613, 0.00943887047, 1.00167406, 2.83297682))


def _rotl(v, r):
    return jax.lax.shift_left(v, jnp.int32(r)) | jax.lax.shift_right_logical(
        v, jnp.int32(32 - r))


def _threefry_bits(ctr):
    x0 = ctr + jnp.int32(_wrap32(_KS[0] + _KS[1]))
    x1 = ctr + jnp.int32(_KS[1])
    x1 = _rotl(x1, 13) ^ x0
    for r in (15, 26, 6):
        x0 = x0 + x1
        x1 = _rotl(x1, r) ^ x0
    x0 = x0 + jnp.int32(_KS[1])
    x1 = x1 + jnp.int32(_wrap32(_KS[2] + 1))
    for i in range(1, 5):
        for r in _ROT[i % 2]:
            x0 = x0 + x1
            x1 = _rotl(x1, r) ^ x0
        x0 = x0 + jnp.int32(_KS[(i + 1) % 3])
        x1 = x1 + jnp.int32(_wrap32(_KS[(i + 2) % 3] + i + 1))
    return x0 ^ x1


def _normal_from_bits(bits):
    fb = jax.lax.shift_right_logical(bits, jnp.int32(9)) | jnp.int32(0x3F800000)
    f = jax.lax.bitcast_convert_type(fb, jnp.float32) - jnp.float32(1.0)
    u = jnp.maximum(_LO, f * jnp.float32(2.0) + _LO)
    w = -jnp.log((jnp.float32(1.0) - u) * (jnp.float32(1.0) + u))
    ws = w - jnp.float32(2.5)
    p = jnp.full(u.shape, _POLY_SMALL[0], jnp.float32)
    for c in _POLY_SMALL[1:]:
        p = c + p * ws
    wl = jnp.sqrt(w) - jnp.float32(3.0)
    q = jnp.full(u.shape, _POLY_LARGE[0], jnp.float32)
    for c in _POLY_LARGE[1:]:
        q = c + q * wl
    poly = jnp.where(w < jnp.float32(5.0), p, q)
    return _SQRT2 * (poly * u)


def _gumbel(u, valid):
    us = jnp.where(valid, u, jnp.float32(0.5))
    return jnp.where(valid, -jnp.log(-jnp.log(us)), -jnp.inf)


def _idx_kernel(urow_ref, ucol_ref, out_ref):
    lane = jax.lax.broadcasted_iota(jnp.int32, (1, NPP), 1)
    subl = jax.lax.broadcasted_iota(jnp.int32, (NPP, 1), 0)
    s_row = _gumbel(urow_ref[...], lane < NP)
    s_col = _gumbel(ucol_ref[...], subl < NP)
    cmp = jnp.where(
        (s_col > s_row) | ((s_col == s_row) & (subl < lane)),
        jnp.float32(1.0), jnp.float32(0.0))
    rank = jnp.sum(cmp, axis=0, keepdims=True).astype(jnp.int32)
    srow = jax.lax.broadcasted_iota(jnp.int32, (S, NPP), 0)
    m = jnp.where(rank == srow, jnp.float32(1.0), jnp.float32(0.0))
    pvec = jax.lax.broadcasted_iota(jnp.int32, (S, NPP), 1).astype(jnp.float32)
    out_ref[...] = jnp.sum(pvec * m, axis=1,
                           keepdims=True).astype(jnp.int32)


def _sc_gather():
    info = plsc.get_sparse_core_info()
    nc = info.num_cores
    act = 16
    bpw = S // act
    mesh = plsc.VectorSubcoreMesh(core_axis_name="c", subcore_axis_name="s")

    @functools.partial(
        pl.kernel, mesh=mesh,
        out_type=jax.ShapeDtypeStruct((S, DT), jnp.float32),
        scratch_types=[
            pltpu.VMEM((bpw,), jnp.int32),
            pltpu.VMEM((bpw, DT), jnp.float32),
            pltpu.SemaphoreType.DMA,
        ],
    )
    def k(tbl_hbm, idx_hbm, out_hbm, idx_v, rows_v, sem):
        wid = lax.axis_index("s") * nc + lax.axis_index("c")

        @pl.when(wid < act)
        def _():
            base = wid * bpw
            pltpu.sync_copy(idx_hbm.at[pl.ds(base, bpw)], idx_v)
            pltpu.async_copy(tbl_hbm.at[idx_v], rows_v, sem).wait()
            pltpu.sync_copy(rows_v, out_hbm.at[pl.ds(base, bpw)])

    return k


def _fused_kernel(gath_ref, fc_ref, out_ref, a_scr, gsc_scr, ctr_scr):
    step = pl.program_id(0)

    @pl.when(step == 0)
    def _expand_gathered():
        g2 = gath_ref[:, :D * C]
        gsc = gath_ref[:, D * C:D * C + D]
        subl = jax.lax.broadcasted_iota(jnp.int32, (S * D, 1), 0)
        ps = jnp.where((subl >> 3) == jax.lax.broadcasted_iota(
            jnp.int32, (S * D, S), 1), jnp.float32(1.0), jnp.float32(0.0))
        as8 = jnp.dot(ps, g2, preferred_element_type=jnp.float32)
        dsel = subl & jnp.int32(7)
        acc = jnp.zeros((S * D, C), jnp.float32)
        for d in range(D):
            acc = acc + jnp.where(dsel == d, as8[:, d * C:(d + 1) * C],
                                  jnp.float32(0.0))
        a_scr[...] = acc
        sm = jnp.dot(ps, gsc, preferred_element_type=jnp.float32)
        lane8 = jax.lax.broadcasted_iota(jnp.int32, (S * D, D), 1)
        gsc_scr[...] = jnp.sum(
            jnp.where(dsel == lane8, sm, jnp.float32(0.0)),
            axis=1, keepdims=True)
        rowi = jax.lax.broadcasted_iota(jnp.int32, (S * D, TT), 0)
        colj = jax.lax.broadcasted_iota(jnp.int32, (S * D, TT), 1)
        ctr_scr[...] = ((rowi >> jnp.int32(3)) << jnp.int32(14)) \
            + (colj << jnp.int32(3)) + (rowi & jnp.int32(7))

    off = step * (TT * D)
    fc = fc_ref[...]
    for ch in range(D):
        r0 = ch * S
        base = ctr_scr[pl.ds(r0, S), :] + off
        noise = _normal_from_bits(_threefry_bits(base))
        mean = jax.lax.dot_general(
            a_scr[pl.ds(r0, S), :], fc, (((1,), (1,)), ((), ())),
            preferred_element_type=jnp.float32)
        out_ref[pl.ds(r0, S), :] = mean + gsc_scr[pl.ds(r0, S), :] * noise


def kernel(data, covariates, posterior_coef, posterior_scale, num_samples):
    del data, num_samples
    future_cov = covariates[T:]
    coef_flat = jnp.pad(
        posterior_coef.transpose(0, 2, 1).reshape(NP, D * C),
        ((0, NPP - NP), (0, 0)))
    scale_pad = jnp.pad(posterior_scale, ((0, NPP - NP), (0, 0)))

    tbl = jnp.concatenate(
        [coef_flat, scale_pad, jnp.zeros((NPP, DT - D * C - D), jnp.float32)],
        axis=1)

    key = jax.random.key(42)
    u = jax.random.uniform(key, (NP,), minval=1e-10, maxval=1.0)
    upad = jnp.pad(u, (0, NPP - NP))

    idx = pl.pallas_call(
        _idx_kernel,
        in_specs=[pl.BlockSpec((1, NPP), lambda: (0, 0)),
                  pl.BlockSpec((NPP, 1), lambda: (0, 0))],
        out_specs=pl.BlockSpec((S, 1), lambda: (0, 0)),
        out_shape=jax.ShapeDtypeStruct((S, 1), jnp.int32),
    )(upad.reshape(1, NPP), upad.reshape(NPP, 1)).reshape(S)

    gathered = _sc_gather()(tbl, idx)

    out2 = pl.pallas_call(
        _fused_kernel,
        grid=(T // TT,),
        in_specs=[
            pl.BlockSpec((S, DT), lambda s: (0, 0)),
            pl.BlockSpec((TT, C), lambda s: (s, 0)),
        ],
        out_specs=pl.BlockSpec((D * S, TT), lambda s: (0, s)),
        out_shape=jax.ShapeDtypeStruct((D * S, T), jnp.float32),
        scratch_shapes=[
            pltpu.VMEM((S * D, C), jnp.float32),
            pltpu.VMEM((S * D, 1), jnp.float32),
            pltpu.VMEM((S * D, TT), jnp.int32),
        ],
    )(gathered, future_cov)
    return out2.reshape(S, D, T).transpose(0, 2, 1)

# --- scband reference (transcript-rebuilt; emitter-appended) ---
"""Pipeline reference for scband-hmcforecaster-23759759081575 (READ-ONLY COPY).

The authoritative reference and input builder live on the scoring server;
editing this copy changes nothing except your own understanding.
"""

import jax, jax.numpy as jnp
import numpy as np


def setup_inputs(seed: int = 0):
    key = jax.random.key(seed)
    k1, k2, k3, k4 = jax.random.split(key, 4)
    data = jax.random.normal(k1, (2048, 8), dtype=jnp.float32)
    covariates = jax.random.normal(k2, (4096, 32), dtype=jnp.float32)
    posterior_coef = jax.random.normal(k3, (1000, 32, 8), dtype=jnp.float32) * 0.1
    posterior_scale = jax.random.uniform(k4, (1000, 8), dtype=jnp.float32) * 0.5 + 0.1
    return {
        "data": data,
        "covariates": covariates,
        "posterior_coef": posterior_coef,
        "posterior_scale": posterior_scale,
        "num_samples": 128,
    }


def reference(data, covariates, posterior_coef, posterior_scale, num_samples):
    # HMCForecaster.forward: resample stored posterior samples via
    # torch.multinomial(uniform_weights, num_samples, replacement=False),
    # index_select the posterior sample tensors, then replay the forecasting
    # model over the forecast horizon [t1, t2) to draw predictive samples.
    num_posterior = posterior_coef.shape[0]
    weights = jnp.ones((num_posterior,), dtype=jnp.float32)
    key = jax.random.key(42)
    # multinomial without replacement == Gumbel top-k over log-weights
    u = jax.random.uniform(key, (num_posterior,), minval=1e-10, maxval=1.0)
    gumbel = -jnp.log(-jnp.log(u))
    scores = jnp.log(weights) + gumbel + 0 * num_samples
    _, indices = jax.lax.top_k(scores, 128)
    # index_select over the stored posterior sample tensors (gather)
    coef = jnp.take(posterior_coef, indices, axis=0)      # [S, C, D]
    scale = jnp.take(posterior_scale, indices, axis=0)    # [S, D]
    # forecast horizon [t1, t2)
    t1 = data.shape[-2]
    t2 = covariates.shape[-2]
    future_cov = jax.lax.dynamic_slice_in_dim(covariates, t1, t2 - t1, axis=-2)  # [T, C]
    # linear-regression forecasting model replayed under the posterior samples
    mean = jnp.einsum('tc,scd->std', future_cov, coef)    # [S, T, D]
    noise = jax.random.normal(jax.random.fold_in(key, 1), mean.shape, dtype=jnp.float32)
    forecast = mean + scale[:, None, :] * noise
    return forecast

if __name__ == "__main__":
    import jax
    _d = setup_inputs()
    print(jax.jit(kernel)(*tuple(_d.values())))

</pallas_src>

<mosaic_0001>
#map = affine_map<(d0, d1) -> (0, 0)>
#map1 = affine_map<(d0, d1) -> (0)>
module attributes {stable_mosaic.version = 14 : i64} {
  func.func @k(%arg0: i32, %arg1: i32, %arg2: memref<1024x384xf32, #tpu.memory_space<hbm>>, %arg3: memref<128xi32, #tpu.memory_space<hbm>>, %arg4: memref<128x384xf32, #tpu.memory_space<hbm>>, %arg5: memref<8xi32, #tpu.memory_space<vmem>>, %arg6: memref<8x384xf32, #tpu.memory_space<vmem>>, %arg7: memref<!tpu.dma_semaphore, #tpu.memory_space<semaphore_mem>>) attributes {dimension_semantics = [#tpu.dimension_semantics<core_parallel>, #tpu.dimension_semantics<subcore_parallel>], iteration_bounds = array<i64: 2, 16>, scalar_prefetch = 0 : i64, scratch_operands = 3 : i64, tpu.core_type = #tpu.core_type<sc_vector_subcore>, window_params = [{transform_indices = #map}, {transform_indices = #map1}, {transform_indices = #map}]} {
    %mul3A = arith.constant 2 : i32
    %mul3A_0 = arith.muli %arg1, %mul3A : i32
    %add3A = arith.addi %mul3A_0, %arg0 : i32
    %lt3A = arith.constant 16 : i32
    %lt3A_1 = arith.cmpi slt, %add3A, %lt3A : i32
    %convert_element_type3A = arith.extui %lt3A_1 : i1 to i32
    %cond3A = arith.constant 0 : i32
    %cond3A_2 = arith.cmpi ne, %convert_element_type3A, %cond3A : i32
    scf.if %cond3A_2 {
      %mul3A_3 = arith.constant 8 : i32
      %mul3A_4 = arith.muli %add3A, %mul3A_3 : i32
      "tpu.region"() ({
        %run_scoped3A = tpu.sem_alloc : memref<!tpu.dma_semaphore, #tpu.memory_space<semaphore_mem>>
        %dma_start3A_9 = tpu.memref_slice %arg3[%mul3A_4] : memref<128xi32, #tpu.memory_space<hbm>> -> memref<8xi32, #tpu.memory_space<hbm>>
        %dma_start3A_10 = tpu.memref_slice %arg3[%mul3A_4] : memref<128xi32, #tpu.memory_space<hbm>> -> memref<8xi32, #tpu.memory_space<hbm>>
        tpu.enqueue_dma source(%dma_start3A_10 : memref<8xi32, #tpu.memory_space<hbm>>) target(%arg5 : memref<8xi32, #tpu.memory_space<vmem>>) target_semaphore(%run_scoped3A : memref<!tpu.dma_semaphore, #tpu.memory_space<semaphore_mem>>)
        %dma_wait3A_11 = tpu.memref_slice %arg3[%mul3A_4] : memref<128xi32, #tpu.memory_space<hbm>> -> memref<8xi32, #tpu.memory_space<hbm>>
        %dma_wait3A_12 = tpu.memref_slice %arg3[%mul3A_4] : memref<128xi32, #tpu.memory_space<hbm>> -> memref<8xi32, #tpu.memory_space<hbm>>
        tpu.wait_dma2 semaphore(%run_scoped3A : memref<!tpu.dma_semaphore, #tpu.memory_space<semaphore_mem>>) src(%dma_wait3A_12 : memref<8xi32, #tpu.memory_space<hbm>>) dst(%arg5 : memref<8xi32, #tpu.memory_space<vmem>>)
        tpu.yield
      }) : () -> ()
      %dma_start3A = arith.constant 0 : i32
      %dma_start3A_5 = arith.constant 0 : i32
      %dma_start3A_6 = tpu.memref_slice %arg2[%dma_start3A, %dma_start3A_5] : memref<1024x384xf32, #tpu.memory_space<hbm>> -> memref<1024x384xf32, #tpu.memory_space<hbm>>
      tpu.enqueue_indirect_dma source(%dma_start3A_6 : memref<1024x384xf32, #tpu.memory_space<hbm>>) target(%arg6 : memref<8x384xf32, #tpu.memory_space<vmem>>) offsets(%arg5 : memref<8xi32, #tpu.memory_space<vmem>>) semaphore(%arg7 : memref<!tpu.dma_semaphore, #tpu.memory_space<semaphore_mem>>)
      %dma_wait3A = arith.constant 0 : i32
      %dma_wait3A_7 = arith.constant 0 : i32
      %dma_wait3A_8 = tpu.memref_slice %arg2[%dma_wait3A, %dma_wait3A_7] : memref<1024x384xf32, #tpu.memory_space<hbm>> -> memref<1024x384xf32, #tpu.memory_space<hbm>>
      tpu.wait_indirect_dma semaphore(%arg7 : memref<!tpu.dma_semaphore, #tpu.memory_space<semaphore_mem>>) src(%dma_wait3A_8 : memref<1024x384xf32, #tpu.memory_space<hbm>>) dst(%arg6 : memref<8x384xf32, #tpu.memory_space<vmem>>)
      "tpu.region"() ({
        %run_scoped3A = tpu.sem_alloc : memref<!tpu.dma_semaphore, #tpu.memory_space<semaphore_mem>>
        %dma_start3A_9 = arith.constant 0 : i32
        %dma_start3A_10 = tpu.memref_slice %arg4[%mul3A_4, %dma_start3A_9] : memref<128x384xf32, #tpu.memory_space<hbm>> -> memref<8x384xf32, #tpu.memory_space<hbm>>
        %dma_start3A_11 = arith.constant 0 : i32
        %dma_start3A_12 = tpu.memref_slice %arg4[%mul3A_4, %dma_start3A_11] : memref<128x384xf32, #tpu.memory_space<hbm>> -> memref<8x384xf32, #tpu.memory_space<hbm>>
        tpu.enqueue_dma source(%arg6 : memref<8x384xf32, #tpu.memory_space<vmem>>) target(%dma_start3A_12 : memref<8x384xf32, #tpu.memory_space<hbm>>) target_semaphore(%run_scoped3A : memref<!tpu.dma_semaphore, #tpu.memory_space<semaphore_mem>>)
        %dma_wait3A_13 = arith.constant 0 : i32
        %dma_wait3A_14 = tpu.memref_slice %arg4[%mul3A_4, %dma_wait3A_13] : memref<128x384xf32, #tpu.memory_space<hbm>> -> memref<8x384xf32, #tpu.memory_space<hbm>>
        %dma_wait3A_15 = arith.constant 0 : i32
        %dma_wait3A_16 = tpu.memref_slice %arg4[%mul3A_4, %dma_wait3A_15] : memref<128x384xf32, #tpu.memory_space<hbm>> -> memref<8x384xf32, #tpu.memory_space<hbm>>
        tpu.wait_dma2 semaphore(%run_scoped3A : memref<!tpu.dma_semaphore, #tpu.memory_space<semaphore_mem>>) src(%arg6 : memref<8x384xf32, #tpu.memory_space<vmem>>) dst(%dma_wait3A_16 : memref<8x384xf32, #tpu.memory_space<hbm>>)
        tpu.yield
      }) : () -> ()
    } else {
    }
    return
  }
}

module attributes {stable_mosaic.version = 14 : i64} {
  func.func @_idx_kernel(%arg0: memref<1x1024xf32, #tpu.memory_space<vmem>>, %arg1: memref<1024x1xf32, #tpu.memory_space<vmem>>, %arg2: memref<128x1xi32, #tpu.memory_space<vmem>>) attributes {dimension_semantics = [], scalar_prefetch = 0 : i64, scratch_operands = 0 : i64, tpu.core_type = #tpu.core_type<tc>} {
    %iota3A = tpu.iota {dimensions = array<i32: 1>} : vector<1x1024xi32>
    %iota3A_0 = tpu.iota {dimensions = array<i32: 0>} : vector<1024x1xi32>
    %get3A = arith.constant 0 : index
    %get3A_1 = arith.constant 0 : index
    %get3A_2 = vector.load %arg0[%get3A, %get3A_1] : memref<1x1024xf32, #tpu.memory_space<vmem>>, vector<1x1024xf32>
    %lt3A = arith.constant 1000 : i32
    %lt3A_3 = vector.broadcast %lt3A : i32 to vector<1x1024xi32>
    %lt3A_4 = arith.cmpi slt, %iota3A, %lt3A_3 : vector<1x1024xi32>
    %jit3A = arith.constant 5.000000e-01 : f32
    %broadcast_in_dim3A = vector.broadcast %jit3A : f32 to vector<1x1024xf32>
    %select_n3A = arith.select %lt3A_4, %get3A_2, %broadcast_in_dim3A : vector<1x1024xi1>, vector<1x1024xf32>
    %log3A = math.log %select_n3A : vector<1x1024xf32>
    %neg3A = arith.constant 0.000000e+00 : f32
    %neg3A_5 = vector.broadcast %neg3A : f32 to vector<1x1024xf32>
    %neg3A_6 = arith.subf %neg3A_5, %log3A : vector<1x1024xf32>
    %log3A_7 = math.log %neg3A_6 : vector<1x1024xf32>
    %neg3A_8 = arith.constant 0.000000e+00 : f32
    %neg3A_9 = vector.broadcast %neg3A_8 : f32 to vector<1x1024xf32>
    %neg3A_10 = arith.subf %neg3A_9, %log3A_7 : vector<1x1024xf32>
    %jit3A_11 = arith.constant 0xFF800000 : f32
    %broadcast_in_dim3A_12 = vector.broadcast %jit3A_11 : f32 to vector<1x1024xf32>
    %select_n3A_13 = arith.select %lt3A_4, %neg3A_10, %broadcast_in_dim3A_12 : vector<1x1024xi1>, vector<1x1024xf32>
    %get3A_14 = arith.constant 0 : index
    %get3A_15 = arith.constant 0 : index
    %get3A_16 = vector.load %arg1[%get3A_14, %get3A_15] : memref<1024x1xf32, #tpu.memory_space<vmem>>, vector<1024x1xf32>
    %lt3A_17 = arith.constant 1000 : i32
    %lt3A_18 = vector.broadcast %lt3A_17 : i32 to vector<1024x1xi32>
    %lt3A_19 = arith.cmpi slt, %iota3A_0, %lt3A_18 : vector<1024x1xi32>
    %jit3A_20 = arith.constant 5.000000e-01 : f32
    %broadcast_in_dim3A_21 = vector.broadcast %jit3A_20 : f32 to vector<1024x1xf32>
    %select_n3A_22 = arith.select %lt3A_19, %get3A_16, %broadcast_in_dim3A_21 : vector<1024x1xi1>, vector<1024x1xf32>
    %log3A_23 = math.log %select_n3A_22 : vector<1024x1xf32>
    %neg3A_24 = arith.constant 0.000000e+00 : f32
    %neg3A_25 = vector.broadcast %neg3A_24 : f32 to vector<1024x1xf32>
    %neg3A_26 = arith.subf %neg3A_25, %log3A_23 : vector<1024x1xf32>
    %log3A_27 = math.log %neg3A_26 : vector<1024x1xf32>
    %neg3A_28 = arith.constant 0.000000e+00 : f32
    %neg3A_29 = vector.broadcast %neg3A_28 : f32 to vector<1024x1xf32>
    %neg3A_30 = arith.subf %neg3A_29, %log3A_27 : vector<1024x1xf32>
    %jit3A_31 = arith.constant 0xFF800000 : f32
    %broadcast_in_dim3A_32 = vector.broadcast %jit3A_31 : f32 to vector<1024x1xf32>
    %select_n3A_33 = arith.select %lt3A_19, %neg3A_30, %broadcast_in_dim3A_32 : vector<1024x1xi1>, vector<1024x1xf32>
    %gt3A = vector.broadcast %select_n3A_33 : vector<1024x1xf32> to vector<1024x1024xf32>
    %gt3A_34 = vector.broadcast %select_n3A_13 : vector<1x1024xf32> to vector<1024x1024xf32>
    %gt3A_35 = arith.cmpf ogt, %gt3A, %gt3A_34 : vector<1024x1024xf32>
    %eq3A = vector.broadcast %select_n3A_33 : vector<1024x1xf32> to vector<1024x1024xf32>
    %eq3A_36 = vector.broadcast %select_n3A_13 : vector<1x1024xf32> to vector<1024x1024xf32>
    %eq3A_37 = arith.cmpf oeq, %eq3A, %eq3A_36 : vector<1024x1024xf32>
    %lt3A_38 = vector.broadcast %iota3A_0 : vector<1024x1xi32> to vector<1024x1024xi32>
    %lt3A_39 = vector.broadcast %iota3A : vector<1x1024xi32> to vector<1024x1024xi32>
    %lt3A_40 = arith.cmpi slt, %lt3A_38, %lt3A_39 : vector<1024x1024xi32>
    %and3A = arith.andi %eq3A_37, %lt3A_40 : vector<1024x1024xi1>
    %or3A = arith.ori %gt3A_35, %and3A : vector<1024x1024xi1>
    %jit3A_41 = arith.constant 1.000000e+00 : f32
    %jit3A_42 = arith.constant 0.000000e+00 : f32
    %broadcast_in_dim3A_43 = vector.broadcast %jit3A_41 : f32 to vector<1024x1024xf32>
    %broadcast_in_dim3A_44 = vector.broadcast %jit3A_42 : f32 to vector<1024x1024xf32>
    %select_n3A_45 = arith.select %or3A, %broadcast_in_dim3A_43, %broadcast_in_dim3A_44 : vector<1024x1024xi1>, vector<1024x1024xf32>
    %reduce_sum3A = arith.constant dense<0.000000e+00> : vector<1024xf32>
    %reduce_sum3A_46 = vector.multi_reduction <add>, %select_n3A_45, %reduce_sum3A [0] : vector<1024x1024xf32> to vector<1024xf32>
    %broadcast_in_dim3A_47 = vector.shape_cast %reduce_sum3A_46 : vector<1024xf32> to vector<1x1024xf32>
    %convert_element_type3A = arith.fptosi %broadcast_in_dim3A_47 : vector<1x1024xf32> to vector<1x1024xi32>
    %iota3A_48 = tpu.iota {dimensions = array<i32: 0>} : vector<128x1024xi32>
    %eq3A_49 = vector.broadcast %convert_element_type3A : vector<1x1024xi32> to vector<128x1024xi32>
    %eq3A_50 = arith.cmpi eq, %eq3A_49, %iota3A_48 : vector<128x1024xi32>
    %jit3A_51 = arith.constant 1.000000e+00 : f32
    %jit3A_52 = arith.constant 0.000000e+00 : f32
    %broadcast_in_dim3A_53 = vector.broadcast %jit3A_51 : f32 to vector<128x1024xf32>
    %broadcast_in_dim3A_54 = vector.broadcast %jit3A_52 : f32 to vector<128x1024xf32>
    %select_n3A_55 = arith.select %eq3A_50, %broadcast_in_dim3A_53, %broadcast_in_dim3A_54 : vector<128x1024xi1>, vector<128x1024xf32>
    %iota3A_56 = tpu.iota {dimensions = array<i32: 1>} : vector<128x1024xi32>
    %convert_element_type3A_57 = arith.sitofp %iota3A_56 : vector<128x1024xi32> to vector<128x1024xf32>
    %mul3A = arith.mulf %convert_element_type3A_57, %select_n3A_55 : vector<128x1024xf32>
    %reduce_sum3A_58 = arith.constant dense<0.000000e+00> : vector<128xf32>
    %reduce_sum3A_59 = vector.multi_reduction <add>, %mul3A, %reduce_sum3A_58 [1] : vector<128x1024xf32> to vector<128xf32>
    %broadcast_in_dim3A_60 = vector.shape_cast %reduce_sum3A_59 : vector<128xf32> to vector<128x1xf32>
    %convert_element_type3A_61 = arith.fptosi %broadcast_in_dim3A_60 : vector<128x1xf32> to vector<128x1xi32>
    %swap3A = arith.constant 0 : index
    %swap3A_62 = arith.constant 0 : index
    %swap3A_63 = vector.load %arg2[%swap3A, %swap3A_62] : memref<128x1xi32, #tpu.memory_space<vmem>>, vector<128x1xi32>
    tpu.vector_store %arg2[%swap3A, %swap3A_62], %convert_element_type3A_61 {strides = array<i32>} : memref<128x1xi32, #tpu.memory_space<vmem>>, vector<128x1xi32>,
    return
  }
}

module attributes {stable_mosaic.version = 14 : i64} {
  func.func @_fused_kernel(%arg0: i32, %arg1: memref<128x384xf32, #tpu.memory_space<vmem>>, %arg2: memref<512x32xf32, #tpu.memory_space<vmem>>, %arg3: memref<1024x512xf32, #tpu.memory_space<vmem>>, %arg4: memref<1024x32xf32, #tpu.memory_space<vmem>>, %arg5: memref<1024x1xf32, #tpu.memory_space<vmem>>, %arg6: memref<1024x512xi32, #tpu.memory_space<vmem>>) attributes {dimension_semantics = [#tpu.dimension_semantics<arbitrary>], iteration_bounds = array<i64: 4>, scalar_prefetch = 0 : i64, scratch_operands = 3 : i64, tpu.core_type = #tpu.core_type<tc>, window_params = [{pipeline_mode = #tpu.pipeline_mode<synchronous>, transform_indices = @transform_0, window_bounds = array<i64: 128, 384>}, {transform_indices = @transform_1, window_bounds = array<i64: 512, 32>}, {transform_indices = @transform_2, window_bounds = array<i64: 1024, 512>}]} {
    %eq3A = arith.constant 0 : i32
    %eq3A_0 = arith.cmpi eq, %arg0, %eq3A : i32
    %convert_element_type3A = arith.extui %eq3A_0 : i1 to i32
    %cond3A = arith.constant 0 : i32
    %cond3A_1 = arith.cmpi ne, %convert_element_type3A, %cond3A : i32
    scf.if %cond3A_1 {
      %get3A_2773 = arith.constant 0 : index
      %get3A_2774 = arith.constant 0 : index
      %get3A_2775 = vector.load %arg1[%get3A_2773, %get3A_2774] : memref<128x384xf32, #tpu.memory_space<vmem>>, vector<128x256xf32>
      %get3A_2776 = arith.constant 0 : index
      %get3A_2777 = arith.constant 256 : index
      %get3A_2778 = vector.load %arg1[%get3A_2776, %get3A_2777] : memref<128x384xf32, #tpu.memory_space<vmem>>, vector<128x8xf32>
      %iota3A = tpu.iota {dimensions = array<i32: 0>} : vector<1024x1xi32>
      %shift_right_arithmetic3A = arith.constant 3 : i32
      %shift_right_arithmetic3A_2779 = vector.broadcast %shift_right_arithmetic3A : i32 to vector<1024x1xi32>
      %shift_right_arithmetic3A_2780 = arith.shrsi %iota3A, %shift_right_arithmetic3A_2779 : vector<1024x1xi32>
      %iota3A_2781 = tpu.iota {dimensions = array<i32: 1>} : vector<1024x128xi32>
      %eq3A_2782 = vector.broadcast %shift_right_arithmetic3A_2780 : vector<1024x1xi32> to vector<1024x128xi32>
      %eq3A_2783 = arith.cmpi eq, %eq3A_2782, %iota3A_2781 : vector<1024x128xi32>
      %jit3A = arith.constant 1.000000e+00 : f32
      %jit3A_2784 = arith.constant 0.000000e+00 : f32
      %broadcast_in_dim3A_2785 = vector.broadcast %jit3A : f32 to vector<1024x128xf32>
      %broadcast_in_dim3A_2786 = vector.broadcast %jit3A_2784 : f32 to vector<1024x128xf32>
      %select_n3A_2787 = arith.select %eq3A_2783, %broadcast_in_dim3A_2785, %broadcast_in_dim3A_2786 : vector<1024x128xi1>, vector<1024x128xf32>
      %dot_general3A_2788 = arith.constant dense<0.000000e+00> : vector<1024x256xf32>
      %dot_general3A_2789 = tpu.matmul %select_n3A_2787, %get3A_2775, %dot_general3A_2788 {dimension_numbers = #tpu.dot_dimension_numbers<[1], [0], [0], [1], [0, 0, 1, 1], [], []>, transpose_lhs_hint = false} : vector<1024x128xf32>, vector<128x256xf32>, vector<1024x256xf32> -> vector<1024x256xf32>
      %and3A = arith.constant 7 : i32
      %and3A_2790 = vector.broadcast %and3A : i32 to vector<1024x1xi32>
      %and3A_2791 = arith.andi %iota3A, %and3A_2790 : vector<1024x1xi32>
      %broadcast_in_dim3A_2792 = arith.constant 0.000000e+00 : f32
      %broadcast_in_dim3A_2793 = vector.broadcast %broadcast_in_dim3A_2792 : f32 to vector<1024x32xf32>
      %eq3A_2794 = arith.constant 0 : i32
      %eq3A_2795 = vector.broadcast %eq3A_2794 : i32 to vector<1024x1xi32>
      %eq3A_2796 = arith.cmpi eq, %and3A_2791, %eq3A_2795 : vector<1024x1xi32>
      %slice3A = vector.extract_strided_slice %dot_general3A_2789 {offsets = [0, 0], sizes = [1024, 32], strides = [1, 1]} : vector<1024x256xf32> to vector<1024x32xf32>
      %jit3A_2797 = arith.constant 0.000000e+00 : f32
      %broadcast_in_dim3A_2798 = vector.shape_cast %eq3A_2796 : vector<1024x1xi1> to vector<1024x1xi1>
      %broadcast_in_dim3A_2799 = vector.broadcast %broadcast_in_dim3A_2798 : vector<1024x1xi1> to vector<1024x32xi1>
      %broadcast_in_dim3A_2800 = vector.broadcast %jit3A_2797 : f32 to vector<1024x32xf32>
      %select_n3A_2801 = arith.select %broadcast_in_dim3A_2799, %slice3A, %broadcast_in_dim3A_2800 : vector<1024x32xi1>, vector<1024x32xf32>
      %add3A_2802 = arith.addf %broadcast_in_dim3A_2793, %select_n3A_2801 : vector<1024x32xf32>
      %eq3A_2803 = arith.constant 1 : i32
      %eq3A_2804 = vector.broadcast %eq3A_2803 : i32 to vector<1024x1xi32>
      %eq3A_2805 = arith.cmpi eq, %and3A_2791, %eq3A_2804 : vector<1024x1xi32>
      %slice3A_2806 = vector.extract_strided_slice %dot_general3A_2789 {offsets = [0, 32], sizes = [1024, 32], strides = [1, 1]} : vector<1024x256xf32> to vector<1024x32xf32>
      %jit3A_2807 = arith.constant 0.000000e+00 : f32
      %broadcast_in_dim3A_2808 = vector.shape_cast %eq3A_2805 : vector<1024x1xi1> to vector<1024x1xi1>
      %broadcast_in_dim3A_2809 = vector.broadcast %broadcast_in_dim3A_2808 : vector<1024x1xi1> to vector<1024x32xi1>
      %broadcast_in_dim3A_2810 = vector.broadcast %jit3A_2807 : f32 to vector<1024x32xf32>
      %select_n3A_2811 = arith.select %broadcast_in_dim3A_2809, %slice3A_2806, %broadcast_in_dim3A_2810 : vector<1024x32xi1>, vector<1024x32xf32>
      %add3A_2812 = arith.addf %add3A_2802, %select_n3A_2811 : vector<1024x32xf32>
      %eq3A_2813 = arith.constant 2 : i32
      %eq3A_2814 = vector.broadcast %eq3A_2813 : i32 to vector<1024x1xi32>
      %eq3A_2815 = arith.cmpi eq, %and3A_2791, %eq3A_2814 : vector<1024x1xi32>
      %slice3A_2816 = vector.extract_strided_slice %dot_general3A_2789 {offsets = [0, 64], sizes = [1024, 32], strides = [1, 1]} : vector<1024x256xf32> to vector<1024x32xf32>
      %jit3A_2817 = arith.constant 0.000000e+00 : f32
      %broadcast_in_dim3A_2818 = vector.shape_cast %eq3A_2815 : vector<1024x1xi1> to vector<1024x1xi1>
      %broadcast_in_dim3A_2819 = vector.broadcast %broadcast_in_dim3A_2818 : vector<1024x1xi1> to vector<1024x32xi1>
      %broadcast_in_dim3A_2820 = vector.broadcast %jit3A_2817 : f32 to vector<1024x32xf32>
      %select_n3A_2821 = arith.select %broadcast_in_dim3A_2819, %slice3A_2816, %broadcast_in_dim3A_2820 : vector<1024x32xi1>, vector<1024x32xf32>
      %add3A_2822 = arith.addf %add3A_2812, %select_n3A_2821 : vector<1024x32xf32>
      %eq3A_2823 = arith.constant 3 : i32
      %eq3A_2824 = vector.broadcast %eq3A_2823 : i32 to vector<1024x1xi32>
      %eq3A_2825 = arith.cmpi eq, %and3A_2791, %eq3A_2824 : vector<1024x1xi32>
      %slice3A_2826 = vector.extract_strided_slice %dot_general3A_2789 {offsets = [0, 96], sizes = [1024, 32], strides = [1, 1]} : vector<1024x256xf32> to vector<1024x32xf32>
      %jit3A_2827 = arith.constant 0.000000e+00 : f32
      %broadcast_in_dim3A_2828 = vector.shape_cast %eq3A_2825 : vector<1024x1xi1> to vector<1024x1xi1>
      %broadcast_in_dim3A_2829 = vector.broadcast %broadcast_in_dim3A_2828 : vector<1024x1xi1> to vector<1024x32xi1>
      %broadcast_in_dim3A_2830 = vector.broadcast %jit3A_2827 : f32 to vector<1024x32xf32>
      %select_n3A_2831 = arith.select %broadcast_in_dim3A_2829, %slice3A_2826, %broadcast_in_dim3A_2830 : vector<1024x32xi1>, vector<1024x32xf32>
      %add3A_2832 = arith.addf %add3A_2822, %select_n3A_2831 : vector<1024x32xf32>
      %eq3A_2833 = arith.constant 4 : i32
      %eq3A_2834 = vector.broadcast %eq3A_2833 : i32 to vector<1024x1xi32>
      %eq3A_2835 = arith.cmpi eq, %and3A_2791, %eq3A_2834 : vector<1024x1xi32>
      %slice3A_2836 = vector.extract_strided_slice %dot_general3A_2789 {offsets = [0, 128], sizes = [1024, 32], strides = [1, 1]} : vector<1024x256xf32> to vector<1024x32xf32>
      %jit3A_2837 = arith.constant 0.000000e+00 : f32
      %broadcast_in_dim3A_2838 = vector.shape_cast %eq3A_2835 : vector<1024x1xi1> to vector<1024x1xi1>
      %broadcast_in_dim3A_2839 = vector.broadcast %broadcast_in_dim3A_2838 : vector<1024x1xi1> to vector<1024x32xi1>
      %broadcast_in_dim3A_2840 = vector.broadcast %jit3A_2837 : f32 to vector<1024x32xf32>
      %select_n3A_2841 = arith.select %broadcast_in_dim3A_2839, %slice3A_2836, %broadcast_in_dim3A_2840 : vector<1024x32xi1>, vector<1024x32xf32>
      %add3A_2842 = arith.addf %add3A_2832, %select_n3A_2841 : vector<1024x32xf32>
      %eq3A_2843 = arith.constant 5 : i32
      %eq3A_2844 = vector.broadcast %eq3A_2843 : i32 to vector<1024x1xi32>
      %eq3A_2845 = arith.cmpi eq, %and3A_2791, %eq3A_2844 : vector<1024x1xi32>
      %slice3A_2846 = vector.extract_strided_slice %dot_general3A_2789 {offsets = [0, 160], sizes = [1024, 32], strides = [1, 1]} : vector<1024x256xf32> to vector<1024x32xf32>
      %jit3A_2847 = arith.constant 0.000000e+00 : f32
      %broadcast_in_dim3A_2848 = vector.shape_cast %eq3A_2845 : vector<1024x1xi1> to vector<1024x1xi1>
      %broadcast_in_dim3A_2849 = vector.broadcast %broadcast_in_dim3A_2848 : vector<1024x1xi1> to vector<1024x32xi1>
      %broadcast_in_dim3A_2850 = vector.broadcast %jit3A_2847 : f32 to vector<1024x32xf32>
      %select_n3A_2851 = arith.select %broadcast_in_dim3A_2849, %slice3A_2846, %broadcast_in_dim3A_2850 : vector<1024x32xi1>, vector<1024x32xf32>
      %add3A_2852 = arith.addf %add3A_2842, %select_n3A_2851 : vector<1024x32xf32>
      %eq3A_2853 = arith.constant 6 : i32
      %eq3A_2854 = vector.broadcast %eq3A_2853 : i32 to vector<1024x1xi32>
      %eq3A_2855 = arith.cmpi eq, %and3A_2791, %eq3A_2854 : vector<1024x1xi32>
      %slice3A_2856 = vector.extract_strided_slice %dot_general3A_2789 {offsets = [0, 192], sizes = [1024, 32], strides = [1, 1]} : vector<1024x256xf32> to vector<1024x32xf32>
      %jit3A_2857 = arith.constant 0.000000e+00 : f32
      %broadcast_in_dim3A_2858 = vector.shape_cast %eq3A_2855 : vector<1024x1xi1> to vector<1024x1xi1>
      %broadcast_in_dim3A_2859 = vector.broadcast %broadcast_in_dim3A_2858 : vector<1024x1xi1> to vector<1024x32xi1>
      %broadcast_in_dim3A_2860 = vector.broadcast %jit3A_2857 : f32 to vector<1024x32xf32>
      %select_n3A_2861 = arith.select %broadcast_in_dim3A_2859, %slice3A_2856, %broadcast_in_dim3A_2860 : vector<1024x32xi1>, vector<1024x32xf32>
      %add3A_2862 = arith.addf %add3A_2852, %select_n3A_2861 : vector<1024x32xf32>
      %eq3A_2863 = arith.constant 7 : i32
      %eq3A_2864 = vector.broadcast %eq3A_2863 : i32 to vector<1024x1xi32>
      %eq3A_2865 = arith.cmpi eq, %and3A_2791, %eq3A_2864 : vector<1024x1xi32>
      %slice3A_2866 = vector.extract_strided_slice %dot_general3A_2789 {offsets = [0, 224], sizes = [1024, 32], strides = [1, 1]} : vector<1024x256xf32> to vector<1024x32xf32>
      %jit3A_2867 = arith.constant 0.000000e+00 : f32
      %broadcast_in_dim3A_2868 = vector.shape_cast %eq3A_2865 : vector<1024x1xi1> to vector<1024x1xi1>
      %broadcast_in_dim3A_2869 = vector.broadcast %broadcast_in_dim3A_2868 : vector<1024x1xi1> to vector<1024x32xi1>
      %broadcast_in_dim3A_2870 = vector.broadcast %jit3A_2867 : f32 to vector<1024x32xf32>
      %select_n3A_2871 = arith.select %broadcast_in_dim3A_2869, %slice3A_2866, %broadcast_in_dim3A_2870 : vector<1024x32xi1>, vector<1024x32xf32>
      %add3A_2872 = arith.addf %add3A_2862, %select_n3A_2871 : vector<1024x32xf32>
      %swap3A_2873 = arith.constant 0 : index
      %swap3A_2874 = arith.constant 0 : index
      %swap3A_2875 = vector.load %arg4[%swap3A_2873, %swap3A_2874] : memref<1024x32xf32, #tpu.memory_space<vmem>>, vector<1024x32xf32>
      tpu.vector_store %arg4[%swap3A_2873, %swap3A_2874], %add3A_2872 {strides = array<i32>} : memref<1024x32xf32, #tpu.memory_space<vmem>>, vector<1024x32xf32>,
      %dot_general3A_2876 = arith.constant dense<0.000000e+00> : vector<1024x8xf32>
      %dot_general3A_2877 = tpu.matmul %select_n3A_2787, %get3A_2778, %dot_general3A_2876 {dimension_numbers = #tpu.dot_dimension_numbers<[1], [0], [0], [1], [0, 0, 1, 1], [], []>, transpose_lhs_hint = false} : vector<1024x128xf32>, vector<128x8xf32>, vector<1024x8xf32> -> vector<1024x8xf32>
      %iota3A_2878 = tpu.iota {dimensions = array<i32: 1>} : vector<1024x8xi32>
      %eq3A_2879 = vector.broadcast %and3A_2791 : vector<1024x1xi32> to vector<1024x8xi32>
      %eq3A_2880 = arith.cmpi eq, %eq3A_2879, %iota3A_2878 : vector<1024x8xi32>
      %jit3A_2881 = arith.constant 0.000000e+00 : f32
      %broadcast_in_dim3A_2882 = vector.broadcast %jit3A_2881 : f32 to vector<1024x8xf32>
      %select_n3A_2883 = arith.select %eq3A_2880, %dot_general3A_2877, %broadcast_in_dim3A_2882 : vector<1024x8xi1>, vector<1024x8xf32>
      %reduce_sum3A = arith.constant dense<0.000000e+00> : vector<1024xf32>
      %reduce_sum3A_2884 = vector.multi_reduction <add>, %select_n3A_2883, %reduce_sum3A [1] : vector<1024x8xf32> to vector<1024xf32>
      %broadcast_in_dim3A_2885 = vector.shape_cast %reduce_sum3A_2884 : vector<1024xf32> to vector<1024x1xf32>
      %swap3A_2886 = arith.constant 0 : index
      %swap3A_2887 = arith.constant 0 : index
      %swap3A_2888 = vector.load %arg5[%swap3A_2886, %swap3A_2887] : memref<1024x1xf32, #tpu.memory_space<vmem>>, vector<1024x1xf32>
      tpu.vector_store %arg5[%swap3A_2886, %swap3A_2887], %broadcast_in_dim3A_2885 {strides = array<i32>} : memref<1024x1xf32, #tpu.memory_space<vmem>>, vector<1024x1xf32>,
      %iota3A_2889 = tpu.iota {dimensions = array<i32: 0>} : vector<1024x512xi32>
      %iota3A_2890 = tpu.iota {dimensions = array<i32: 1>} : vector<1024x512xi32>
      %shift_right_arithmetic3A_2891 = arith.constant 3 : i32
      %shift_right_arithmetic3A_2892 = vector.broadcast %shift_right_arithmetic3A_2891 : i32 to vector<1024x512xi32>
      %shift_right_arithmetic3A_2893 = arith.shrsi %iota3A_2889, %shift_right_arithmetic3A_2892 : vector<1024x512xi32>
      %shift_left3A_2894 = arith.constant 14 : i32
      %shift_left3A_2895 = vector.broadcast %shift_left3A_2894 : i32 to vector<1024x512xi32>
      %shift_left3A_2896 = arith.shli %shift_right_arithmetic3A_2893, %shift_left3A_2895 : vector<1024x512xi32>
      %shift_left3A_2897 = arith.constant 3 : i32
      %shift_left3A_2898 = vector.broadcast %shift_left3A_2897 : i32 to vector<1024x512xi32>
      %shift_left3A_2899 = arith.shli %iota3A_2890, %shift_left3A_2898 : vector<1024x512xi32>
      %add3A_2900 = arith.addi %shift_left3A_2896, %shift_left3A_2899 : vector<1024x512xi32>
      %and3A_2901 = arith.constant 7 : i32
      %and3A_2902 = vector.broadcast %and3A_2901 : i32 to vector<1024x512xi32>
      %and3A_2903 = arith.andi %iota3A_2889, %and3A_2902 : vector<1024x512xi32>
      %add3A_2904 = arith.addi %add3A_2900, %and3A_2903 : vector<1024x512xi32>
      %swap3A_2905 = arith.constant 0 : index
      %swap3A_2906 = arith.constant 0 : index
      %swap3A_2907 = vector.load %arg6[%swap3A_2905, %swap3A_2906] : memref<1024x512xi32, #tpu.memory_space<vmem>>, vector<1024x512xi32>
      tpu.vector_store %arg6[%swap3A_2905, %swap3A_2906], %add3A_2904 {strides = array<i32>} : memref<1024x512xi32, #tpu.memory_space<vmem>>, vector<1024x512xi32>,
    } else {
    }
    %mul3A = arith.constant 4096 : i32
    %mul3A_2 = arith.muli %arg0, %mul3A : i32
    %get3A = arith.constant 0 : index
    %get3A_3 = arith.constant 0 : index
    %get3A_4 = vector.load %arg2[%get3A, %get3A_3] : memref<512x32xf32, #tpu.memory_space<vmem>>, vector<512x32xf32>
    %get3A_5 = arith.constant 0 : index
    %get3A_6 = arith.constant 0 : index
    %get3A_7 = vector.load %arg6[%get3A_5, %get3A_6] : memref<1024x512xi32, #tpu.memory_space<vmem>>, vector<128x512xi32>
    %add3A = vector.broadcast %mul3A_2 : i32 to vector<128x512xi32>
    %add3A_8 = arith.addi %get3A_7, %add3A : vector<128x512xi32>
    %add3A_9 = arith.constant -1314375903 : i32
    %add3A_10 = vector.broadcast %add3A_9 : i32 to vector<128x512xi32>
    %add3A_11 = arith.addi %add3A_8, %add3A_10 : vector<128x512xi32>
    %add3A_12 = arith.constant -1378843660 : i32
    %add3A_13 = vector.broadcast %add3A_12 : i32 to vector<128x512xi32>
    %add3A_14 = arith.addi %add3A_8, %add3A_13 : vector<128x512xi32>
    %shift_left3A = arith.constant 13 : i32
    %shift_left3A_15 = vector.broadcast %shift_left3A : i32 to vector<128x512xi32>
    %shift_left3A_16 = arith.shli %add3A_14, %shift_left3A_15 : vector<128x512xi32>
    %shift_right_logical3A = arith.constant 19 : i32
    %shift_right_logical3A_17 = vector.broadcast %shift_right_logical3A : i32 to vector<128x512xi32>
    %shift_right_logical3A_18 = arith.shrui %add3A_14, %shift_right_logical3A_17 : vector<128x512xi32>
    %or3A = arith.ori %shift_left3A_16, %shift_right_logical3A_18 : vector<128x512xi32>
    %xor3A = arith.xori %or3A, %add3A_11 : vector<128x512xi32>
    %add3A_19 = arith.addi %add3A_11, %xor3A : vector<128x512xi32>
    %shift_left3A_20 = arith.constant 15 : i32
    %shift_left3A_21 = vector.broadcast %shift_left3A_20 : i32 to vector<128x512xi32>
    %shift_left3A_22 = arith.shli %xor3A, %shift_left3A_21 : vector<128x512xi32>
    %shift_right_logical3A_23 = arith.constant 17 : i32
    %shift_right_logical3A_24 = vector.broadcast %shift_right_logical3A_23 : i32 to vector<128x512xi32>
    %shift_right_logical3A_25 = arith.shrui %xor3A, %shift_right_logical3A_24 : vector<128x512xi32>
    %or3A_26 = arith.ori %shift_left3A_22, %shift_right_logical3A_25 : vector<128x512xi32>
    %xor3A_27 = arith.xori %or3A_26, %add3A_19 : vector<128x512xi32>
    %add3A_28 = arith.addi %add3A_19, %xor3A_27 : vector<128x512xi32>
    %shift_left3A_29 = arith.constant 26 : i32
    %shift_left3A_30 = vector.broadcast %shift_left3A_29 : i32 to vector<128x512xi32>
    %shift_left3A_31 = arith.shli %xor3A_27, %shift_left3A_30 : vector<128x512xi32>
    %shift_right_logical3A_32 = arith.constant 6 : i32
    %shift_right_logical3A_33 = vector.broadcast %shift_right_logical3A_32 : i32 to vector<128x512xi32>
    %shift_right_logical3A_34 = arith.shrui %xor3A_27, %shift_right_logical3A_33 : vector<128x512xi32>
    %or3A_35 = arith.ori %shift_left3A_31, %shift_right_logical3A_34 : vector<128x512xi32>
    %xor3A_36 = arith.xori %or3A_35, %add3A_28 : vector<128x512xi32>
    %add3A_37 = arith.addi %add3A_28, %xor3A_36 : vector<128x512xi32>
    %shift_left3A_38 = arith.constant 6 : i32
    %shift_left3A_39 = vector.broadcast %shift_left3A_38 : i32 to vector<128x512xi32>
    %shift_left3A_40 = arith.shli %xor3A_36, %shift_left3A_39 : vector<128x512xi32>
    %shift_right_logical3A_41 = arith.constant 26 : i32
    %shift_right_logical3A_42 = vector.broadcast %shift_right_logical3A_41 : i32 to vector<128x512xi32>
    %shift_right_logical3A_43 = arith.shrui %xor3A_36, %shift_right_logical3A_42 : vector<128x512xi32>
    %or3A_44 = arith.ori %shift_left3A_40, %shift_right_logical3A_43 : vector<128x512xi32>
    %xor3A_45 = arith.xori %or3A_44, %add3A_37 : vector<128x512xi32>
    %add3A_46 = arith.constant -1378843660 : i32
    %add3A_47 = vector.broadcast %add3A_46 : i32 to vector<128x512xi32>
    %add3A_48 = arith.addi %add3A_37, %add3A_47 : vector<128x512xi32>
    %add3A_49 = arith.constant -1244255484 : i32
    %add3A_50 = vector.broadcast %add3A_49 : i32 to vector<128x512xi32>
    %add3A_51 = arith.addi %xor3A_45, %add3A_50 : vector<128x512xi32>
    %add3A_52 = arith.addi %add3A_48, %add3A_51 : vector<128x512xi32>
    %shift_left3A_53 = arith.constant 17 : i32
    %shift_left3A_54 = vector.broadcast %shift_left3A_53 : i32 to vector<128x512xi32>
    %shift_left3A_55 = arith.shli %add3A_51, %shift_left3A_54 : vector<128x512xi32>
    %shift_right_logical3A_56 = arith.constant 15 : i32
    %shift_right_logical3A_57 = vector.broadcast %shift_right_logical3A_56 : i32 to vector<128x512xi32>
    %shift_right_logical3A_58 = arith.shrui %add3A_51, %shift_right_logical3A_57 : vector<128x512xi32>
    %or3A_59 = arith.ori %shift_left3A_55, %shift_right_logical3A_58 : vector<128x512xi32>
    %xor3A_60 = arith.xori %or3A_59, %add3A_52 : vector<128x512xi32>
    %add3A_61 = arith.addi %add3A_52, %xor3A_60 : vector<128x512xi32>
    %shift_left3A_62 = arith.constant 29 : i32
    %shift_left3A_63 = vector.broadcast %shift_left3A_62 : i32 to vector<128x512xi32>
    %shift_left3A_64 = arith.shli %xor3A_60, %shift_left3A_63 : vector<128x512xi32>
    %shift_right_logical3A_65 = arith.constant 3 : i32
    %shift_right_logical3A_66 = vector.broadcast %shift_right_logical3A_65 : i32 to vector<128x512xi32>
    %shift_right_logical3A_67 = arith.shrui %xor3A_60, %shift_right_logical3A_66 : vector<128x512xi32>
    %or3A_68 = arith.ori %shift_left3A_64, %shift_right_logical3A_67 : vector<128x512xi32>
    %xor3A_69 = arith.xori %or3A_68, %add3A_61 : vector<128x512xi32>
    %add3A_70 = arith.addi %add3A_61, %xor3A_69 : vector<128x512xi32>
    %shift_left3A_71 = arith.constant 16 : i32
    %shift_left3A_72 = vector.broadcast %shift_left3A_71 : i32 to vector<128x512xi32>
    %shift_left3A_73 = arith.shli %xor3A_69, %shift_left3A_72 : vector<128x512xi32>
    %shift_right_logical3A_74 = arith.constant 16 : i32
    %shift_right_logical3A_75 = vector.broadcast %shift_right_logical3A_74 : i32 to vector<128x512xi32>
    %shift_right_logical3A_76 = arith.shrui %xor3A_69, %shift_right_logical3A_75 : vector<128x512xi32>
    %or3A_77 = arith.ori %shift_left3A_73, %shift_right_logical3A_76 : vector<128x512xi32>
    %xor3A_78 = arith.xori %or3A_77, %add3A_70 : vector<128x512xi32>
    %add3A_79 = arith.addi %add3A_70, %xor3A_78 : vector<128x512xi32>
    %shift_left3A_80 = arith.constant 24 : i32
    %shift_left3A_81 = vector.broadcast %shift_left3A_80 : i32 to vector<128x512xi32>
    %shift_left3A_82 = arith.shli %xor3A_78, %shift_left3A_81 : vector<128x512xi32>
    %shift_right_logical3A_83 = arith.constant 8 : i32
    %shift_right_logical3A_84 = vector.broadcast %shift_right_logical3A_83 : i32 to vector<128x512xi32>
    %shift_right_logical3A_85 = arith.shrui %xor3A_78, %shift_right_logical3A_84 : vector<128x512xi32>
    %or3A_86 = arith.ori %shift_left3A_82, %shift_right_logical3A_85 : vector<128x512xi32>
    %xor3A_87 = arith.xori %or3A_86, %add3A_79 : vector<128x512xi32>
    %add3A_88 = arith.constant -1244255485 : i32
    %add3A_89 = vector.broadcast %add3A_88 : i32 to vector<128x512xi32>
    %add3A_90 = arith.addi %add3A_79, %add3A_89 : vector<128x512xi32>
    %add3A_91 = arith.constant 64467759 : i32
    %add3A_92 = vector.broadcast %add3A_91 : i32 to vector<128x512xi32>
    %add3A_93 = arith.addi %xor3A_87, %add3A_92 : vector<128x512xi32>
    %add3A_94 = arith.addi %add3A_90, %add3A_93 : vector<128x512xi32>
    %shift_left3A_95 = arith.constant 13 : i32
    %shift_left3A_96 = vector.broadcast %shift_left3A_95 : i32 to vector<128x512xi32>
    %shift_left3A_97 = arith.shli %add3A_93, %shift_left3A_96 : vector<128x512xi32>
    %shift_right_logical3A_98 = arith.constant 19 : i32
    %shift_right_logical3A_99 = vector.broadcast %shift_right_logical3A_98 : i32 to vector<128x512xi32>
    %shift_right_logical3A_100 = arith.shrui %add3A_93, %shift_right_logical3A_99 : vector<128x512xi32>
    %or3A_101 = arith.ori %shift_left3A_97, %shift_right_logical3A_100 : vector<128x512xi32>
    %xor3A_102 = arith.xori %or3A_101, %add3A_94 : vector<128x512xi32>
    %add3A_103 = arith.addi %add3A_94, %xor3A_102 : vector<128x512xi32>
    %shift_left3A_104 = arith.constant 15 : i32
    %shift_left3A_105 = vector.broadcast %shift_left3A_104 : i32 to vector<128x512xi32>
    %shift_left3A_106 = arith.shli %xor3A_102, %shift_left3A_105 : vector<128x512xi32>
    %shift_right_logical3A_107 = arith.constant 17 : i32
    %shift_right_logical3A_108 = vector.broadcast %shift_right_logical3A_107 : i32 to vector<128x512xi32>
    %shift_right_logical3A_109 = arith.shrui %xor3A_102, %shift_right_logical3A_108 : vector<128x512xi32>
    %or3A_110 = arith.ori %shift_left3A_106, %shift_right_logical3A_109 : vector<128x512xi32>
    %xor3A_111 = arith.xori %or3A_110, %add3A_103 : vector<128x512xi32>
    %add3A_112 = arith.addi %add3A_103, %xor3A_111 : vector<128x512xi32>
    %shift_left3A_113 = arith.constant 26 : i32
    %shift_left3A_114 = vector.broadcast %shift_left3A_113 : i32 to vector<128x512xi32>
    %shift_left3A_115 = arith.shli %xor3A_111, %shift_left3A_114 : vector<128x512xi32>
    %shift_right_logical3A_116 = arith.constant 6 : i32
    %shift_right_logical3A_117 = vector.broadcast %shift_right_logical3A_116 : i32 to vector<128x512xi32>
    %shift_right_logical3A_118 = arith.shrui %xor3A_111, %shift_right_logical3A_117 : vector<128x512xi32>
    %or3A_119 = arith.ori %shift_left3A_115, %shift_right_logical3A_118 : vector<128x512xi32>
    %xor3A_120 = arith.xori %or3A_119, %add3A_112 : vector<128x512xi32>
    %add3A_121 = arith.addi %add3A_112, %xor3A_120 : vector<128x512xi32>
    %shift_left3A_122 = arith.constant 6 : i32
    %shift_left3A_123 = vector.broadcast %shift_left3A_122 : i32 to vector<128x512xi32>
    %shift_left3A_124 = arith.shli %xor3A_120, %shift_left3A_123 : vector<128x512xi32>
    %shift_right_logical3A_125 = arith.constant 26 : i32
    %shift_right_logical3A_126 = vector.broadcast %shift_right_logical3A_125 : i32 to vector<128x512xi32>
    %shift_right_logical3A_127 = arith.shrui %xor3A_120, %shift_right_logical3A_126 : vector<128x512xi32>
    %or3A_128 = arith.ori %shift_left3A_124, %shift_right_logical3A_127 : vector<128x512xi32>
    %xor3A_129 = arith.xori %or3A_128, %add3A_121 : vector<128x512xi32>
    %add3A_130 = arith.constant 64467757 : i32
    %add3A_131 = vector.broadcast %add3A_130 : i32 to vector<128x512xi32>
    %add3A_132 = arith.addi %add3A_121, %add3A_131 : vector<128x512xi32>
    %add3A_133 = arith.constant -1378843657 : i32
    %add3A_134 = vector.broadcast %add3A_133 : i32 to vector<128x512xi32>
    %add3A_135 = arith.addi %xor3A_129, %add3A_134 : vector<128x512xi32>
    %add3A_136 = arith.addi %add3A_132, %add3A_135 : vector<128x512xi32>
    %shift_left3A_137 = arith.constant 17 : i32
    %shift_left3A_138 = vector.broadcast %shift_left3A_137 : i32 to vector<128x512xi32>
    %shift_left3A_139 = arith.shli %add3A_135, %shift_left3A_138 : vector<128x512xi32>
    %shift_right_logical3A_140 = arith.constant 15 : i32
    %shift_right_logical3A_141 = vector.broadcast %shift_right_logical3A_140 : i32 to vector<128x512xi32>
    %shift_right_logical3A_142 = arith.shrui %add3A_135, %shift_right_logical3A_141 : vector<128x512xi32>
    %or3A_143 = arith.ori %shift_left3A_139, %shift_right_logical3A_142 : vector<128x512xi32>
    %xor3A_144 = arith.xori %or3A_143, %add3A_136 : vector<128x512xi32>
    %add3A_145 = arith.addi %add3A_136, %xor3A_144 : vector<128x512xi32>
    %shift_left3A_146 = arith.constant 29 : i32
    %shift_left3A_147 = vector.broadcast %shift_left3A_146 : i32 to vector<128x512xi32>
    %shift_left3A_148 = arith.shli %xor3A_144, %shift_left3A_147 : vector<128x512xi32>
    %shift_right_logical3A_149 = arith.constant 3 : i32
    %shift_right_logical3A_150 = vector.broadcast %shift_right_logical3A_149 : i32 to vector<128x512xi32>
    %shift_right_logical3A_151 = arith.shrui %xor3A_144, %shift_right_logical3A_150 : vector<128x512xi32>
    %or3A_152 = arith.ori %shift_left3A_148, %shift_right_logical3A_151 : vector<128x512xi32>
    %xor3A_153 = arith.xori %or3A_152, %add3A_145 : vector<128x512xi32>
    %add3A_154 = arith.addi %add3A_145, %xor3A_153 : vector<128x512xi32>
    %shift_left3A_155 = arith.constant 16 : i32
    %shift_left3A_156 = vector.broadcast %shift_left3A_155 : i32 to vector<128x512xi32>
    %shift_left3A_157 = arith.shli %xor3A_153, %shift_left3A_156 : vector<128x512xi32>
    %shift_right_logical3A_158 = arith.constant 16 : i32
    %shift_right_logical3A_159 = vector.broadcast %shift_right_logical3A_158 : i32 to vector<128x512xi32>
    %shift_right_logical3A_160 = arith.shrui %xor3A_153, %shift_right_logical3A_159 : vector<128x512xi32>
    %or3A_161 = arith.ori %shift_left3A_157, %shift_right_logical3A_160 : vector<128x512xi32>
    %xor3A_162 = arith.xori %or3A_161, %add3A_154 : vector<128x512xi32>
    %add3A_163 = arith.addi %add3A_154, %xor3A_162 : vector<128x512xi32>
    %shift_left3A_164 = arith.constant 24 : i32
    %shift_left3A_165 = vector.broadcast %shift_left3A_164 : i32 to vector<128x512xi32>
    %shift_left3A_166 = arith.shli %xor3A_162, %shift_left3A_165 : vector<128x512xi32>
    %shift_right_logical3A_167 = arith.constant 8 : i32
    %shift_right_logical3A_168 = vector.broadcast %shift_right_logical3A_167 : i32 to vector<128x512xi32>
    %shift_right_logical3A_169 = arith.shrui %xor3A_162, %shift_right_logical3A_168 : vector<128x512xi32>
    %or3A_170 = arith.ori %shift_left3A_166, %shift_right_logical3A_169 : vector<128x512xi32>
    %xor3A_171 = arith.xori %or3A_170, %add3A_163 : vector<128x512xi32>
    %add3A_172 = arith.constant -1378843660 : i32
    %add3A_173 = vector.broadcast %add3A_172 : i32 to vector<128x512xi32>
    %add3A_174 = arith.addi %add3A_163, %add3A_173 : vector<128x512xi32>
    %add3A_175 = arith.constant -1244255481 : i32
    %add3A_176 = vector.broadcast %add3A_175 : i32 to vector<128x512xi32>
    %add3A_177 = arith.addi %xor3A_171, %add3A_176 : vector<128x512xi32>
    %add3A_178 = arith.addi %add3A_174, %add3A_177 : vector<128x512xi32>
    %shift_left3A_179 = arith.constant 13 : i32
    %shift_left3A_180 = vector.broadcast %shift_left3A_179 : i32 to vector<128x512xi32>
    %shift_left3A_181 = arith.shli %add3A_177, %shift_left3A_180 : vector<128x512xi32>
    %shift_right_logical3A_182 = arith.constant 19 : i32
    %shift_right_logical3A_183 = vector.broadcast %shift_right_logical3A_182 : i32 to vector<128x512xi32>
    %shift_right_logical3A_184 = arith.shrui %add3A_177, %shift_right_logical3A_183 : vector<128x512xi32>
    %or3A_185 = arith.ori %shift_left3A_181, %shift_right_logical3A_184 : vector<128x512xi32>
    %xor3A_186 = arith.xori %or3A_185, %add3A_178 : vector<128x512xi32>
    %add3A_187 = arith.addi %add3A_178, %xor3A_186 : vector<128x512xi32>
    %shift_left3A_188 = arith.constant 15 : i32
    %shift_left3A_189 = vector.broadcast %shift_left3A_188 : i32 to vector<128x512xi32>
    %shift_left3A_190 = arith.shli %xor3A_186, %shift_left3A_189 : vector<128x512xi32>
    %shift_right_logical3A_191 = arith.constant 17 : i32
    %shift_right_logical3A_192 = vector.broadcast %shift_right_logical3A_191 : i32 to vector<128x512xi32>
    %shift_right_logical3A_193 = arith.shrui %xor3A_186, %shift_right_logical3A_192 : vector<128x512xi32>
    %or3A_194 = arith.ori %shift_left3A_190, %shift_right_logical3A_193 : vector<128x512xi32>
    %xor3A_195 = arith.xori %or3A_194, %add3A_187 : vector<128x512xi32>
    %add3A_196 = arith.addi %add3A_187, %xor3A_195 : vector<128x512xi32>
    %shift_left3A_197 = arith.constant 26 : i32
    %shift_left3A_198 = vector.broadcast %shift_left3A_197 : i32 to vector<128x512xi32>
    %shift_left3A_199 = arith.shli %xor3A_195, %shift_left3A_198 : vector<128x512xi32>
    %shift_right_logical3A_200 = arith.constant 6 : i32
    %shift_right_logical3A_201 = vector.broadcast %shift_right_logical3A_200 : i32 to vector<128x512xi32>
    %shift_right_logical3A_202 = arith.shrui %xor3A_195, %shift_right_logical3A_201 : vector<128x512xi32>
    %or3A_203 = arith.ori %shift_left3A_199, %shift_right_logical3A_202 : vector<128x512xi32>
    %xor3A_204 = arith.xori %or3A_203, %add3A_196 : vector<128x512xi32>
    %add3A_205 = arith.addi %add3A_196, %xor3A_204 : vector<128x512xi32>
    %shift_left3A_206 = arith.constant 6 : i32
    %shift_left3A_207 = vector.broadcast %shift_left3A_206 : i32 to vector<128x512xi32>
    %shift_left3A_208 = arith.shli %xor3A_204, %shift_left3A_207 : vector<128x512xi32>
    %shift_right_logical3A_209 = arith.constant 26 : i32
    %shift_right_logical3A_210 = vector.broadcast %shift_right_logical3A_209 : i32 to vector<128x512xi32>
    %shift_right_logical3A_211 = arith.shrui %xor3A_204, %shift_right_logical3A_210 : vector<128x512xi32>
    %or3A_212 = arith.ori %shift_left3A_208, %shift_right_logical3A_211 : vector<128x512xi32>
    %xor3A_213 = arith.xori %or3A_212, %add3A_205 : vector<128x512xi32>
    %add3A_214 = arith.constant -1244255485 : i32
    %add3A_215 = vector.broadcast %add3A_214 : i32 to vector<128x512xi32>
    %add3A_216 = arith.addi %add3A_205, %add3A_215 : vector<128x512xi32>
    %add3A_217 = arith.constant 64467762 : i32
    %add3A_218 = vector.broadcast %add3A_217 : i32 to vector<128x512xi32>
    %add3A_219 = arith.addi %xor3A_213, %add3A_218 : vector<128x512xi32>
    %xor3A_220 = arith.xori %add3A_216, %add3A_219 : vector<128x512xi32>
    %shift_right_logical3A_221 = arith.constant 9 : i32
    %shift_right_logical3A_222 = vector.broadcast %shift_right_logical3A_221 : i32 to vector<128x512xi32>
    %shift_right_logical3A_223 = arith.shrui %xor3A_220, %shift_right_logical3A_222 : vector<128x512xi32>
    %or3A_224 = arith.constant 1065353216 : i32
    %or3A_225 = vector.broadcast %or3A_224 : i32 to vector<128x512xi32>
    %or3A_226 = arith.ori %shift_right_logical3A_223, %or3A_225 : vector<128x512xi32>
    %bitcast_convert_type3A = tpu.bitcast %or3A_226 : vector<128x512xi32> -> vector<128x512xf32>
    %sub3A = arith.constant 1.000000e+00 : f32
    %sub3A_227 = vector.broadcast %sub3A : f32 to vector<128x512xf32>
    %sub3A_228 = arith.subf %bitcast_convert_type3A, %sub3A_227 : vector<128x512xf32>
    %mul3A_229 = arith.constant 2.000000e+00 : f32
    %mul3A_230 = vector.broadcast %mul3A_229 : f32 to vector<128x512xf32>
    %mul3A_231 = arith.mulf %sub3A_228, %mul3A_230 : vector<128x512xf32>
    %add3A_232 = arith.constant -0.99999994 : f32
    %add3A_233 = vector.broadcast %add3A_232 : f32 to vector<128x512xf32>
    %add3A_234 = arith.addf %mul3A_231, %add3A_233 : vector<128x512xf32>
    %max3A = arith.constant -0.99999994 : f32
    %max3A_235 = vector.broadcast %max3A : f32 to vector<128x512xf32>
    %max3A_236 = arith.maximumf %max3A_235, %add3A_234 : vector<128x512xf32>
    %sub3A_237 = arith.constant 1.000000e+00 : f32
    %sub3A_238 = vector.broadcast %sub3A_237 : f32 to vector<128x512xf32>
    %sub3A_239 = arith.subf %sub3A_238, %max3A_236 : vector<128x512xf32>
    %add3A_240 = arith.constant 1.000000e+00 : f32
    %add3A_241 = vector.broadcast %add3A_240 : f32 to vector<128x512xf32>
    %add3A_242 = arith.addf %add3A_241, %max3A_236 : vector<128x512xf32>
    %mul3A_243 = arith.mulf %sub3A_239, %add3A_242 : vector<128x512xf32>
    %log3A = math.log %mul3A_243 : vector<128x512xf32>
    %neg3A = arith.constant 0.000000e+00 : f32
    %neg3A_244 = vector.broadcast %neg3A : f32 to vector<128x512xf32>
    %neg3A_245 = arith.subf %neg3A_244, %log3A : vector<128x512xf32>
    %sub3A_246 = arith.constant 2.500000e+00 : f32
    %sub3A_247 = vector.broadcast %sub3A_246 : f32 to vector<128x512xf32>
    %sub3A_248 = arith.subf %neg3A_245, %sub3A_247 : vector<128x512xf32>
    %broadcast_in_dim3A = arith.constant 2.81022636E-8 : f32
    %broadcast_in_dim3A_249 = vector.broadcast %broadcast_in_dim3A : f32 to vector<128x512xf32>
    %mul3A_250 = arith.mulf %broadcast_in_dim3A_249, %sub3A_248 : vector<128x512xf32>
    %add3A_251 = arith.constant 3.43273939E-7 : f32
    %add3A_252 = vector.broadcast %add3A_251 : f32 to vector<128x512xf32>
    %add3A_253 = arith.addf %add3A_252, %mul3A_250 : vector<128x512xf32>
    %mul3A_254 = arith.mulf %add3A_253, %sub3A_248 : vector<128x512xf32>
    %add3A_255 = arith.constant -3.5233877E-6 : f32
    %add3A_256 = vector.broadcast %add3A_255 : f32 to vector<128x512xf32>
    %add3A_257 = arith.addf %add3A_256, %mul3A_254 : vector<128x512xf32>
    %mul3A_258 = arith.mulf %add3A_257, %sub3A_248 : vector<128x512xf32>
    %add3A_259 = arith.constant -4.39150654E-6 : f32
    %add3A_260 = vector.broadcast %add3A_259 : f32 to vector<128x512xf32>
    %add3A_261 = arith.addf %add3A_260, %mul3A_258 : vector<128x512xf32>
    %mul3A_262 = arith.mulf %add3A_261, %sub3A_248 : vector<128x512xf32>
    %add3A_263 = arith.constant 2.1858087E-4 : f32
    %add3A_264 = vector.broadcast %add3A_263 : f32 to vector<128x512xf32>
    %add3A_265 = arith.addf %add3A_264, %mul3A_262 : vector<128x512xf32>
    %mul3A_266 = arith.mulf %add3A_265, %sub3A_248 : vector<128x512xf32>
    %add3A_267 = arith.constant -0.00125372503 : f32
    %add3A_268 = vector.broadcast %add3A_267 : f32 to vector<128x512xf32>
    %add3A_269 = arith.addf %add3A_268, %mul3A_266 : vector<128x512xf32>
    %mul3A_270 = arith.mulf %add3A_269, %sub3A_248 : vector<128x512xf32>
    %add3A_271 = arith.constant -0.00417768164 : f32
    %add3A_272 = vector.broadcast %add3A_271 : f32 to vector<128x512xf32>
    %add3A_273 = arith.addf %add3A_272, %mul3A_270 : vector<128x512xf32>
    %mul3A_274 = arith.mulf %add3A_273, %sub3A_248 : vector<128x512xf32>
    %add3A_275 = arith.constant 0.246640727 : f32
    %add3A_276 = vector.broadcast %add3A_275 : f32 to vector<128x512xf32>
    %add3A_277 = arith.addf %add3A_276, %mul3A_274 : vector<128x512xf32>
    %mul3A_278 = arith.mulf %add3A_277, %sub3A_248 : vector<128x512xf32>
    %add3A_279 = arith.constant 1.50140941 : f32
    %add3A_280 = vector.broadcast %add3A_279 : f32 to vector<128x512xf32>
    %add3A_281 = arith.addf %add3A_280, %mul3A_278 : vector<128x512xf32>
    %sqrt3A = math.sqrt %neg3A_245 : vector<128x512xf32>
    %sub3A_282 = arith.constant 3.000000e+00 : f32
    %sub3A_283 = vector.broadcast %sub3A_282 : f32 to vector<128x512xf32>
    %sub3A_284 = arith.subf %sqrt3A, %sub3A_283 : vector<128x512xf32>
    %broadcast_in_dim3A_285 = arith.constant -2.00214257E-4 : f32
    %broadcast_in_dim3A_286 = vector.broadcast %broadcast_in_dim3A_285 : f32 to vector<128x512xf32>
    %mul3A_287 = arith.mulf %broadcast_in_dim3A_286, %sub3A_284 : vector<128x512xf32>
    %add3A_288 = arith.constant 1.00950558E-4 : f32
    %add3A_289 = vector.broadcast %add3A_288 : f32 to vector<128x512xf32>
    %add3A_290 = arith.addf %add3A_289, %mul3A_287 : vector<128x512xf32>
    %mul3A_291 = arith.mulf %add3A_290, %sub3A_284 : vector<128x512xf32>
    %add3A_292 = arith.constant 0.00134934322 : f32
    %add3A_293 = vector.broadcast %add3A_292 : f32 to vector<128x512xf32>
    %add3A_294 = arith.addf %add3A_293, %mul3A_291 : vector<128x512xf32>
    %mul3A_295 = arith.mulf %add3A_294, %sub3A_284 : vector<128x512xf32>
    %add3A_296 = arith.constant -0.00367342844 : f32
    %add3A_297 = vector.broadcast %add3A_296 : f32 to vector<128x512xf32>
    %add3A_298 = arith.addf %add3A_297, %mul3A_295 : vector<128x512xf32>
    %mul3A_299 = arith.mulf %add3A_298, %sub3A_284 : vector<128x512xf32>
    %add3A_300 = arith.constant 0.00573950773 : f32
    %add3A_301 = vector.broadcast %add3A_300 : f32 to vector<128x512xf32>
    %add3A_302 = arith.addf %add3A_301, %mul3A_299 : vector<128x512xf32>
    %mul3A_303 = arith.mulf %add3A_302, %sub3A_284 : vector<128x512xf32>
    %add3A_304 = arith.constant -0.0076224613 : f32
    %add3A_305 = vector.broadcast %add3A_304 : f32 to vector<128x512xf32>
    %add3A_306 = arith.addf %add3A_305, %mul3A_303 : vector<128x512xf32>
    %mul3A_307 = arith.mulf %add3A_306, %sub3A_284 : vector<128x512xf32>
    %add3A_308 = arith.constant 0.00943887047 : f32
    %add3A_309 = vector.broadcast %add3A_308 : f32 to vector<128x512xf32>
    %add3A_310 = arith.addf %add3A_309, %mul3A_307 : vector<128x512xf32>
    %mul3A_311 = arith.mulf %add3A_310, %sub3A_284 : vector<128x512xf32>
    %add3A_312 = arith.constant 1.00167406 : f32
    %add3A_313 = vector.broadcast %add3A_312 : f32 to vector<128x512xf32>
    %add3A_314 = arith.addf %add3A_313, %mul3A_311 : vector<128x512xf32>
    %mul3A_315 = arith.mulf %add3A_314, %sub3A_284 : vector<128x512xf32>
    %add3A_316 = arith.constant 2.83297682 : f32
    %add3A_317 = vector.broadcast %add3A_316 : f32 to vector<128x512xf32>
    %add3A_318 = arith.addf %add3A_317, %mul3A_315 : vector<128x512xf32>
    %lt3A = arith.constant 5.000000e+00 : f32
    %lt3A_319 = vector.broadcast %lt3A : f32 to vector<128x512xf32>
    %lt3A_320 = arith.cmpf olt, %neg3A_245, %lt3A_319 : vector<128x512xf32>
    %select_n3A = arith.select %lt3A_320, %add3A_281, %add3A_318 : vector<128x512xi1>, vector<128x512xf32>
    %mul3A_321 = arith.mulf %select_n3A, %max3A_236 : vector<128x512xf32>
    %mul3A_322 = arith.constant 1.41421354 : f32
    %mul3A_323 = vector.broadcast %mul3A_322 : f32 to vector<128x512xf32>
    %mul3A_324 = arith.mulf %mul3A_323, %mul3A_321 : vector<128x512xf32>
    %get3A_325 = arith.constant 0 : index
    %get3A_326 = arith.constant 0 : index
    %get3A_327 = vector.load %arg4[%get3A_325, %get3A_326] : memref<1024x32xf32, #tpu.memory_space<vmem>>, vector<128x32xf32>
    %dot_general3A = arith.constant dense<0.000000e+00> : vector<128x512xf32>
    %dot_general3A_328 = tpu.matmul %get3A_327, %get3A_4, %dot_general3A {dimension_numbers = #tpu.dot_dimension_numbers<[1], [1], [0], [0], [0, 0, 1, 0], [], []>, transpose_lhs_hint = false} : vector<128x32xf32>, vector<512x32xf32>, vector<128x512xf32> -> vector<128x512xf32>
    %get3A_329 = arith.constant 0 : index
    %get3A_330 = arith.constant 0 : index
    %get3A_331 = vector.load %arg5[%get3A_329, %get3A_330] : memref<1024x1xf32, #tpu.memory_space<vmem>>, vector<128x1xf32>
    %mul3A_332 = vector.broadcast %get3A_331 : vector<128x1xf32> to vector<128x512xf32>
    %mul3A_333 = arith.mulf %mul3A_332, %mul3A_324 : vector<128x512xf32>
    %add3A_334 = arith.addf %dot_general3A_328, %mul3A_333 : vector<128x512xf32>
    %swap3A = arith.constant 0 : index
    %swap3A_335 = arith.constant 0 : index
    %swap3A_336 = vector.load %arg3[%swap3A, %swap3A_335] : memref<1024x512xf32, #tpu.memory_space<vmem>>, vector<128x512xf32>
    tpu.vector_store %arg3[%swap3A, %swap3A_335], %add3A_334 {strides = array<i32>} : memref<1024x512xf32, #tpu.memory_space<vmem>>, vector<128x512xf32>,
    %get3A_337 = arith.constant 128 : index
    %get3A_338 = arith.constant 0 : index
    %get3A_339 = vector.load %arg6[%get3A_337, %get3A_338] : memref<1024x512xi32, #tpu.memory_space<vmem>>, vector<128x512xi32>
    %add3A_340 = vector.broadcast %mul3A_2 : i32 to vector<128x512xi32>
    %add3A_341 = arith.addi %get3A_339, %add3A_340 : vector<128x512xi32>
    %add3A_342 = arith.constant -1314375903 : i32
    %add3A_343 = vector.broadcast %add3A_342 : i32 to vector<128x512xi32>
    %add3A_344 = arith.addi %add3A_341, %add3A_343 : vector<128x512xi32>
    %add3A_345 = arith.constant -1378843660 : i32
    %add3A_346 = vector.broadcast %add3A_345 : i32 to vector<128x512xi32>
    %add3A_347 = arith.addi %add3A_341, %add3A_346 : vector<128x512xi32>
    %shift_left3A_348 = arith.constant 13 : i32
    %shift_left3A_349 = vector.broadcast %shift_left3A_348 : i32 to vector<128x512xi32>
    %shift_left3A_350 = arith.shli %add3A_347, %shift_left3A_349 : vector<128x512xi32>
    %shift_right_logical3A_351 = arith.constant 19 : i32
    %shift_right_logical3A_352 = vector.broadcast %shift_right_logical3A_351 : i32 to vector<128x512xi32>
    %shift_right_logical3A_353 = arith.shrui %add3A_347, %shift_right_logical3A_352 : vector<128x512xi32>
    %or3A_354 = arith.ori %shift_left3A_350, %shift_right_logical3A_353 : vector<128x512xi32>
    %xor3A_355 = arith.xori %or3A_354, %add3A_344 : vector<128x512xi32>
    %add3A_356 = arith.addi %add3A_344, %xor3A_355 : vector<128x512xi32>
    %shift_left3A_357 = arith.constant 15 : i32
    %shift_left3A_358 = vector.broadcast %shift_left3A_357 : i32 to vector<128x512xi32>
    %shift_left3A_359 = arith.shli %xor3A_355, %shift_left3A_358 : vector<128x512xi32>
    %shift_right_logical3A_360 = arith.constant 17 : i32
    %shift_right_logical3A_361 = vector.broadcast %shift_right_logical3A_360 : i32 to vector<128x512xi32>
    %shift_right_logical3A_362 = arith.shrui %xor3A_355, %shift_right_logical3A_361 : vector<128x512xi32>
    %or3A_363 = arith.ori %shift_left3A_359, %shift_right_logical3A_362 : vector<128x512xi32>
    %xor3A_364 = arith.xori %or3A_363, %add3A_356 : vector<128x512xi32>
    %add3A_365 = arith.addi %add3A_356, %xor3A_364 : vector<128x512xi32>
    %shift_left3A_366 = arith.constant 26 : i32
    %shift_left3A_367 = vector.broadcast %shift_left3A_366 : i32 to vector<128x512xi32>
    %shift_left3A_368 = arith.shli %xor3A_364, %shift_left3A_367 : vector<128x512xi32>
    %shift_right_logical3A_369 = arith.constant 6 : i32
    %shift_right_logical3A_370 = vector.broadcast %shift_right_logical3A_369 : i32 to vector<128x512xi32>
    %shift_right_logical3A_371 = arith.shrui %xor3A_364, %shift_right_logical3A_370 : vector<128x512xi32>
    %or3A_372 = arith.ori %shift_left3A_368, %shift_right_logical3A_371 : vector<128x512xi32>
    %xor3A_373 = arith.xori %or3A_372, %add3A_365 : vector<128x512xi32>
    %add3A_374 = arith.addi %add3A_365, %xor3A_373 : vector<128x512xi32>
    %shift_left3A_375 = arith.constant 6 : i32
    %shift_left3A_376 = vector.broadcast %shift_left3A_375 : i32 to vector<128x512xi32>
    %shift_left3A_377 = arith.shli %xor3A_373, %shift_left3A_376 : vector<128x512xi32>
    %shift_right_logical3A_378 = arith.constant 26 : i32
    %shift_right_logical3A_379 = vector.broadcast %shift_right_logical3A_378 : i32 to vector<128x512xi32>
    %shift_right_logical3A_380 = arith.shrui %xor3A_373, %shift_right_logical3A_379 : vector<128x512xi32>
    %or3A_381 = arith.ori %shift_left3A_377, %shift_right_logical3A_380 : vector<128x512xi32>
    %xor3A_382 = arith.xori %or3A_381, %add3A_374 : vector<128x512xi32>
    %add3A_383 = arith.constant -1378843660 : i32
    %add3A_384 = vector.broadcast %add3A_383 : i32 to vector<128x512xi32>
    %add3A_385 = arith.addi %add3A_374, %add3A_384 : vector<128x512xi32>
    %add3A_386 = arith.constant -1244255484 : i32
    %add3A_387 = vector.broadcast %add3A_386 : i32 to vector<128x512xi32>
    %add3A_388 = arith.addi %xor3A_382, %add3A_387 : vector<128x512xi32>
    %add3A_389 = arith.addi %add3A_385, %add3A_388 : vector<128x512xi32>
    %shift_left3A_390 = arith.constant 17 : i32
    %shift_left3A_391 = vector.broadcast %shift_left3A_390 : i32 to vector<128x512xi32>
    %shift_left3A_392 = arith.shli %add3A_388, %shift_left3A_391 : vector<128x512xi32>
    %shift_right_logical3A_393 = arith.constant 15 : i32
    %shift_right_logical3A_394 = vector.broadcast %shift_right_logical3A_393 : i32 to vector<128x512xi32>
    %shift_right_logical3A_395 = arith.shrui %add3A_388, %shift_right_logical3A_394 : vector<128x512xi32>
    %or3A_396 = arith.ori %shift_left3A_392, %shift_right_logical3A_395 : vector<128x512xi32>
    %xor3A_397 = arith.xori %or3A_396, %add3A_389 : vector<128x512xi32>
    %add3A_398 = arith.addi %add3A_389, %xor3A_397 : vector<128x512xi32>
    %shift_left3A_399 = arith.constant 29 : i32
    %shift_left3A_400 = vector.broadcast %shift_left3A_399 : i32 to vector<128x512xi32>
    %shift_left3A_401 = arith.shli %xor3A_397, %shift_left3A_400 : vector<128x512xi32>
    %shift_right_logical3A_402 = arith.constant 3 : i32
    %shift_right_logical3A_403 = vector.broadcast %shift_right_logical3A_402 : i32 to vector<128x512xi32>
    %shift_right_logical3A_404 = arith.shrui %xor3A_397, %shift_right_logical3A_403 : vector<128x512xi32>
    %or3A_405 = arith.ori %shift_left3A_401, %shift_right_logical3A_404 : vector<128x512xi32>
    %xor3A_406 = arith.xori %or3A_405, %add3A_398 : vector<128x512xi32>
    %add3A_407 = arith.addi %add3A_398, %xor3A_406 : vector<128x512xi32>
    %shift_left3A_408 = arith.constant 16 : i32
    %shift_left3A_409 = vector.broadcast %shift_left3A_408 : i32 to vector<128x512xi32>
    %shift_left3A_410 = arith.shli %xor3A_406, %shift_left3A_409 : vector<128x512xi32>
    %shift_right_logical3A_411 = arith.constant 16 : i32
    %shift_right_logical3A_412 = vector.broadcast %shift_right_logical3A_411 : i32 to vector<128x512xi32>
    %shift_right_logical3A_413 = arith.shrui %xor3A_406, %shift_right_logical3A_412 : vector<128x512xi32>
    %or3A_414 = arith.ori %shift_left3A_410, %shift_right_logical3A_413 : vector<128x512xi32>
    %xor3A_415 = arith.xori %or3A_414, %add3A_407 : vector<128x512xi32>
    %add3A_416 = arith.addi %add3A_407, %xor3A_415 : vector<128x512xi32>
    %shift_left3A_417 = arith.constant 24 : i32
    %shift_left3A_418 = vector.broadcast %shift_left3A_417 : i32 to vector<128x512xi32>
    %shift_left3A_419 = arith.shli %xor3A_415, %shift_left3A_418 : vector<128x512xi32>
    %shift_right_logical3A_420 = arith.constant 8 : i32
    %shift_right_logical3A_421 = vector.broadcast %shift_right_logical3A_420 : i32 to vector<128x512xi32>
    %shift_right_logical3A_422 = arith.shrui %xor3A_415, %shift_right_logical3A_421 : vector<128x512xi32>
    %or3A_423 = arith.ori %shift_left3A_419, %shift_right_logical3A_422 : vector<128x512xi32>
    %xor3A_424 = arith.xori %or3A_423, %add3A_416 : vector<128x512xi32>
    %add3A_425 = arith.constant -1244255485 : i32
    %add3A_426 = vector.broadcast %add3A_425 : i32 to vector<128x512xi32>
    %add3A_427 = arith.addi %add3A_416, %add3A_426 : vector<128x512xi32>
    %add3A_428 = arith.constant 64467759 : i32
    %add3A_429 = vector.broadcast %add3A_428 : i32 to vector<128x512xi32>
    %add3A_430 = arith.addi %xor3A_424, %add3A_429 : vector<128x512xi32>
    %add3A_431 = arith.addi %add3A_427, %add3A_430 : vector<128x512xi32>
    %shift_left3A_432 = arith.constant 13 : i32
    %shift_left3A_433 = vector.broadcast %shift_left3A_432 : i32 to vector<128x512xi32>
    %shift_left3A_434 = arith.shli %add3A_430, %shift_left3A_433 : vector<128x512xi32>
    %shift_right_logical3A_435 = arith.constant 19 : i32
    %shift_right_logical3A_436 = vector.broadcast %shift_right_logical3A_435 : i32 to vector<128x512xi32>
    %shift_right_logical3A_437 = arith.shrui %add3A_430, %shift_right_logical3A_436 : vector<128x512xi32>
    %or3A_438 = arith.ori %shift_left3A_434, %shift_right_logical3A_437 : vector<128x512xi32>
    %xor3A_439 = arith.xori %or3A_438, %add3A_431 : vector<128x512xi32>
    %add3A_440 = arith.addi %add3A_431, %xor3A_439 : vector<128x512xi32>
    %shift_left3A_441 = arith.constant 15 : i32
    %shift_left3A_442 = vector.broadcast %shift_left3A_441 : i32 to vector<128x512xi32>
    %shift_left3A_443 = arith.shli %xor3A_439, %shift_left3A_442 : vector<128x512xi32>
    %shift_right_logical3A_444 = arith.constant 17 : i32
    %shift_right_logical3A_445 = vector.broadcast %shift_right_logical3A_444 : i32 to vector<128x512xi32>
    %shift_right_logical3A_446 = arith.shrui %xor3A_439, %shift_right_logical3A_445 : vector<128x512xi32>
    %or3A_447 = arith.ori %shift_left3A_443, %shift_right_logical3A_446 : vector<128x512xi32>
    %xor3A_448 = arith.xori %or3A_447, %add3A_440 : vector<128x512xi32>
    %add3A_449 = arith.addi %add3A_440, %xor3A_448 : vector<128x512xi32>
    %shift_left3A_450 = arith.constant 26 : i32
    %shift_left3A_451 = vector.broadcast %shift_left3A_450 : i32 to vector<128x512xi32>
    %shift_left3A_452 = arith.shli %xor3A_448, %shift_left3A_451 : vector<128x512xi32>
    %shift_right_logical3A_453 = arith.constant 6 : i32
    %shift_right_logical3A_454 = vector.broadcast %shift_right_logical3A_453 : i32 to vector<128x512xi32>
    %shift_right_logical3A_455 = arith.shrui %xor3A_448, %shift_right_logical3A_454 : vector<128x512xi32>
    %or3A_456 = arith.ori %shift_left3A_452, %shift_right_logical3A_455 : vector<128x512xi32>
    %xor3A_457 = arith.xori %or3A_456, %add3A_449 : vector<128x512xi32>
    %add3A_458 = arith.addi %add3A_449, %xor3A_457 : vector<128x512xi32>
    %shift_left3A_459 = arith.constant 6 : i32
    %shift_left3A_460 = vector.broadcast %shift_left3A_459 : i32 to vector<128x512xi32>
    %shift_left3A_461 = arith.shli %xor3A_457, %shift_left3A_460 : vector<128x512xi32>
    %shift_right_logical3A_462 = arith.constant 26 : i32
    %shift_right_logical3A_463 = vector.broadcast %shift_right_logical3A_462 : i32 to vector<128x512xi32>
    %shift_right_logical3A_464 = arith.shrui %xor3A_457, %shift_right_logical3A_463 : vector<128x512xi32>
    %or3A_465 = arith.ori %shift_left3A_461, %shift_right_logical3A_464 : vector<128x512xi32>
    %xor3A_466 = arith.xori %or3A_465, %add3A_458 : vector<128x512xi32>
    %add3A_467 = arith.constant 64467757 : i32
    %add3A_468 = vector.broadcast %add3A_467 : i32 to vector<128x512xi32>
    %add3A_469 = arith.addi %add3A_458, %add3A_468 : vector<128x512xi32>
    %add3A_470 = arith.constant -1378843657 : i32
    %add3A_471 = vector.broadcast %add3A_470 : i32 to vector<128x512xi32>
    %add3A_472 = arith.addi %xor3A_466, %add3A_471 : vector<128x512xi32>
    %add3A_473 = arith.addi %add3A_469, %add3A_472 : vector<128x512xi32>
    %shift_left3A_474 = arith.constant 17 : i32
    %shift_left3A_475 = vector.broadcast %shift_left3A_474 : i32 to vector<128x512xi32>
    %shift_left3A_476 = arith.shli %add3A_472, %shift_left3A_475 : vector<128x512xi32>
    %shift_right_logical3A_477 = arith.constant 15 : i32
    %shift_right_logical3A_478 = vector.broadcast %shift_right_logical3A_477 : i32 to vector<128x512xi32>
    %shift_right_logical3A_479 = arith.shrui %add3A_472, %shift_right_logical3A_478 : vector<128x512xi32>
    %or3A_480 = arith.ori %shift_left3A_476, %shift_right_logical3A_479 : vector<128x512xi32>
    %xor3A_481 = arith.xori %or3A_480, %add3A_473 : vector<128x512xi32>
    %add3A_482 = arith.addi %add3A_473, %xor3A_481 : vector<128x512xi32>
    %shift_left3A_483 = arith.constant 29 : i32
    %shift_left3A_484 = vector.broadcast %shift_left3A_483 : i32 to vector<128x512xi32>
    %shift_left3A_485 = arith.shli %xor3A_481, %shift_left3A_484 : vector<128x512xi32>
    %shift_right_logical3A_486 = arith.constant 3 : i32
    %shift_right_logical3A_487 = vector.broadcast %shift_right_logical3A_486 : i32 to vector<128x512xi32>
    %shift_right_logical3A_488 = arith.shrui %xor3A_481, %shift_right_logical3A_487 : vector<128x512xi32>
    %or3A_489 = arith.ori %shift_left3A_485, %shift_right_logical3A_488 : vector<128x512xi32>
    %xor3A_490 = arith.xori %or3A_489, %add3A_482 : vector<128x512xi32>
    %add3A_491 = arith.addi %add3A_482, %xor3A_490 : vector<128x512xi32>
    %shift_left3A_492 = arith.constant 16 : i32
    %shift_left3A_493 = vector.broadcast %shift_left3A_492 : i32 to vector<128x512xi32>
    %shift_left3A_494 = arith.shli %xor3A_490, %shift_left3A_493 : vector<128x512xi32>
    %shift_right_logical3A_495 = arith.constant 16 : i32
    %shift_right_logical3A_496 = vector.broadcast %shift_right_logical3A_495 : i32 to vector<128x512xi32>
    %shift_right_logical3A_497 = arith.shrui %xor3A_490, %shift_right_logical3A_496 : vector<128x512xi32>
    %or3A_498 = arith.ori %shift_left3A_494, %shift_right_logical3A_497 : vector<128x512xi32>
    %xor3A_499 = arith.xori %or3A_498, %add3A_491 : vector<128x512xi32>
    %add3A_500 = arith.addi %add3A_491, %xor3A_499 : vector<128x512xi32>
    %shift_left3A_501 = arith.constant 24 : i32
    %shift_left3A_502 = vector.broadcast %shift_left3A_501 : i32 to vector<128x512xi32>
    %shift_left3A_503 = arith.shli %xor3A_499, %shift_left3A_502 : vector<128x512xi32>
    %shift_right_logical3A_504 = arith.constant 8 : i32
    %shift_right_logical3A_505 = vector.broadcast %shift_right_logical3A_504 : i32 to vector<128x512xi32>
    %shift_right_logical3A_506 = arith.shrui %xor3A_499, %shift_right_logical3A_505 : vector<128x512xi32>
    %or3A_507 = arith.ori %shift_left3A_503, %shift_right_logical3A_506 : vector<128x512xi32>
    %xor3A_508 = arith.xori %or3A_507, %add3A_500 : vector<128x512xi32>
    %add3A_509 = arith.constant -1378843660 : i32
    %add3A_510 = vector.broadcast %add3A_509 : i32 to vector<128x512xi32>
    %add3A_511 = arith.addi %add3A_500, %add3A_510 : vector<128x512xi32>
    %add3A_512 = arith.constant -1244255481 : i32
    %add3A_513 = vector.broadcast %add3A_512 : i32 to vector<128x512xi32>
    %add3A_514 = arith.addi %xor3A_508, %add3A_513 : vector<128x512xi32>
    %add3A_515 = arith.addi %add3A_511, %add3A_514 : vector<128x512xi32>
    %shift_left3A_516 = arith.constant 13 : i32
    %shift_left3A_517 = vector.broadcast %shift_left3A_516 : i32 to vector<128x512xi32>
    %shift_left3A_518 = arith.shli %add3A_514, %shift_left3A_517 : vector<128x512xi32>
    %shift_right_logical3A_519 = arith.constant 19 : i32
    %shift_right_logical3A_520 = vector.broadcast %shift_right_logical3A_519 : i32 to vector<128x512xi32>
    %shift_right_logical3A_521 = arith.shrui %add3A_514, %shift_right_logical3A_520 : vector<128x512xi32>
    %or3A_522 = arith.ori %shift_left3A_518, %shift_right_logical3A_521 : vector<128x512xi32>
    %xor3A_523 = arith.xori %or3A_522, %add3A_515 : vector<128x512xi32>
    %add3A_524 = arith.addi %add3A_515, %xor3A_523 : vector<128x512xi32>
    %shift_left3A_525 = arith.constant 15 : i32
    %shift_left3A_526 = vector.broadcast %shift_left3A_525 : i32 to vector<128x512xi32>
    %shift_left3A_527 = arith.shli %xor3A_523, %shift_left3A_526 : vector<128x512xi32>
    %shift_right_logical3A_528 = arith.constant 17 : i32
    %shift_right_logical3A_529 = vector.broadcast %shift_right_logical3A_528 : i32 to vector<128x512xi32>
    %shift_right_logical3A_530 = arith.shrui %xor3A_523, %shift_right_logical3A_529 : vector<128x512xi32>
    %or3A_531 = arith.ori %shift_left3A_527, %shift_right_logical3A_530 : vector<128x512xi32>
    %xor3A_532 = arith.xori %or3A_531, %add3A_524 : vector<128x512xi32>
    %add3A_533 = arith.addi %add3A_524, %xor3A_532 : vector<128x512xi32>
    %shift_left3A_534 = arith.constant 26 : i32
    %shift_left3A_535 = vector.broadcast %shift_left3A_534 : i32 to vector<128x512xi32>
    %shift_left3A_536 = arith.shli %xor3A_532, %shift_left3A_535 : vector<128x512xi32>
    %shift_right_logical3A_537 = arith.constant 6 : i32
    %shift_right_logical3A_538 = vector.broadcast %shift_right_logical3A_537 : i32 to vector<128x512xi32>
    %shift_right_logical3A_539 = arith.shrui %xor3A_532, %shift_right_logical3A_538 : vector<128x512xi32>
    %or3A_540 = arith.ori %shift_left3A_536, %shift_right_logical3A_539 : vector<128x512xi32>
    %xor3A_541 = arith.xori %or3A_540, %add3A_533 : vector<128x512xi32>
    %add3A_542 = arith.addi %add3A_533, %xor3A_541 : vector<128x512xi32>
    %shift_left3A_543 = arith.constant 6 : i32
    %shift_left3A_544 = vector.broadcast %shift_left3A_543 : i32 to vector<128x512xi32>
    %shift_left3A_545 = arith.shli %xor3A_541, %shift_left3A_544 : vector<128x512xi32>
    %shift_right_logical3A_546 = arith.constant 26 : i32
    %shift_right_logical3A_547 = vector.broadcast %shift_right_logical3A_546 : i32 to vector<128x512xi32>
    %shift_right_logical3A_548 = arith.shrui %xor3A_541, %shift_right_logical3A_547 : vector<128x512xi32>
    %or3A_549 = arith.ori %shift_left3A_545, %shift_right_logical3A_548 : vector<128x512xi32>
    %xor3A_550 = arith.xori %or3A_549, %add3A_542 : vector<128x512xi32>
    %add3A_551 = arith.constant -1244255485 : i32
    %add3A_552 = vector.broadcast %add3A_551 : i32 to vector<128x512xi32>
    %add3A_553 = arith.addi %add3A_542, %add3A_552 : vector<128x512xi32>
    %add3A_554 = arith.constant 64467762 : i32
    %add3A_555 = vector.broadcast %add3A_554 : i32 to vector<128x512xi32>
    %add3A_556 = arith.addi %xor3A_550, %add3A_555 : vector<128x512xi32>
    %xor3A_557 = arith.xori %add3A_553, %add3A_556 : vector<128x512xi32>
    %shift_right_logical3A_558 = arith.constant 9 : i32
    %shift_right_logical3A_559 = vector.broadcast %shift_right_logical3A_558 : i32 to vector<128x512xi32>
    %shift_right_logical3A_560 = arith.shrui %xor3A_557, %shift_right_logical3A_559 : vector<128x512xi32>
    %or3A_561 = arith.constant 1065353216 : i32
    %or3A_562 = vector.broadcast %or3A_561 : i32 to vector<128x512xi32>
    %or3A_563 = arith.ori %shift_right_logical3A_560, %or3A_562 : vector<128x512xi32>
    %bitcast_convert_type3A_564 = tpu.bitcast %or3A_563 : vector<128x512xi32> -> vector<128x512xf32>
    %sub3A_565 = arith.constant 1.000000e+00 : f32
    %sub3A_566 = vector.broadcast %sub3A_565 : f32 to vector<128x512xf32>
    %sub3A_567 = arith.subf %bitcast_convert_type3A_564, %sub3A_566 : vector<128x512xf32>
    %mul3A_568 = arith.constant 2.000000e+00 : f32
    %mul3A_569 = vector.broadcast %mul3A_568 : f32 to vector<128x512xf32>
    %mul3A_570 = arith.mulf %sub3A_567, %mul3A_569 : vector<128x512xf32>
    %add3A_571 = arith.constant -0.99999994 : f32
    %add3A_572 = vector.broadcast %add3A_571 : f32 to vector<128x512xf32>
    %add3A_573 = arith.addf %mul3A_570, %add3A_572 : vector<128x512xf32>
    %max3A_574 = arith.constant -0.99999994 : f32
    %max3A_575 = vector.broadcast %max3A_574 : f32 to vector<128x512xf32>
    %max3A_576 = arith.maximumf %max3A_575, %add3A_573 : vector<128x512xf32>
    %sub3A_577 = arith.constant 1.000000e+00 : f32
    %sub3A_578 = vector.broadcast %sub3A_577 : f32 to vector<128x512xf32>
    %sub3A_579 = arith.subf %sub3A_578, %max3A_576 : vector<128x512xf32>
    %add3A_580 = arith.constant 1.000000e+00 : f32
    %add3A_581 = vector.broadcast %add3A_580 : f32 to vector<128x512xf32>
    %add3A_582 = arith.addf %add3A_581, %max3A_576 : vector<128x512xf32>
    %mul3A_583 = arith.mulf %sub3A_579, %add3A_582 : vector<128x512xf32>
    %log3A_584 = math.log %mul3A_583 : vector<128x512xf32>
    %neg3A_585 = arith.constant 0.000000e+00 : f32
    %neg3A_586 = vector.broadcast %neg3A_585 : f32 to vector<128x512xf32>
    %neg3A_587 = arith.subf %neg3A_586, %log3A_584 : vector<128x512xf32>
    %sub3A_588 = arith.constant 2.500000e+00 : f32
    %sub3A_589 = vector.broadcast %sub3A_588 : f32 to vector<128x512xf32>
    %sub3A_590 = arith.subf %neg3A_587, %sub3A_589 : vector<128x512xf32>
    %broadcast_in_dim3A_591 = arith.constant 2.81022636E-8 : f32
    %broadcast_in_dim3A_592 = vector.broadcast %broadcast_in_dim3A_591 : f32 to vector<128x512xf32>
    %mul3A_593 = arith.mulf %broadcast_in_dim3A_592, %sub3A_590 : vector<128x512xf32>
    %add3A_594 = arith.constant 3.43273939E-7 : f32
    %add3A_595 = vector.broadcast %add3A_594 : f32 to vector<128x512xf32>
    %add3A_596 = arith.addf %add3A_595, %mul3A_593 : vector<128x512xf32>
    %mul3A_597 = arith.mulf %add3A_596, %sub3A_590 : vector<128x512xf32>
    %add3A_598 = arith.constant -3.5233877E-6 : f32
    %add3A_599 = vector.broadcast %add3A_598 : f32 to vector<128x512xf32>
    %add3A_600 = arith.addf %add3A_599, %mul3A_597 : vector<128x512xf32>
    %mul3A_601 = arith.mulf %add3A_600, %sub3A_590 : vector<128x512xf32>
    %add3A_602 = arith.constant -4.39150654E-6 : f32
    %add3A_603 = vector.broadcast %add3A_602 : f32 to vector<128x512xf32>
    %add3A_604 = arith.addf %add3A_603, %mul3A_601 : vector<128x512xf32>
    %mul3A_605 = arith.mulf %add3A_604, %sub3A_590 : vector<128x512xf32>
    %add3A_606 = arith.constant 2.1858087E-4 : f32
    %add3A_607 = vector.broadcast %add3A_606 : f32 to vector<128x512xf32>
    %add3A_608 = arith.addf %add3A_607, %mul3A_605 : vector<128x512xf32>
    %mul3A_609 = arith.mulf %add3A_608, %sub3A_590 : vector<128x512xf32>
    %add3A_610 = arith.constant -0.00125372503 : f32
    %add3A_611 = vector.broadcast %add3A_610 : f32 to vector<128x512xf32>
    %add3A_612 = arith.addf %add3A_611, %mul3A_609 : vector<128x512xf32>
    %mul3A_613 = arith.mulf %add3A_612, %sub3A_590 : vector<128x512xf32>
    %add3A_614 = arith.constant -0.00417768164 : f32
    %add3A_615 = vector.broadcast %add3A_614 : f32 to vector<128x512xf32>
    %add3A_616 = arith.addf %add3A_615, %mul3A_613 : vector<128x512xf32>
    %mul3A_617 = arith.mulf %add3A_616, %sub3A_590 : vector<128x512xf32>
    %add3A_618 = arith.constant 0.246640727 : f32
    %add3A_619 = vector.broadcast %add3A_618 : f32 to vector<128x512xf32>
    %add3A_620 = arith.addf %add3A_619, %mul3A_617 : vector<128x512xf32>
    %mul3A_621 = arith.mulf %add3A_620, %sub3A_590 : vector<128x512xf32>
    %add3A_622 = arith.constant 1.50140941 : f32
    %add3A_623 = vector.broadcast %add3A_622 : f32 to vector<128x512xf32>
    %add3A_624 = arith.addf %add3A_623, %mul3A_621 : vector<128x512xf32>
    %sqrt3A_625 = math.sqrt %neg3A_587 : vector<128x512xf32>
    %sub3A_626 = arith.constant 3.000000e+00 : f32
    %sub3A_627 = vector.broadcast %sub3A_626 : f32 to vector<128x512xf32>
    %sub3A_628 = arith.subf %sqrt3A_625, %sub3A_627 : vector<128x512xf32>
    %broadcast_in_dim3A_629 = arith.constant -2.00214257E-4 : f32
    %broadcast_in_dim3A_630 = vector.broadcast %broadcast_in_dim3A_629 : f32 to vector<128x512xf32>
    %mul3A_631 = arith.mulf %broadcast_in_dim3A_630, %sub3A_628 : vector<128x512xf32>
    %add3A_632 = arith.constant 1.00950558E-4 : f32
    %add3A_633 = vector.broadcast %add3A_632 : f32 to vector<128x512xf32>
    %add3A_634 = arith.addf %add3A_633, %mul3A_631 : vector<128x512xf32>
    %mul3A_635 = arith.mulf %add3A_634, %sub3A_628 : vector<128x512xf32>
    %add3A_636 = arith.constant 0.00134934322 : f32
    %add3A_637 = vector.broadcast %add3A_636 : f32 to vector<128x512xf32>
    %add3A_638 = arith.addf %add3A_637, %mul3A_635 : vector<128x512xf32>
    %mul3A_639 = arith.mulf %add3A_638, %sub3A_628 : vector<128x512xf32>
    %add3A_640 = arith.constant -0.00367342844 : f32
    %add3A_641 = vector.broadcast %add3A_640 : f32 to vector<128x512xf32>
    %add3A_642 = arith.addf %add3A_641, %mul3A_639 : vector<128x512xf32>
    %mul3A_643 = arith.mulf %add3A_642, %sub3A_628 : vector<128x512xf32>
    %add3A_644 = arith.constant 0.00573950773 : f32
    %add3A_645 = vector.broadcast %add3A_644 : f32 to vector<128x512xf32>
    %add3A_646 = arith.addf %add3A_645, %mul3A_643 : vector<128x512xf32>
    %mul3A_647 = arith.mulf %add3A_646, %sub3A_628 : vector<128x512xf32>
    %add3A_648 = arith.constant -0.0076224613 : f32
    %add3A_649 = vector.broadcast %add3A_648 : f32 to vector<128x512xf32>
    %add3A_650 = arith.addf %add3A_649, %mul3A_647 : vector<128x512xf32>
    %mul3A_651 = arith.mulf %add3A_650, %sub3A_628 : vector<128x512xf32>
    %add3A_652 = arith.constant 0.00943887047 : f32
    %add3A_653 = vector.broadcast %add3A_652 : f32 to vector<128x512xf32>
    %add3A_654 = arith.addf %add3A_653, %mul3A_651 : vector<128x512xf32>
    %mul3A_655 = arith.mulf %add3A_654, %sub3A_628 : vector<128x512xf32>
    %add3A_656 = arith.constant 1.00167406 : f32
    %add3A_657 = vector.broadcast %add3A_656 : f32 to vector<128x512xf32>
    %add3A_658 = arith.addf %add3A_657, %mul3A_655 : vector<128x512xf32>
    %mul3A_659 = arith.mulf %add3A_658, %sub3A_628 : vector<128x512xf32>
    %add3A_660 = arith.constant 2.83297682 : f32
    %add3A_661 = vector.broadcast %add3A_660 : f32 to vector<128x512xf32>
    %add3A_662 = arith.addf %add3A_661, %mul3A_659 : vector<128x512xf32>
    %lt3A_663 = arith.constant 5.000000e+00 : f32
    %lt3A_664 = vector.broadcast %lt3A_663 : f32 to vector<128x512xf32>
    %lt3A_665 = arith.cmpf olt, %neg3A_587, %lt3A_664 : vector<128x512xf32>
    %select_n3A_666 = arith.select %lt3A_665, %add3A_624, %add3A_662 : vector<128x512xi1>, vector<128x512xf32>
    %mul3A_667 = arith.mulf %select_n3A_666, %max3A_576 : vector<128x512xf32>
    %mul3A_668 = arith.constant 1.41421354 : f32
    %mul3A_669 = vector.broadcast %mul3A_668 : f32 to vector<128x512xf32>
    %mul3A_670 = arith.mulf %mul3A_669, %mul3A_667 : vector<128x512xf32>
    %get3A_671 = arith.constant 128 : index
    %get3A_672 = arith.constant 0 : index
    %get3A_673 = vector.load %arg4[%get3A_671, %get3A_672] : memref<1024x32xf32, #tpu.memory_space<vmem>>, vector<128x32xf32>
    %dot_general3A_674 = arith.constant dense<0.000000e+00> : vector<128x512xf32>
    %dot_general3A_675 = tpu.matmul %get3A_673, %get3A_4, %dot_general3A_674 {dimension_numbers = #tpu.dot_dimension_numbers<[1], [1], [0], [0], [0, 0, 1, 0], [], []>, transpose_lhs_hint = false} : vector<128x32xf32>, vector<512x32xf32>, vector<128x512xf32> -> vector<128x512xf32>
    %get3A_676 = arith.constant 128 : index
    %get3A_677 = arith.constant 0 : index
    %get3A_678 = vector.load %arg5[%get3A_676, %get3A_677] : memref<1024x1xf32, #tpu.memory_space<vmem>>, vector<128x1xf32>
    %mul3A_679 = vector.broadcast %get3A_678 : vector<128x1xf32> to vector<128x512xf32>
    %mul3A_680 = arith.mulf %mul3A_679, %mul3A_670 : vector<128x512xf32>
    %add3A_681 = arith.addf %dot_general3A_675, %mul3A_680 : vector<128x512xf32>
    %swap3A_682 = arith.constant 128 : index
    %swap3A_683 = arith.constant 0 : index
    %swap3A_684 = vector.load %arg3[%swap3A_682, %swap3A_683] : memref<1024x512xf32, #tpu.memory_space<vmem>>, vector<128x512xf32>
    tpu.vector_store %arg3[%swap3A_682, %swap3A_683], %add3A_681 {strides = array<i32>} : memref<1024x512xf32, #tpu.memory_space<vmem>>, vector<128x512xf32>,
    %get3A_685 = arith.constant 256 : index
    %get3A_686 = arith.constant 0 : index
    %get3A_687 = vector.load %arg6[%get3A_685, %get3A_686] : memref<1024x512xi32, #tpu.memory_space<vmem>>, vector<128x512xi32>
    %add3A_688 = vector.broadcast %mul3A_2 : i32 to vector<128x512xi32>
    %add3A_689 = arith.addi %get3A_687, %add3A_688 : vector<128x512xi32>
    %add3A_690 = arith.constant -1314375903 : i32
    %add3A_691 = vector.broadcast %add3A_690 : i32 to vector<128x512xi32>
    %add3A_692 = arith.addi %add3A_689, %add3A_691 : vector<128x512xi32>
    %add3A_693 = arith.constant -1378843660 : i32
    %add3A_694 = vector.broadcast %add3A_693 : i32 to vector<128x512xi32>
    %add3A_695 = arith.addi %add3A_689, %add3A_694 : vector<128x512xi32>
    %shift_left3A_696 = arith.constant 13 : i32
    %shift_left3A_697 = vector.broadcast %shift_left3A_696 : i32 to vector<128x512xi32>
    %shift_left3A_698 = arith.shli %add3A_695, %shift_left3A_697 : vector<128x512xi32>
    %shift_right_logical3A_699 = arith.constant 19 : i32
    %shift_right_logical3A_700 = vector.broadcast %shift_right_logical3A_699 : i32 to vector<128x512xi32>
    %shift_right_logical3A_701 = arith.shrui %add3A_695, %shift_right_logical3A_700 : vector<128x512xi32>
    %or3A_702 = arith.ori %shift_left3A_698, %shift_right_logical3A_701 : vector<128x512xi32>
    %xor3A_703 = arith.xori %or3A_702, %add3A_692 : vector<128x512xi32>
    %add3A_704 = arith.addi %add3A_692, %xor3A_703 : vector<128x512xi32>
    %shift_left3A_705 = arith.constant 15 : i32
    %shift_left3A_706 = vector.broadcast %shift_left3A_705 : i32 to vector<128x512xi32>
    %shift_left3A_707 = arith.shli %xor3A_703, %shift_left3A_706 : vector<128x512xi32>
    %shift_right_logical3A_708 = arith.constant 17 : i32
    %shift_right_logical3A_709 = vector.broadcast %shift_right_logical3A_708 : i32 to vector<128x512xi32>
    %shift_right_logical3A_710 = arith.shrui %xor3A_703, %shift_right_logical3A_709 : vector<128x512xi32>
    %or3A_711 = arith.ori %shift_left3A_707, %shift_right_logical3A_710 : vector<128x512xi32>
    %xor3A_712 = arith.xori %or3A_711, %add3A_704 : vector<128x512xi32>
    %add3A_713 = arith.addi %add3A_704, %xor3A_712 : vector<128x512xi32>
    %shift_left3A_714 = arith.constant 26 : i32
    %shift_left3A_715 = vector.broadcast %shift_left3A_714 : i32 to vector<128x512xi32>
    %shift_left3A_716 = arith.shli %xor3A_712, %shift_left3A_715 : vector<128x512xi32>
    %shift_right_logical3A_717 = arith.constant 6 : i32
    %shift_right_logical3A_718 = vector.broadcast %shift_right_logical3A_717 : i32 to vector<128x512xi32>
    %shift_right_logical3A_719 = arith.shrui %xor3A_712, %shift_right_logical3A_718 : vector<128x512xi32>
    %or3A_720 = arith.ori %shift_left3A_716, %shift_right_logical3A_719 : vector<128x512xi32>
    %xor3A_721 = arith.xori %or3A_720, %add3A_713 : vector<128x512xi32>
    %add3A_722 = arith.addi %add3A_713, %xor3A_721 : vector<128x512xi32>
    %shift_left3A_723 = arith.constant 6 : i32
    %shift_left3A_724 = vector.broadcast %shift_left3A_723 : i32 to vector<128x512xi32>
    %shift_left3A_725 = arith.shli %xor3A_721, %shift_left3A_724 : vector<128x512xi32>
    %shift_right_logical3A_726 = arith.constant 26 : i32
    %shift_right_logical3A_727 = vector.broadcast %shift_right_logical3A_726 : i32 to vector<128x512xi32>
    %shift_right_logical3A_728 = arith.shrui %xor3A_721, %shift_right_logical3A_727 : vector<128x512xi32>
    %or3A_729 = arith.ori %shift_left3A_725, %shift_right_logical3A_728 : vector<128x512xi32>
    %xor3A_730 = arith.xori %or3A_729, %add3A_722 : vector<128x512xi32>
    %add3A_731 = arith.constant -1378843660 : i32
    %add3A_732 = vector.broadcast %add3A_731 : i32 to vector<128x512xi32>
    %add3A_733 = arith.addi %add3A_722, %add3A_732 : vector<128x512xi32>
    %add3A_734 = arith.constant -1244255484 : i32
    %add3A_735 = vector.broadcast %add3A_734 : i32 to vector<128x512xi32>
    %add3A_736 = arith.addi %xor3A_730, %add3A_735 : vector<128x512xi32>
    %add3A_737 = arith.addi %add3A_733, %add3A_736 : vector<128x512xi32>
    %shift_left3A_738 = arith.constant 17 : i32
    %shift_left3A_739 = vector.broadcast %shift_left3A_738 : i32 to vector<128x512xi32>
    %shift_left3A_740 = arith.shli %add3A_736, %shift_left3A_739 : vector<128x512xi32>
    %shift_right_logical3A_741 = arith.constant 15 : i32
    %shift_right_logical3A_742 = vector.broadcast %shift_right_logical3A_741 : i32 to vector<128x512xi32>
    %shift_right_logical3A_743 = arith.shrui %add3A_736, %shift_right_logical3A_742 : vector<128x512xi32>
    %or3A_744 = arith.ori %shift_left3A_740, %shift_right_logical3A_743 : vector<128x512xi32>
    %xor3A_745 = arith.xori %or3A_744, %add3A_737 : vector<128x512xi32>
    %add3A_746 = arith.addi %add3A_737, %xor3A_745 : vector<128x512xi32>
    %shift_left3A_747 = arith.constant 29 : i32
    %shift_left3A_748 = vector.broadcast %shift_left3A_747 : i32 to vector<128x512xi32>
    %shift_left3A_749 = arith.shli %xor3A_745, %shift_left3A_748 : vector<128x512xi32>
    %shift_right_logical3A_750 = arith.constant 3 : i32
    %shift_right_logical3A_751 = vector.broadcast %shift_right_logical3A_750 : i32 to vector<128x512xi32>
    %shift_right_logical3A_752 = arith.shrui %xor3A_745, %shift_right_logical3A_751 : vector<128x512xi32>
    %or3A_753 = arith.ori %shift_left3A_749, %shift_right_logical3A_752 : vector<128x512xi32>
    %xor3A_754 = arith.xori %or3A_753, %add3A_746 : vector<128x512xi32>
    %add3A_755 = arith.addi %add3A_746, %xor3A_754 : vector<128x512xi32>
    %shift_left3A_756 = arith.constant 16 : i32
    %shift_left3A_757 = vector.broadcast %shift_left3A_756 : i32 to vector<128x512xi32>
    %shift_left3A_758 = arith.shli %xor3A_754, %shift_left3A_757 : vector<128x512xi32>
    %shift_right_logical3A_759 = arith.constant 16 : i32
    %shift_right_logical3A_760 = vector.broadcast %shift_right_logical3A_759 : i32 to vector<128x512xi32>
    %shift_right_logical3A_761 = arith.shrui %xor3A_754, %shift_right_logical3A_760 : vector<128x512xi32>
    %or3A_762 = arith.ori %shift_left3A_758, %shift_right_logical3A_761 : vector<128x512xi32>
    %xor3A_763 = arith.xori %or3A_762, %add3A_755 : vector<128x512xi32>
    %add3A_764 = arith.addi %add3A_755, %xor3A_763 : vector<128x512xi32>
    %shift_left3A_765 = arith.constant 24 : i32
    %shift_left3A_766 = vector.broadcast %shift_left3A_765 : i32 to vector<128x512xi32>
    %shift_left3A_767 = arith.shli %xor3A_763, %shift_left3A_766 : vector<128x512xi32>
    %shift_right_logical3A_768 = arith.constant 8 : i32
    %shift_right_logical3A_769 = vector.broadcast %shift_right_logical3A_768 : i32 to vector<128x512xi32>
    %shift_right_logical3A_770 = arith.shrui %xor3A_763, %shift_right_logical3A_769 : vector<128x512xi32>
    %or3A_771 = arith.ori %shift_left3A_767, %shift_right_logical3A_770 : vector<128x512xi32>
    %xor3A_772 = arith.xori %or3A_771, %add3A_764 : vector<128x512xi32>
    %add3A_773 = arith.constant -1244255485 : i32
    %add3A_774 = vector.broadcast %add3A_773 : i32 to vector<128x512xi32>
    %add3A_775 = arith.addi %add3A_764, %add3A_774 : vector<128x512xi32>
    %add3A_776 = arith.constant 64467759 : i32
    %add3A_777 = vector.broadcast %add3A_776 : i32 to vector<128x512xi32>
    %add3A_778 = arith.addi %xor3A_772, %add3A_777 : vector<128x512xi32>
    %add3A_779 = arith.addi %add3A_775, %add3A_778 : vector<128x512xi32>
    %shift_left3A_780 = arith.constant 13 : i32
    %shift_left3A_781 = vector.broadcast %shift_left3A_780 : i32 to vector<128x512xi32>
    %shift_left3A_782 = arith.shli %add3A_778, %shift_left3A_781 : vector<128x512xi32>
    %shift_right_logical3A_783 = arith.constant 19 : i32
    %shift_right_logical3A_784 = vector.broadcast %shift_right_logical3A_783 : i32 to vector<128x512xi32>
    %shift_right_logical3A_785 = arith.shrui %add3A_778, %shift_right_logical3A_784 : vector<128x512xi32>
    %or3A_786 = arith.ori %shift_left3A_782, %shift_right_logical3A_785 : vector<128x512xi32>
    %xor3A_787 = arith.xori %or3A_786, %add3A_779 : vector<128x512xi32>
    %add3A_788 = arith.addi %add3A_779, %xor3A_787 : vector<128x512xi32>
    %shift_left3A_789 = arith.constant 15 : i32
    %shift_left3A_790 = vector.broadcast %shift_left3A_789 : i32 to vector<128x512xi32>
    %shift_left3A_791 = arith.shli %xor3A_787, %shift_left3A_790 : vector<128x512xi32>
    %shift_right_logical3A_792 = arith.constant 17 : i32
    %shift_right_logical3A_793 = vector.broadcast %shift_right_logical3A_792 : i32 to vector<128x512xi32>
    %shift_right_logical3A_794 = arith.shrui %xor3A_787, %shift_right_logical3A_793 : vector<128x512xi32>
    %or3A_795 = arith.ori %shift_left3A_791, %shift_right_logical3A_794 : vector<128x512xi32>
    %xor3A_796 = arith.xori %or3A_795, %add3A_788 : vector<128x512xi32>
    %add3A_797 = arith.addi %add3A_788, %xor3A_796 : vector<128x512xi32>
    %shift_left3A_798 = arith.constant 26 : i32
    %shift_left3A_799 = vector.broadcast %shift_left3A_798 : i32 to vector<128x512xi32>
    %shift_left3A_800 = arith.shli %xor3A_796, %shift_left3A_799 : vector<128x512xi32>
    %shift_right_logical3A_801 = arith.constant 6 : i32
    %shift_right_logical3A_802 = vector.broadcast %shift_right_logical3A_801 : i32 to vector<128x512xi32>
    %shift_right_logical3A_803 = arith.shrui %xor3A_796, %shift_right_logical3A_802 : vector<128x512xi32>
    %or3A_804 = arith.ori %shift_left3A_800, %shift_right_logical3A_803 : vector<128x512xi32>
    %xor3A_805 = arith.xori %or3A_804, %add3A_797 : vector<128x512xi32>
    %add3A_806 = arith.addi %add3A_797, %xor3A_805 : vector<128x512xi32>
    %shift_left3A_807 = arith.constant 6 : i32
    %shift_left3A_808 = vector.broadcast %shift_left3A_807 : i32 to vector<128x512xi32>
    %shift_left3A_809 = arith.shli %xor3A_805, %shift_left3A_808 : vector<128x512xi32>
    %shift_right_logical3A_810 = arith.constant 26 : i32
    %shift_right_logical3A_811 = vector.broadcast %shift_right_logical3A_810 : i32 to vector<128x512xi32>
    %shift_right_logical3A_812 = arith.shrui %xor3A_805, %shift_right_logical3A_811 : vector<128x512xi32>
    %or3A_813 = arith.ori %shift_left3A_809, %shift_right_logical3A_812 : vector<128x512xi32>
    %xor3A_814 = arith.xori %or3A_813, %add3A_806 : vector<128x512xi32>
    %add3A_815 = arith.constant 64467757 : i32
    %add3A_816 = vector.broadcast %add3A_815 : i32 to vector<128x512xi32>
    %add3A_817 = arith.addi %add3A_806, %add3A_816 : vector<128x512xi32>
    %add3A_818 = arith.constant -1378843657 : i32
    %add3A_819 = vector.broadcast %add3A_818 : i32 to vector<128x512xi32>
    %add3A_820 = arith.addi %xor3A_814, %add3A_819 : vector<128x512xi32>
    %add3A_821 = arith.addi %add3A_817, %add3A_820 : vector<128x512xi32>
    %shift_left3A_822 = arith.constant 17 : i32
    %shift_left3A_823 = vector.broadcast %shift_left3A_822 : i32 to vector<128x512xi32>
    %shift_left3A_824 = arith.shli %add3A_820, %shift_left3A_823 : vector<128x512xi32>
    %shift_right_logical3A_825 = arith.constant 15 : i32
    %shift_right_logical3A_826 = vector.broadcast %shift_right_logical3A_825 : i32 to vector<128x512xi32>
    %shift_right_logical3A_827 = arith.shrui %add3A_820, %shift_right_logical3A_826 : vector<128x512xi32>
    %or3A_828 = arith.ori %shift_left3A_824, %shift_right_logical3A_827 : vector<128x512xi32>
    %xor3A_829 = arith.xori %or3A_828, %add3A_821 : vector<128x512xi32>
    %add3A_830 = arith.addi %add3A_821, %xor3A_829 : vector<128x512xi32>
    %shift_left3A_831 = arith.constant 29 : i32
    %shift_left3A_832 = vector.broadcast %shift_left3A_831 : i32 to vector<128x512xi32>
    %shift_left3A_833 = arith.shli %xor3A_829, %shift_left3A_832 : vector<128x512xi32>
    %shift_right_logical3A_834 = arith.constant 3 : i32
    %shift_right_logical3A_835 = vector.broadcast %shift_right_logical3A_834 : i32 to vector<128x512xi32>
    %shift_right_logical3A_836 = arith.shrui %xor3A_829, %shift_right_logical3A_835 : vector<128x512xi32>
    %or3A_837 = arith.ori %shift_left3A_833, %shift_right_logical3A_836 : vector<128x512xi32>
    %xor3A_838 = arith.xori %or3A_837, %add3A_830 : vector<128x512xi32>
    %add3A_839 = arith.addi %add3A_830, %xor3A_838 : vector<128x512xi32>
    %shift_left3A_840 = arith.constant 16 : i32
    %shift_left3A_841 = vector.broadcast %shift_left3A_840 : i32 to vector<128x512xi32>
    %shift_left3A_842 = arith.shli %xor3A_838, %shift_left3A_841 : vector<128x512xi32>
    %shift_right_logical3A_843 = arith.constant 16 : i32
    %shift_right_logical3A_844 = vector.broadcast %shift_right_logical3A_843 : i32 to vector<128x512xi32>
    %shift_right_logical3A_845 = arith.shrui %xor3A_838, %shift_right_logical3A_844 : vector<128x512xi32>
    %or3A_846 = arith.ori %shift_left3A_842, %shift_right_logical3A_845 : vector<128x512xi32>
    %xor3A_847 = arith.xori %or3A_846, %add3A_839 : vector<128x512xi32>
    %add3A_848 = arith.addi %add3A_839, %xor3A_847 : vector<128x512xi32>
    %shift_left3A_849 = arith.constant 24 : i32
    %shift_left3A_850 = vector.broadcast %shift_left3A_849 : i32 to vector<128x512xi32>
    %shift_left3A_851 = arith.shli %xor3A_847, %shift_left3A_850 : vector<128x512xi32>
    %shift_right_logical3A_852 = arith.constant 8 : i32
    %shift_right_logical3A_853 = vector.broadcast %shift_right_logical3A_852 : i32 to vector<128x512xi32>
    %shift_right_logical3A_854 = arith.shrui %xor3A_847, %shift_right_logical3A_853 : vector<128x512xi32>
    %or3A_855 = arith.ori %shift_left3A_851, %shift_right_logical3A_854 : vector<128x512xi32>
    %xor3A_856 = arith.xori %or3A_855, %add3A_848 : vector<128x512xi32>
    %add3A_857 = arith.constant -1378843660 : i32
    %add3A_858 = vector.broadcast %add3A_857 : i32 to vector<128x512xi32>
    %add3A_859 = arith.addi %add3A_848, %add3A_858 : vector<128x512xi32>
    %add3A_860 = arith.constant -1244255481 : i32
    %add3A_861 = vector.broadcast %add3A_860 : i32 to vector<128x512xi32>
    %add3A_862 = arith.addi %xor3A_856, %add3A_861 : vector<128x512xi32>
    %add3A_863 = arith.addi %add3A_859, %add3A_862 : vector<128x512xi32>
    %shift_left3A_864 = arith.constant 13 : i32
    %shift_left3A_865 = vector.broadcast %shift_left3A_864 : i32 to vector<128x512xi32>
    %shift_left3A_866 = arith.shli %add3A_862, %shift_left3A_865 : vector<128x512xi32>
    %shift_right_logical3A_867 = arith.constant 19 : i32
    %shift_right_logical3A_868 = vector.broadcast %shift_right_logical3A_867 : i32 to vector<128x512xi32>
    %shift_right_logical3A_869 = arith.shrui %add3A_862, %shift_right_logical3A_868 : vector<128x512xi32>
    %or3A_870 = arith.ori %shift_left3A_866, %shift_right_logical3A_869 : vector<128x512xi32>
    %xor3A_871 = arith.xori %or3A_870, %add3A_863 : vector<128x512xi32>
    %add3A_872 = arith.addi %add3A_863, %xor3A_871 : vector<128x512xi32>
    %shift_left3A_873 = arith.constant 15 : i32
    %shift_left3A_874 = vector.broadcast %shift_left3A_873 : i32 to vector<128x512xi32>
    %shift_left3A_875 = arith.shli %xor3A_871, %shift_left3A_874 : vector<128x512xi32>
    %shift_right_logical3A_876 = arith.constant 17 : i32
    %shift_right_logical3A_877 = vector.broadcast %shift_right_logical3A_876 : i32 to vector<128x512xi32>
    %shift_right_logical3A_878 = arith.shrui %xor3A_871, %shift_right_logical3A_877 : vector<128x512xi32>
    %or3A_879 = arith.ori %shift_left3A_875, %shift_right_logical3A_878 : vector<128x512xi32>
    %xor3A_880 = arith.xori %or3A_879, %add3A_872 : vector<128x512xi32>
    %add3A_881 = arith.addi %add3A_872, %xor3A_880 : vector<128x512xi32>
    %shift_left3A_882 = arith.constant 26 : i32
    %shift_left3A_883 = vector.broadcast %shift_left3A_882 : i32 to vector<128x512xi32>
    %shift_left3A_884 = arith.shli %xor3A_880, %shift_left3A_883 : vector<128x512xi32>
    %shift_right_logical3A_885 = arith.constant 6 : i32
    %shift_right_logical3A_886 = vector.broadcast %shift_right_logical3A_885 : i32 to vector<128x512xi32>
    %shift_right_logical3A_887 = arith.shrui %xor3A_880, %shift_right_logical3A_886 : vector<128x512xi32>
    %or3A_888 = arith.ori %shift_left3A_884, %shift_right_logical3A_887 : vector<128x512xi32>
    %xor3A_889 = arith.xori %or3A_888, %add3A_881 : vector<128x512xi32>
    %add3A_890 = arith.addi %add3A_881, %xor3A_889 : vector<128x512xi32>
    %shift_left3A_891 = arith.constant 6 : i32
    %shift_left3A_892 = vector.broadcast %shift_left3A_891 : i32 to vector<128x512xi32>
    %shift_left3A_893 = arith.shli %xor3A_889, %shift_left3A_892 : vector<128x512xi32>
    %shift_right_logical3A_894 = arith.constant 26 : i32
    %shift_right_logical3A_895 = vector.broadcast %shift_right_logical3A_894 : i32 to vector<128x512xi32>
    %shift_right_logical3A_896 = arith.shrui %xor3A_889, %shift_right_logical3A_895 : vector<128x512xi32>
    %or3A_897 = arith.ori %shift_left3A_893, %shift_right_logical3A_896 : vector<128x512xi32>
    %xor3A_898 = arith.xori %or3A_897, %add3A_890 : vector<128x512xi32>
    %add3A_899 = arith.constant -1244255485 : i32
    %add3A_900 = vector.broadcast %add3A_899 : i32 to vector<128x512xi32>
    %add3A_901 = arith.addi %add3A_890, %add3A_900 : vector<128x512xi32>
    %add3A_902 = arith.constant 64467762 : i32
    %add3A_903 = vector.broadcast %add3A_902 : i32 to vector<128x512xi32>
    %add3A_904 = arith.addi %xor3A_898, %add3A_903 : vector<128x512xi32>
    %xor3A_905 = arith.xori %add3A_901, %add3A_904 : vector<128x512xi32>
    %shift_right_logical3A_906 = arith.constant 9 : i32
    %shift_right_logical3A_907 = vector.broadcast %shift_right_logical3A_906 : i32 to vector<128x512xi32>
    %shift_right_logical3A_908 = arith.shrui %xor3A_905, %shift_right_logical3A_907 : vector<128x512xi32>
    %or3A_909 = arith.constant 1065353216 : i32
    %or3A_910 = vector.broadcast %or3A_909 : i32 to vector<128x512xi32>
    %or3A_911 = arith.ori %shift_right_logical3A_908, %or3A_910 : vector<128x512xi32>
    %bitcast_convert_type3A_912 = tpu.bitcast %or3A_911 : vector<128x512xi32> -> vector<128x512xf32>
    %sub3A_913 = arith.constant 1.000000e+00 : f32
    %sub3A_914 = vector.broadcast %sub3A_913 : f32 to vector<128x512xf32>
    %sub3A_915 = arith.subf %bitcast_convert_type3A_912, %sub3A_914 : vector<128x512xf32>
    %mul3A_916 = arith.constant 2.000000e+00 : f32
    %mul3A_917 = vector.broadcast %mul3A_916 : f32 to vector<128x512xf32>
    %mul3A_918 = arith.mulf %sub3A_915, %mul3A_917 : vector<128x512xf32>
    %add3A_919 = arith.constant -0.99999994 : f32
    %add3A_920 = vector.broadcast %add3A_919 : f32 to vector<128x512xf32>
    %add3A_921 = arith.addf %mul3A_918, %add3A_920 : vector<128x512xf32>
    %max3A_922 = arith.constant -0.99999994 : f32
    %max3A_923 = vector.broadcast %max3A_922 : f32 to vector<128x512xf32>
    %max3A_924 = arith.maximumf %max3A_923, %add3A_921 : vector<128x512xf32>
    %sub3A_925 = arith.constant 1.000000e+00 : f32
    %sub3A_926 = vector.broadcast %sub3A_925 : f32 to vector<128x512xf32>
    %sub3A_927 = arith.subf %sub3A_926, %max3A_924 : vector<128x512xf32>
    %add3A_928 = arith.constant 1.000000e+00 : f32
    %add3A_929 = vector.broadcast %add3A_928 : f32 to vector<128x512xf32>
    %add3A_930 = arith.addf %add3A_929, %max3A_924 : vector<128x512xf32>
    %mul3A_931 = arith.mulf %sub3A_927, %add3A_930 : vector<128x512xf32>
    %log3A_932 = math.log %mul3A_931 : vector<128x512xf32>
    %neg3A_933 = arith.constant 0.000000e+00 : f32
    %neg3A_934 = vector.broadcast %neg3A_933 : f32 to vector<128x512xf32>
    %neg3A_935 = arith.subf %neg3A_934, %log3A_932 : vector<128x512xf32>
    %sub3A_936 = arith.constant 2.500000e+00 : f32
    %sub3A_937 = vector.broadcast %sub3A_936 : f32 to vector<128x512xf32>
    %sub3A_938 = arith.subf %neg3A_935, %sub3A_937 : vector<128x512xf32>
    %broadcast_in_dim3A_939 = arith.constant 2.81022636E-8 : f32
    %broadcast_in_dim3A_940 = vector.broadcast %broadcast_in_dim3A_939 : f32 to vector<128x512xf32>
    %mul3A_941 = arith.mulf %broadcast_in_dim3A_940, %sub3A_938 : vector<128x512xf32>
    %add3A_942 = arith.constant 3.43273939E-7 : f32
    %add3A_943 = vector.broadcast %add3A_942 : f32 to vector<128x512xf32>
    %add3A_944 = arith.addf %add3A_943, %mul3A_941 : vector<128x512xf32>
    %mul3A_945 = arith.mulf %add3A_944, %sub3A_938 : vector<128x512xf32>
    %add3A_946 = arith.constant -3.5233877E-6 : f32
    %add3A_947 = vector.broadcast %add3A_946 : f32 to vector<128x512xf32>
    %add3A_948 = arith.addf %add3A_947, %mul3A_945 : vector<128x512xf32>
    %mul3A_949 = arith.mulf %add3A_948, %sub3A_938 : vector<128x512xf32>
    %add3A_950 = arith.constant -4.39150654E-6 : f32
    %add3A_951 = vector.broadcast %add3A_950 : f32 to vector<128x512xf32>
    %add3A_952 = arith.addf %add3A_951, %mul3A_949 : vector<128x512xf32>
    %mul3A_953 = arith.mulf %add3A_952, %sub3A_938 : vector<128x512xf32>
    %add3A_954 = arith.constant 2.1858087E-4 : f32
    %add3A_955 = vector.broadcast %add3A_954 : f32 to vector<128x512xf32>
    %add3A_956 = arith.addf %add3A_955, %mul3A_953 : vector<128x512xf32>
    %mul3A_957 = arith.mulf %add3A_956, %sub3A_938 : vector<128x512xf32>
    %add3A_958 = arith.constant -0.00125372503 : f32
    %add3A_959 = vector.broadcast %add3A_958 : f32 to vector<128x512xf32>
    %add3A_960 = arith.addf %add3A_959, %mul3A_957 : vector<128x512xf32>
    %mul3A_961 = arith.mulf %add3A_960, %sub3A_938 : vector<128x512xf32>
    %add3A_962 = arith.constant -0.00417768164 : f32
    %add3A_963 = vector.broadcast %add3A_962 : f32 to vector<128x512xf32>
    %add3A_964 = arith.addf %add3A_963, %mul3A_961 : vector<128x512xf32>
    %mul3A_965 = arith.mulf %add3A_964, %sub3A_938 : vector<128x512xf32>
    %add3A_966 = arith.constant 0.246640727 : f32
    %add3A_967 = vector.broadcast %add3A_966 : f32 to vector<128x512xf32>
    %add3A_968 = arith.addf %add3A_967, %mul3A_965 : vector<128x512xf32>
    %mul3A_969 = arith.mulf %add3A_968, %sub3A_938 : vector<128x512xf32>
    %add3A_970 = arith.constant 1.50140941 : f32
    %add3A_971 = vector.broadcast %add3A_970 : f32 to vector<128x512xf32>
    %add3A_972 = arith.addf %add3A_971, %mul3A_969 : vector<128x512xf32>
    %sqrt3A_973 = math.sqrt %neg3A_935 : vector<128x512xf32>
    %sub3A_974 = arith.constant 3.000000e+00 : f32
    %sub3A_975 = vector.broadcast %sub3A_974 : f32 to vector<128x512xf32>
    %sub3A_976 = arith.subf %sqrt3A_973, %sub3A_975 : vector<128x512xf32>
    %broadcast_in_dim3A_977 = arith.constant -2.00214257E-4 : f32
    %broadcast_in_dim3A_978 = vector.broadcast %broadcast_in_dim3A_977 : f32 to vector<128x512xf32>
    %mul3A_979 = arith.mulf %broadcast_in_dim3A_978, %sub3A_976 : vector<128x512xf32>
    %add3A_980 = arith.constant 1.00950558E-4 : f32
    %add3A_981 = vector.broadcast %add3A_980 : f32 to vector<128x512xf32>
    %add3A_982 = arith.addf %add3A_981, %mul3A_979 : vector<128x512xf32>
    %mul3A_983 = arith.mulf %add3A_982, %sub3A_976 : vector<128x512xf32>
    %add3A_984 = arith.constant 0.00134934322 : f32
    %add3A_985 = vector.broadcast %add3A_984 : f32 to vector<128x512xf32>
    %add3A_986 = arith.addf %add3A_985, %mul3A_983 : vector<128x512xf32>
    %mul3A_987 = arith.mulf %add3A_986, %sub3A_976 : vector<128x512xf32>
    %add3A_988 = arith.constant -0.00367342844 : f32
    %add3A_989 = vector.broadcast %add3A_988 : f32 to vector<128x512xf32>
    %add3A_990 = arith.addf %add3A_989, %mul3A_987 : vector<128x512xf32>
    %mul3A_991 = arith.mulf %add3A_990, %sub3A_976 : vector<128x512xf32>
    %add3A_992 = arith.constant 0.00573950773 : f32
    %add3A_993 = vector.broadcast %add3A_992 : f32 to vector<128x512xf32>
    %add3A_994 = arith.addf %add3A_993, %mul3A_991 : vector<128x512xf32>
    %mul3A_995 = arith.mulf %add3A_994, %sub3A_976 : vector<128x512xf32>
    %add3A_996 = arith.constant -0.0076224613 : f32
    %add3A_997 = vector.broadcast %add3A_996 : f32 to vector<128x512xf32>
    %add3A_998 = arith.addf %add3A_997, %mul3A_995 : vector<128x512xf32>
    %mul3A_999 = arith.mulf %add3A_998, %sub3A_976 : vector<128x512xf32>
    %add3A_1000 = arith.constant 0.00943887047 : f32
    %add3A_1001 = vector.broadcast %add3A_1000 : f32 to vector<128x512xf32>
    %add3A_1002 = arith.addf %add3A_1001, %mul3A_999 : vector<128x512xf32>
    %mul3A_1003 = arith.mulf %add3A_1002, %sub3A_976 : vector<128x512xf32>
    %add3A_1004 = arith.constant 1.00167406 : f32
    %add3A_1005 = vector.broadcast %add3A_1004 : f32 to vector<128x512xf32>
    %add3A_1006 = arith.addf %add3A_1005, %mul3A_1003 : vector<128x512xf32>
    %mul3A_1007 = arith.mulf %add3A_1006, %sub3A_976 : vector<128x512xf32>
    %add3A_1008 = arith.constant 2.83297682 : f32
    %add3A_1009 = vector.broadcast %add3A_1008 : f32 to vector<128x512xf32>
    %add3A_1010 = arith.addf %add3A_1009, %mul3A_1007 : vector<128x512xf32>
    %lt3A_1011 = arith.constant 5.000000e+00 : f32
    %lt3A_1012 = vector.broadcast %lt3A_1011 : f32 to vector<128x512xf32>
    %lt3A_1013 = arith.cmpf olt, %neg3A_935, %lt3A_1012 : vector<128x512xf32>
    %select_n3A_1014 = arith.select %lt3A_1013, %add3A_972, %add3A_1010 : vector<128x512xi1>, vector<128x512xf32>
    %mul3A_1015 = arith.mulf %select_n3A_1014, %max3A_924 : vector<128x512xf32>
    %mul3A_1016 = arith.constant 1.41421354 : f32
    %mul3A_1017 = vector.broadcast %mul3A_1016 : f32 to vector<128x512xf32>
    %mul3A_1018 = arith.mulf %mul3A_1017, %mul3A_1015 : vector<128x512xf32>
    %get3A_1019 = arith.constant 256 : index
    %get3A_1020 = arith.constant 0 : index
    %get3A_1021 = vector.load %arg4[%get3A_1019, %get3A_1020] : memref<1024x32xf32, #tpu.memory_space<vmem>>, vector<128x32xf32>
    %dot_general3A_1022 = arith.constant dense<0.000000e+00> : vector<128x512xf32>
    %dot_general3A_1023 = tpu.matmul %get3A_1021, %get3A_4, %dot_general3A_1022 {dimension_numbers = #tpu.dot_dimension_numbers<[1], [1], [0], [0], [0, 0, 1, 0], [], []>, transpose_lhs_hint = false} : vector<128x32xf32>, vector<512x32xf32>, vector<128x512xf32> -> vector<128x512xf32>
    %get3A_1024 = arith.constant 256 : index
    %get3A_1025 = arith.constant 0 : index
    %get3A_1026 = vector.load %arg5[%get3A_1024, %get3A_1025] : memref<1024x1xf32, #tpu.memory_space<vmem>>, vector<128x1xf32>
    %mul3A_1027 = vector.broadcast %get3A_1026 : vector<128x1xf32> to vector<128x512xf32>
    %mul3A_1028 = arith.mulf %mul3A_1027, %mul3A_1018 : vector<128x512xf32>
    %add3A_1029 = arith.addf %dot_general3A_1023, %mul3A_1028 : vector<128x512xf32>
    %swap3A_1030 = arith.constant 256 : index
    %swap3A_1031 = arith.constant 0 : index
    %swap3A_1032 = vector.load %arg3[%swap3A_1030, %swap3A_1031] : memref<1024x512xf32, #tpu.memory_space<vmem>>, vector<128x512xf32>
    tpu.vector_store %arg3[%swap3A_1030, %swap3A_1031], %add3A_1029 {strides = array<i32>} : memref<1024x512xf32, #tpu.memory_space<vmem>>, vector<128x512xf32>,
    %get3A_1033 = arith.constant 384 : index
    %get3A_1034 = arith.constant 0 : index
    %get3A_1035 = vector.load %arg6[%get3A_1033, %get3A_1034] : memref<1024x512xi32, #tpu.memory_space<vmem>>, vector<128x512xi32>
    %add3A_1036 = vector.broadcast %mul3A_2 : i32 to vector<128x512xi32>
    %add3A_1037 = arith.addi %get3A_1035, %add3A_1036 : vector<128x512xi32>
    %add3A_1038 = arith.constant -1314375903 : i32
    %add3A_1039 = vector.broadcast %add3A_1038 : i32 to vector<128x512xi32>
    %add3A_1040 = arith.addi %add3A_1037, %add3A_1039 : vector<128x512xi32>
    %add3A_1041 = arith.constant -1378843660 : i32
    %add3A_1042 = vector.broadcast %add3A_1041 : i32 to vector<128x512xi32>
    %add3A_1043 = arith.addi %add3A_1037, %add3A_1042 : vector<128x512xi32>
    %shift_left3A_1044 = arith.constant 13 : i32
    %shift_left3A_1045 = vector.broadcast %shift_left3A_1044 : i32 to vector<128x512xi32>
    %shift_left3A_1046 = arith.shli %add3A_1043, %shift_left3A_1045 : vector<128x512xi32>
    %shift_right_logical3A_1047 = arith.constant 19 : i32
    %shift_right_logical3A_1048 = vector.broadcast %shift_right_logical3A_1047 : i32 to vector<128x512xi32>
    %shift_right_logical3A_1049 = arith.shrui %add3A_1043, %shift_right_logical3A_1048 : vector<128x512xi32>
    %or3A_1050 = arith.ori %shift_left3A_1046, %shift_right_logical3A_1049 : vector<128x512xi32>
    %xor3A_1051 = arith.xori %or3A_1050, %add3A_1040 : vector<128x512xi32>
    %add3A_1052 = arith.addi %add3A_1040, %xor3A_1051 : vector<128x512xi32>
    %shift_left3A_1053 = arith.constant 15 : i32
    %shift_left3A_1054 = vector.broadcast %shift_left3A_1053 : i32 to vector<128x512xi32>
    %shift_left3A_1055 = arith.shli %xor3A_1051, %shift_left3A_1054 : vector<128x512xi32>
    %shift_right_logical3A_1056 = arith.constant 17 : i32
    %shift_right_logical3A_1057 = vector.broadcast %shift_right_logical3A_1056 : i32 to vector<128x512xi32>
    %shift_right_logical3A_1058 = arith.shrui %xor3A_1051, %shift_right_logical3A_1057 : vector<128x512xi32>
    %or3A_1059 = arith.ori %shift_left3A_1055, %shift_right_logical3A_1058 : vector<128x512xi32>
    %xor3A_1060 = arith.xori %or3A_1059, %add3A_1052 : vector<128x512xi32>
    %add3A_1061 = arith.addi %add3A_1052, %xor3A_1060 : vector<128x512xi32>
    %shift_left3A_1062 = arith.constant 26 : i32
    %shift_left3A_1063 = vector.broadcast %shift_left3A_1062 : i32 to vector<128x512xi32>
    %shift_left3A_1064 = arith.shli %xor3A_1060, %shift_left3A_1063 : vector<128x512xi32>
    %shift_right_logical3A_1065 = arith.constant 6 : i32
    %shift_right_logical3A_1066 = vector.broadcast %shift_right_logical3A_1065 : i32 to vector<128x512xi32>
    %shift_right_logical3A_1067 = arith.shrui %xor3A_1060, %shift_right_logical3A_1066 : vector<128x512xi32>
    %or3A_1068 = arith.ori %shift_left3A_1064, %shift_right_logical3A_1067 : vector<128x512xi32>
    %xor3A_1069 = arith.xori %or3A_1068, %add3A_1061 : vector<128x512xi32>
    %add3A_1070 = arith.addi %add3A_1061, %xor3A_1069 : vector<128x512xi32>
    %shift_left3A_1071 = arith.constant 6 : i32
    %shift_left3A_1072 = vector.broadcast %shift_left3A_1071 : i32 to vector<128x512xi32>
    %shift_left3A_1073 = arith.shli %xor3A_1069, %shift_left3A_1072 : vector<128x512xi32>
    %shift_right_logical3A_1074 = arith.constant 26 : i32
    %shift_right_logical3A_1075 = vector.broadcast %shift_right_logical3A_1074 : i32 to vector<128x512xi32>
    %shift_right_logical3A_1076 = arith.shrui %xor3A_1069, %shift_right_logical3A_1075 : vector<128x512xi32>
    %or3A_1077 = arith.ori %shift_left3A_1073, %shift_right_logical3A_1076 : vector<128x512xi32>
    %xor3A_1078 = arith.xori %or3A_1077, %add3A_1070 : vector<128x512xi32>
    %add3A_1079 = arith.constant -1378843660 : i32
    %add3A_1080 = vector.broadcast %add3A_1079 : i32 to vector<128x512xi32>
    %add3A_1081 = arith.addi %add3A_1070, %add3A_1080 : vector<128x512xi32>
    %add3A_1082 = arith.constant -1244255484 : i32
    %add3A_1083 = vector.broadcast %add3A_1082 : i32 to vector<128x512xi32>
    %add3A_1084 = arith.addi %xor3A_1078, %add3A_1083 : vector<128x512xi32>
    %add3A_1085 = arith.addi %add3A_1081, %add3A_1084 : vector<128x512xi32>
    %shift_left3A_1086 = arith.constant 17 : i32
    %shift_left3A_1087 = vector.broadcast %shift_left3A_1086 : i32 to vector<128x512xi32>
    %shift_left3A_1088 = arith.shli %add3A_1084, %shift_left3A_1087 : vector<128x512xi32>
    %shift_right_logical3A_1089 = arith.constant 15 : i32
    %shift_right_logical3A_1090 = vector.broadcast %shift_right_logical3A_1089 : i32 to vector<128x512xi32>
    %shift_right_logical3A_1091 = arith.shrui %add3A_1084, %shift_right_logical3A_1090 : vector<128x512xi32>
    %or3A_1092 = arith.ori %shift_left3A_1088, %shift_right_logical3A_1091 : vector<128x512xi32>
    %xor3A_1093 = arith.xori %or3A_1092, %add3A_1085 : vector<128x512xi32>
    %add3A_1094 = arith.addi %add3A_1085, %xor3A_1093 : vector<128x512xi32>
    %shift_left3A_1095 = arith.constant 29 : i32
    %shift_left3A_1096 = vector.broadcast %shift_left3A_1095 : i32 to vector<128x512xi32>
    %shift_left3A_1097 = arith.shli %xor3A_1093, %shift_left3A_1096 : vector<128x512xi32>
    %shift_right_logical3A_1098 = arith.constant 3 : i32
    %shift_right_logical3A_1099 = vector.broadcast %shift_right_logical3A_1098 : i32 to vector<128x512xi32>
    %shift_right_logical3A_1100 = arith.shrui %xor3A_1093, %shift_right_logical3A_1099 : vector<128x512xi32>
    %or3A_1101 = arith.ori %shift_left3A_1097, %shift_right_logical3A_1100 : vector<128x512xi32>
    %xor3A_1102 = arith.xori %or3A_1101, %add3A_1094 : vector<128x512xi32>
    %add3A_1103 = arith.addi %add3A_1094, %xor3A_1102 : vector<128x512xi32>
    %shift_left3A_1104 = arith.constant 16 : i32
    %shift_left3A_1105 = vector.broadcast %shift_left3A_1104 : i32 to vector<128x512xi32>
    %shift_left3A_1106 = arith.shli %xor3A_1102, %shift_left3A_1105 : vector<128x512xi32>
    %shift_right_logical3A_1107 = arith.constant 16 : i32
    %shift_right_logical3A_1108 = vector.broadcast %shift_right_logical3A_1107 : i32 to vector<128x512xi32>
    %shift_right_logical3A_1109 = arith.shrui %xor3A_1102, %shift_right_logical3A_1108 : vector<128x512xi32>
    %or3A_1110 = arith.ori %shift_left3A_1106, %shift_right_logical3A_1109 : vector<128x512xi32>
    %xor3A_1111 = arith.xori %or3A_1110, %add3A_1103 : vector<128x512xi32>
    %add3A_1112 = arith.addi %add3A_1103, %xor3A_1111 : vector<128x512xi32>
    %shift_left3A_1113 = arith.constant 24 : i32
    %shift_left3A_1114 = vector.broadcast %shift_left3A_1113 : i32 to vector<128x512xi32>
    %shift_left3A_1115 = arith.shli %xor3A_1111, %shift_left3A_1114 : vector<128x512xi32>
    %shift_right_logical3A_1116 = arith.constant 8 : i32
    %shift_right_logical3A_1117 = vector.broadcast %shift_right_logical3A_1116 : i32 to vector<128x512xi32>
    %shift_right_logical3A_1118 = arith.shrui %xor3A_1111, %shift_right_logical3A_1117 : vector<128x512xi32>
    %or3A_1119 = arith.ori %shift_left3A_1115, %shift_right_logical3A_1118 : vector<128x512xi32>
    %xor3A_1120 = arith.xori %or3A_1119, %add3A_1112 : vector<128x512xi32>
    %add3A_1121 = arith.constant -1244255485 : i32
    %add3A_1122 = vector.broadcast %add3A_1121 : i32 to vector<128x512xi32>
    %add3A_1123 = arith.addi %add3A_1112, %add3A_1122 : vector<128x512xi32>
    %add3A_1124 = arith.constant 64467759 : i32
    %add3A_1125 = vector.broadcast %add3A_1124 : i32 to vector<128x512xi32>
    %add3A_1126 = arith.addi %xor3A_1120, %add3A_1125 : vector<128x512xi32>
    %add3A_1127 = arith.addi %add3A_1123, %add3A_1126 : vector<128x512xi32>
    %shift_left3A_1128 = arith.constant 13 : i32
    %shift_left3A_1129 = vector.broadcast %shift_left3A_1128 : i32 to vector<128x512xi32>
    %shift_left3A_1130 = arith.shli %add3A_1126, %shift_left3A_1129 : vector<128x512xi32>
    %shift_right_logical3A_1131 = arith.constant 19 : i32
    %shift_right_logical3A_1132 = vector.broadcast %shift_right_logical3A_1131 : i32 to vector<128x512xi32>
    %shift_right_logical3A_1133 = arith.shrui %add3A_1126, %shift_right_logical3A_1132 : vector<128x512xi32>
    %or3A_1134 = arith.ori %shift_left3A_1130, %shift_right_logical3A_1133 : vector<128x512xi32>
    %xor3A_1135 = arith.xori %or3A_1134, %add3A_1127 : vector<128x512xi32>
    %add3A_1136 = arith.addi %add3A_1127, %xor3A_1135 : vector<128x512xi32>
    %shift_left3A_1137 = arith.constant 15 : i32
    %shift_left3A_1138 = vector.broadcast %shift_left3A_1137 : i32 to vector<128x512xi32>
    %shift_left3A_1139 = arith.shli %xor3A_1135, %shift_left3A_1138 : vector<128x512xi32>
    %shift_right_logical3A_1140 = arith.constant 17 : i32
    %shift_right_logical3A_1141 = vector.broadcast %shift_right_logical3A_1140 : i32 to vector<128x512xi32>
    %shift_right_logical3A_1142 = arith.shrui %xor3A_1135, %shift_right_logical3A_1141 : vector<128x512xi32>
    %or3A_1143 = arith.ori %shift_left3A_1139, %shift_right_logical3A_1142 : vector<128x512xi32>
    %xor3A_1144 = arith.xori %or3A_1143, %add3A_1136 : vector<128x512xi32>
    %add3A_1145 = arith.addi %add3A_1136, %xor3A_1144 : vector<128x512xi32>
    %shift_left3A_1146 = arith.constant 26 : i32
    %shift_left3A_1147 = vector.broadcast %shift_left3A_1146 : i32 to vector<128x512xi32>
    %shift_left3A_1148 = arith.shli %xor3A_1144, %shift_left3A_1147 : vector<128x512xi32>
    %shift_right_logical3A_1149 = arith.constant 6 : i32
    %shift_right_logical3A_1150 = vector.broadcast %shift_right_logical3A_1149 : i32 to vector<128x512xi32>
    %shift_right_logical3A_1151 = arith.shrui %xor3A_1144, %shift_right_logical3A_1150 : vector<128x512xi32>
    %or3A_1152 = arith.ori %shift_left3A_1148, %shift_right_logical3A_1151 : vector<128x512xi32>
    %xor3A_1153 = arith.xori %or3A_1152, %add3A_1145 : vector<128x512xi32>
    %add3A_1154 = arith.addi %add3A_1145, %xor3A_1153 : vector<128x512xi32>
    %shift_left3A_1155 = arith.constant 6 : i32
    %shift_left3A_1156 = vector.broadcast %shift_left3A_1155 : i32 to vector<128x512xi32>
    %shift_left3A_1157 = arith.shli %xor3A_1153, %shift_left3A_1156 : vector<128x512xi32>
    %shift_right_logical3A_1158 = arith.constant 26 : i32
    %shift_right_logical3A_1159 = vector.broadcast %shift_right_logical3A_1158 : i32 to vector<128x512xi32>
    %shift_right_logical3A_1160 = arith.shrui %xor3A_1153, %shift_right_logical3A_1159 : vector<128x512xi32>
    %or3A_1161 = arith.ori %shift_left3A_1157, %shift_right_logical3A_1160 : vector<128x512xi32>
    %xor3A_1162 = arith.xori %or3A_1161, %add3A_1154 : vector<128x512xi32>
    %add3A_1163 = arith.constant 64467757 : i32
    %add3A_1164 = vector.broadcast %add3A_1163 : i32 to vector<128x512xi32>
    %add3A_1165 = arith.addi %add3A_1154, %add3A_1164 : vector<128x512xi32>
    %add3A_1166 = arith.constant -1378843657 : i32
    %add3A_1167 = vector.broadcast %add3A_1166 : i32 to vector<128x512xi32>
    %add3A_1168 = arith.addi %xor3A_1162, %add3A_1167 : vector<128x512xi32>
    %add3A_1169 = arith.addi %add3A_1165, %add3A_1168 : vector<128x512xi32>
    %shift_left3A_1170 = arith.constant 17 : i32
    %shift_left3A_1171 = vector.broadcast %shift_left3A_1170 : i32 to vector<128x512xi32>
    %shift_left3A_1172 = arith.shli %add3A_1168, %shift_left3A_1171 : vector<128x512xi32>
    %shift_right_logical3A_1173 = arith.constant 15 : i32
    %shift_right_logical3A_1174 = vector.broadcast %shift_right_logical3A_1173 : i32 to vector<128x512xi32>
    %shift_right_logical3A_1175 = arith.shrui %add3A_1168, %shift_right_logical3A_1174 : vector<128x512xi32>
    %or3A_1176 = arith.ori %shift_left3A_1172, %shift_right_logical3A_1175 : vector<128x512xi32>
    %xor3A_1177 = arith.xori %or3A_1176, %add3A_1169 : vector<128x512xi32>
    %add3A_1178 = arith.addi %add3A_1169, %xor3A_1177 : vector<128x512xi32>
    %shift_left3A_1179 = arith.constant 29 : i32
    %shift_left3A_1180 = vector.broadcast %shift_left3A_1179 : i32 to vector<128x512xi32>
    %shift_left3A_1181 = arith.shli %xor3A_1177, %shift_left3A_1180 : vector<128x512xi32>
    %shift_right_logical3A_1182 = arith.constant 3 : i32
    %shift_right_logical3A_1183 = vector.broadcast %shift_right_logical3A_1182 : i32 to vector<128x512xi32>
    %shift_right_logical3A_1184 = arith.shrui %xor3A_1177, %shift_right_logical3A_1183 : vector<128x512xi32>
    %or3A_1185 = arith.ori %shift_left3A_1181, %shift_right_logical3A_1184 : vector<128x512xi32>
    %xor3A_1186 = arith.xori %or3A_1185, %add3A_1178 : vector<128x512xi32>
    %add3A_1187 = arith.addi %add3A_1178, %xor3A_1186 : vector<128x512xi32>
    %shift_left3A_1188 = arith.constant 16 : i32
    %shift_left3A_1189 = vector.broadcast %shift_left3A_1188 : i32 to vector<128x512xi32>
    %shift_left3A_1190 = arith.shli %xor3A_1186, %shift_left3A_1189 : vector<128x512xi32>
    %shift_right_logical3A_1191 = arith.constant 16 : i32
    %shift_right_logical3A_1192 = vector.broadcast %shift_right_logical3A_1191 : i32 to vector<128x512xi32>
    %shift_right_logical3A_1193 = arith.shrui %xor3A_1186, %shift_right_logical3A_1192 : vector<128x512xi32>
    %or3A_1194 = arith.ori %shift_left3A_1190, %shift_right_logical3A_1193 : vector<128x512xi32>
    %xor3A_1195 = arith.xori %or3A_1194, %add3A_1187 : vector<128x512xi32>
    %add3A_1196 = arith.addi %add3A_1187, %xor3A_1195 : vector<128x512xi32>
    %shift_left3A_1197 = arith.constant 24 : i32
    %shift_left3A_1198 = vector.broadcast %shift_left3A_1197 : i32 to vector<128x512xi32>
    %shift_left3A_1199 = arith.shli %xor3A_1195, %shift_left3A_1198 : vector<128x512xi32>
    %shift_right_logical3A_1200 = arith.constant 8 : i32
    %shift_right_logical3A_1201 = vector.broadcast %shift_right_logical3A_1200 : i32 to vector<128x512xi32>
    %shift_right_logical3A_1202 = arith.shrui %xor3A_1195, %shift_right_logical3A_1201 : vector<128x512xi32>
    %or3A_1203 = arith.ori %shift_left3A_1199, %shift_right_logical3A_1202 : vector<128x512xi32>
    %xor3A_1204 = arith.xori %or3A_1203, %add3A_1196 : vector<128x512xi32>
    %add3A_1205 = arith.constant -1378843660 : i32
    %add3A_1206 = vector.broadcast %add3A_1205 : i32 to vector<128x512xi32>
    %add3A_1207 = arith.addi %add3A_1196, %add3A_1206 : vector<128x512xi32>
    %add3A_1208 = arith.constant -1244255481 : i32
    %add3A_1209 = vector.broadcast %add3A_1208 : i32 to vector<128x512xi32>
    %add3A_1210 = arith.addi %xor3A_1204, %add3A_1209 : vector<128x512xi32>
    %add3A_1211 = arith.addi %add3A_1207, %add3A_1210 : vector<128x512xi32>
    %shift_left3A_1212 = arith.constant 13 : i32
    %shift_left3A_1213 = vector.broadcast %shift_left3A_1212 : i32 to vector<128x512xi32>
    %shift_left3A_1214 = arith.shli %add3A_1210, %shift_left3A_1213 : vector<128x512xi32>
    %shift_right_logical3A_1215 = arith.constant 19 : i32
    %shift_right_logical3A_1216 = vector.broadcast %shift_right_logical3A_1215 : i32 to vector<128x512xi32>
    %shift_right_logical3A_1217 = arith.shrui %add3A_1210, %shift_right_logical3A_1216 : vector<128x512xi32>
    %or3A_1218 = arith.ori %shift_left3A_1214, %shift_right_logical3A_1217 : vector<128x512xi32>
    %xor3A_1219 = arith.xori %or3A_1218, %add3A_1211 : vector<128x512xi32>
    %add3A_1220 = arith.addi %add3A_1211, %xor3A_1219 : vector<128x512xi32>
    %shift_left3A_1221 = arith.constant 15 : i32
    %shift_left3A_1222 = vector.broadcast %shift_left3A_1221 : i32 to vector<128x512xi32>
    %shift_left3A_1223 = arith.shli %xor3A_1219, %shift_left3A_1222 : vector<128x512xi32>
    %shift_right_logical3A_1224 = arith.constant 17 : i32
    %shift_right_logical3A_1225 = vector.broadcast %shift_right_logical3A_1224 : i32 to vector<128x512xi32>
    %shift_right_logical3A_1226 = arith.shrui %xor3A_1219, %shift_right_logical3A_1225 : vector<128x512xi32>
    %or3A_1227 = arith.ori %shift_left3A_1223, %shift_right_logical3A_1226 : vector<128x512xi32>
    %xor3A_1228 = arith.xori %or3A_1227, %add3A_1220 : vector<128x512xi32>
    %add3A_1229 = arith.addi %add3A_1220, %xor3A_1228 : vector<128x512xi32>
    %shift_left3A_1230 = arith.constant 26 : i32
    %shift_left3A_1231 = vector.broadcast %shift_left3A_1230 : i32 to vector<128x512xi32>
    %shift_left3A_1232 = arith.shli %xor3A_1228, %shift_left3A_1231 : vector<128x512xi32>
    %shift_right_logical3A_1233 = arith.constant 6 : i32
    %shift_right_logical3A_1234 = vector.broadcast %shift_right_logical3A_1233 : i32 to vector<128x512xi32>
    %shift_right_logical3A_1235 = arith.shrui %xor3A_1228, %shift_right_logical3A_1234 : vector<128x512xi32>
    %or3A_1236 = arith.ori %shift_left3A_1232, %shift_right_logical3A_1235 : vector<128x512xi32>
    %xor3A_1237 = arith.xori %or3A_1236, %add3A_1229 : vector<128x512xi32>
    %add3A_1238 = arith.addi %add3A_1229, %xor3A_1237 : vector<128x512xi32>
    %shift_left3A_1239 = arith.constant 6 : i32
    %shift_left3A_1240 = vector.broadcast %shift_left3A_1239 : i32 to vector<128x512xi32>
    %shift_left3A_1241 = arith.shli %xor3A_1237, %shift_left3A_1240 : vector<128x512xi32>
    %shift_right_logical3A_1242 = arith.constant 26 : i32
    %shift_right_logical3A_1243 = vector.broadcast %shift_right_logical3A_1242 : i32 to vector<128x512xi32>
    %shift_right_logical3A_1244 = arith.shrui %xor3A_1237, %shift_right_logical3A_1243 : vector<128x512xi32>
    %or3A_1245 = arith.ori %shift_left3A_1241, %shift_right_logical3A_1244 : vector<128x512xi32>
    %xor3A_1246 = arith.xori %or3A_1245, %add3A_1238 : vector<128x512xi32>
    %add3A_1247 = arith.constant -1244255485 : i32
    %add3A_1248 = vector.broadcast %add3A_1247 : i32 to vector<128x512xi32>
    %add3A_1249 = arith.addi %add3A_1238, %add3A_1248 : vector<128x512xi32>
    %add3A_1250 = arith.constant 64467762 : i32
    %add3A_1251 = vector.broadcast %add3A_1250 : i32 to vector<128x512xi32>
    %add3A_1252 = arith.addi %xor3A_1246, %add3A_1251 : vector<128x512xi32>
    %xor3A_1253 = arith.xori %add3A_1249, %add3A_1252 : vector<128x512xi32>
    %shift_right_logical3A_1254 = arith.constant 9 : i32
    %shift_right_logical3A_1255 = vector.broadcast %shift_right_logical3A_1254 : i32 to vector<128x512xi32>
    %shift_right_logical3A_1256 = arith.shrui %xor3A_1253, %shift_right_logical3A_1255 : vector<128x512xi32>
    %or3A_1257 = arith.constant 1065353216 : i32
    %or3A_1258 = vector.broadcast %or3A_1257 : i32 to vector<128x512xi32>
    %or3A_1259 = arith.ori %shift_right_logical3A_1256, %or3A_1258 : vector<128x512xi32>
    %bitcast_convert_type3A_1260 = tpu.bitcast %or3A_1259 : vector<128x512xi32> -> vector<128x512xf32>
    %sub3A_1261 = arith.constant 1.000000e+00 : f32
    %sub3A_1262 = vector.broadcast %sub3A_1261 : f32 to vector<128x512xf32>
    %sub3A_1263 = arith.subf %bitcast_convert_type3A_1260, %sub3A_1262 : vector<128x512xf32>
    %mul3A_1264 = arith.constant 2.000000e+00 : f32
    %mul3A_1265 = vector.broadcast %mul3A_1264 : f32 to vector<128x512xf32>
    %mul3A_1266 = arith.mulf %sub3A_1263, %mul3A_1265 : vector<128x512xf32>
    %add3A_1267 = arith.constant -0.99999994 : f32
    %add3A_1268 = vector.broadcast %add3A_1267 : f32 to vector<128x512xf32>
    %add3A_1269 = arith.addf %mul3A_1266, %add3A_1268 : vector<128x512xf32>
    %max3A_1270 = arith.constant -0.99999994 : f32
    %max3A_1271 = vector.broadcast %max3A_1270 : f32 to vector<128x512xf32>
    %max3A_1272 = arith.maximumf %max3A_1271, %add3A_1269 : vector<128x512xf32>
    %sub3A_1273 = arith.constant 1.000000e+00 : f32
    %sub3A_1274 = vector.broadcast %sub3A_1273 : f32 to vector<128x512xf32>
    %sub3A_1275 = arith.subf %sub3A_1274, %max3A_1272 : vector<128x512xf32>
    %add3A_1276 = arith.constant 1.000000e+00 : f32
    %add3A_1277 = vector.broadcast %add3A_1276 : f32 to vector<128x512xf32>
    %add3A_1278 = arith.addf %add3A_1277, %max3A_1272 : vector<128x512xf32>
    %mul3A_1279 = arith.mulf %sub3A_1275, %add3A_1278 : vector<128x512xf32>
    %log3A_1280 = math.log %mul3A_1279 : vector<128x512xf32>
    %neg3A_1281 = arith.constant 0.000000e+00 : f32
    %neg3A_1282 = vector.broadcast %neg3A_1281 : f32 to vector<128x512xf32>
    %neg3A_1283 = arith.subf %neg3A_1282, %log3A_1280 : vector<128x512xf32>
    %sub3A_1284 = arith.constant 2.500000e+00 : f32
    %sub3A_1285 = vector.broadcast %sub3A_1284 : f32 to vector<128x512xf32>
    %sub3A_1286 = arith.subf %neg3A_1283, %sub3A_1285 : vector<128x512xf32>
    %broadcast_in_dim3A_1287 = arith.constant 2.81022636E-8 : f32
    %broadcast_in_dim3A_1288 = vector.broadcast %broadcast_in_dim3A_1287 : f32 to vector<128x512xf32>
    %mul3A_1289 = arith.mulf %broadcast_in_dim3A_1288, %sub3A_1286 : vector<128x512xf32>
    %add3A_1290 = arith.constant 3.43273939E-7 : f32
    %add3A_1291 = vector.broadcast %add3A_1290 : f32 to vector<128x512xf32>
    %add3A_1292 = arith.addf %add3A_1291, %mul3A_1289 : vector<128x512xf32>
    %mul3A_1293 = arith.mulf %add3A_1292, %sub3A_1286 : vector<128x512xf32>
    %add3A_1294 = arith.constant -3.5233877E-6 : f32
    %add3A_1295 = vector.broadcast %add3A_1294 : f32 to vector<128x512xf32>
    %add3A_1296 = arith.addf %add3A_1295, %mul3A_1293 : vector<128x512xf32>
    %mul3A_1297 = arith.mulf %add3A_1296, %sub3A_1286 : vector<128x512xf32>
    %add3A_1298 = arith.constant -4.39150654E-6 : f32
    %add3A_1299 = vector.broadcast %add3A_1298 : f32 to vector<128x512xf32>
    %add3A_1300 = arith.addf %add3A_1299, %mul3A_1297 : vector<128x512xf32>
    %mul3A_1301 = arith.mulf %add3A_1300, %sub3A_1286 : vector<128x512xf32>
    %add3A_1302 = arith.constant 2.1858087E-4 : f32
    %add3A_1303 = vector.broadcast %add3A_1302 : f32 to vector<128x512xf32>
    %add3A_1304 = arith.addf %add3A_1303, %mul3A_1301 : vector<128x512xf32>
    %mul3A_1305 = arith.mulf %add3A_1304, %sub3A_1286 : vector<128x512xf32>
    %add3A_1306 = arith.constant -0.00125372503 : f32
    %add3A_1307 = vector.broadcast %add3A_1306 : f32 to vector<128x512xf32>
    %add3A_1308 = arith.addf %add3A_1307, %mul3A_1305 : vector<128x512xf32>
    %mul3A_1309 = arith.mulf %add3A_1308, %sub3A_1286 : vector<128x512xf32>
    %add3A_1310 = arith.constant -0.00417768164 : f32
    %add3A_1311 = vector.broadcast %add3A_1310 : f32 to vector<128x512xf32>
    %add3A_1312 = arith.addf %add3A_1311, %mul3A_1309 : vector<128x512xf32>
    %mul3A_1313 = arith.mulf %add3A_1312, %sub3A_1286 : vector<128x512xf32>
    %add3A_1314 = arith.constant 0.246640727 : f32
    %add3A_1315 = vector.broadcast %add3A_1314 : f32 to vector<128x512xf32>
    %add3A_1316 = arith.addf %add3A_1315, %mul3A_1313 : vector<128x512xf32>
    %mul3A_1317 = arith.mulf %add3A_1316, %sub3A_1286 : vector<128x512xf32>
    %add3A_1318 = arith.constant 1.50140941 : f32
    %add3A_1319 = vector.broadcast %add3A_1318 : f32 to vector<128x512xf32>
    %add3A_1320 = arith.addf %add3A_1319, %mul3A_1317 : vector<128x512xf32>
    %sqrt3A_1321 = math.sqrt %neg3A_1283 : vector<128x512xf32>
    %sub3A_1322 = arith.constant 3.000000e+00 : f32
    %sub3A_1323 = vector.broadcast %sub3A_1322 : f32 to vector<128x512xf32>
    %sub3A_1324 = arith.subf %sqrt3A_1321, %sub3A_1323 : vector<128x512xf32>
    %broadcast_in_dim3A_1325 = arith.constant -2.00214257E-4 : f32
    %broadcast_in_dim3A_1326 = vector.broadcast %broadcast_in_dim3A_1325 : f32 to vector<128x512xf32>
    %mul3A_1327 = arith.mulf %broadcast_in_dim3A_1326, %sub3A_1324 : vector<128x512xf32>
    %add3A_1328 = arith.constant 1.00950558E-4 : f32
    %add3A_1329 = vector.broadcast %add3A_1328 : f32 to vector<128x512xf32>
    %add3A_1330 = arith.addf %add3A_1329, %mul3A_1327 : vector<128x512xf32>
    %mul3A_1331 = arith.mulf %add3A_1330, %sub3A_1324 : vector<128x512xf32>
    %add3A_1332 = arith.constant 0.00134934322 : f32
    %add3A_1333 = vector.broadcast %add3A_1332 : f32 to vector<128x512xf32>
    %add3A_1334 = arith.addf %add3A_1333, %mul3A_1331 : vector<128x512xf32>
    %mul3A_1335 = arith.mulf %add3A_1334, %sub3A_1324 : vector<128x512xf32>
    %add3A_1336 = arith.constant -0.00367342844 : f32
    %add3A_1337 = vector.broadcast %add3A_1336 : f32 to vector<128x512xf32>
    %add3A_1338 = arith.addf %add3A_1337, %mul3A_1335 : vector<128x512xf32>
    %mul3A_1339 = arith.mulf %add3A_1338, %sub3A_1324 : vector<128x512xf32>
    %add3A_1340 = arith.constant 0.00573950773 : f32
    %add3A_1341 = vector.broadcast %add3A_1340 : f32 to vector<128x512xf32>
    %add3A_1342 = arith.addf %add3A_1341, %mul3A_1339 : vector<128x512xf32>
    %mul3A_1343 = arith.mulf %add3A_1342, %sub3A_1324 : vector<128x512xf32>
    %add3A_1344 = arith.constant -0.0076224613 : f32
    %add3A_1345 = vector.broadcast %add3A_1344 : f32 to vector<128x512xf32>
    %add3A_1346 = arith.addf %add3A_1345, %mul3A_1343 : vector<128x512xf32>
    %mul3A_1347 = arith.mulf %add3A_1346, %sub3A_1324 : vector<128x512xf32>
    %add3A_1348 = arith.constant 0.00943887047 : f32
    %add3A_1349 = vector.broadcast %add3A_1348 : f32 to vector<128x512xf32>
    %add3A_1350 = arith.addf %add3A_1349, %mul3A_1347 : vector<128x512xf32>
    %mul3A_1351 = arith.mulf %add3A_1350, %sub3A_1324 : vector<128x512xf32>
    %add3A_1352 = arith.constant 1.00167406 : f32
    %add3A_1353 = vector.broadcast %add3A_1352 : f32 to vector<128x512xf32>
    %add3A_1354 = arith.addf %add3A_1353, %mul3A_1351 : vector<128x512xf32>
    %mul3A_1355 = arith.mulf %add3A_1354, %sub3A_1324 : vector<128x512xf32>
    %add3A_1356 = arith.constant 2.83297682 : f32
    %add3A_1357 = vector.broadcast %add3A_1356 : f32 to vector<128x512xf32>
    %add3A_1358 = arith.addf %add3A_1357, %mul3A_1355 : vector<128x512xf32>
    %lt3A_1359 = arith.constant 5.000000e+00 : f32
    %lt3A_1360 = vector.broadcast %lt3A_1359 : f32 to vector<128x512xf32>
    %lt3A_1361 = arith.cmpf olt, %neg3A_1283, %lt3A_1360 : vector<128x512xf32>
    %select_n3A_1362 = arith.select %lt3A_1361, %add3A_1320, %add3A_1358 : vector<128x512xi1>, vector<128x512xf32>
    %mul3A_1363 = arith.mulf %select_n3A_1362, %max3A_1272 : vector<128x512xf32>
    %mul3A_1364 = arith.constant 1.41421354 : f32
    %mul3A_1365 = vector.broadcast %mul3A_1364 : f32 to vector<128x512xf32>
    %mul3A_1366 = arith.mulf %mul3A_1365, %mul3A_1363 : vector<128x512xf32>
    %get3A_1367 = arith.constant 384 : index
    %get3A_1368 = arith.constant 0 : index
    %get3A_1369 = vector.load %arg4[%get3A_1367, %get3A_1368] : memref<1024x32xf32, #tpu.memory_space<vmem>>, vector<128x32xf32>
    %dot_general3A_1370 = arith.constant dense<0.000000e+00> : vector<128x512xf32>
    %dot_general3A_1371 = tpu.matmul %get3A_1369, %get3A_4, %dot_general3A_1370 {dimension_numbers = #tpu.dot_dimension_numbers<[1], [1], [0], [0], [0, 0, 1, 0], [], []>, transpose_lhs_hint = false} : vector<128x32xf32>, vector<512x32xf32>, vector<128x512xf32> -> vector<128x512xf32>
    %get3A_1372 = arith.constant 384 : index
    %get3A_1373 = arith.constant 0 : index
    %get3A_1374 = vector.load %arg5[%get3A_1372, %get3A_1373] : memref<1024x1xf32, #tpu.memory_space<vmem>>, vector<128x1xf32>
    %mul3A_1375 = vector.broadcast %get3A_1374 : vector<128x1xf32> to vector<128x512xf32>
    %mul3A_1376 = arith.mulf %mul3A_1375, %mul3A_1366 : vector<128x512xf32>
    %add3A_1377 = arith.addf %dot_general3A_1371, %mul3A_1376 : vector<128x512xf32>
    %swap3A_1378 = arith.constant 384 : index
    %swap3A_1379 = arith.constant 0 : index
    %swap3A_1380 = vector.load %arg3[%swap3A_1378, %swap3A_1379] : memref<1024x512xf32, #tpu.memory_space<vmem>>, vector<128x512xf32>
    tpu.vector_store %arg3[%swap3A_1378, %swap3A_1379], %add3A_1377 {strides = array<i32>} : memref<1024x512xf32, #tpu.memory_space<vmem>>, vector<128x512xf32>,
    %get3A_1381 = arith.constant 512 : index
    %get3A_1382 = arith.constant 0 : index
    %get3A_1383 = vector.load %arg6[%get3A_1381, %get3A_1382] : memref<1024x512xi32, #tpu.memory_space<vmem>>, vector<128x512xi32>
    %add3A_1384 = vector.broadcast %mul3A_2 : i32 to vector<128x512xi32>
    %add3A_1385 = arith.addi %get3A_1383, %add3A_1384 : vector<128x512xi32>
    %add3A_1386 = arith.constant -1314375903 : i32
    %add3A_1387 = vector.broadcast %add3A_1386 : i32 to vector<128x512xi32>
    %add3A_1388 = arith.addi %add3A_1385, %add3A_1387 : vector<128x512xi32>
    %add3A_1389 = arith.constant -1378843660 : i32
    %add3A_1390 = vector.broadcast %add3A_1389 : i32 to vector<128x512xi32>
    %add3A_1391 = arith.addi %add3A_1385, %add3A_1390 : vector<128x512xi32>
    %shift_left3A_1392 = arith.constant 13 : i32
    %shift_left3A_1393 = vector.broadcast %shift_left3A_1392 : i32 to vector<128x512xi32>
    %shift_left3A_1394 = arith.shli %add3A_1391, %shift_left3A_1393 : vector<128x512xi32>
    %shift_right_logical3A_1395 = arith.constant 19 : i32
    %shift_right_logical3A_1396 = vector.broadcast %shift_right_logical3A_1395 : i32 to vector<128x512xi32>
    %shift_right_logical3A_1397 = arith.shrui %add3A_1391, %shift_right_logical3A_1396 : vector<128x512xi32>
    %or3A_1398 = arith.ori %shift_left3A_1394, %shift_right_logical3A_1397 : vector<128x512xi32>
    %xor3A_1399 = arith.xori %or3A_1398, %add3A_1388 : vector<128x512xi32>
    %add3A_1400 = arith.addi %add3A_1388, %xor3A_1399 : vector<128x512xi32>
    %shift_left3A_1401 = arith.constant 15 : i32
    %shift_left3A_1402 = vector.broadcast %shift_left3A_1401 : i32 to vector<128x512xi32>
    %shift_left3A_1403 = arith.shli %xor3A_1399, %shift_left3A_1402 : vector<128x512xi32>
    %shift_right_logical3A_1404 = arith.constant 17 : i32
    %shift_right_logical3A_1405 = vector.broadcast %shift_right_logical3A_1404 : i32 to vector<128x512xi32>
    %shift_right_logical3A_1406 = arith.shrui %xor3A_1399, %shift_right_logical3A_1405 : vector<128x512xi32>
    %or3A_1407 = arith.ori %shift_left3A_1403, %shift_right_logical3A_1406 : vector<128x512xi32>
    %xor3A_1408 = arith.xori %or3A_1407, %add3A_1400 : vector<128x512xi32>
    %add3A_1409 = arith.addi %add3A_1400, %xor3A_1408 : vector<128x512xi32>
    %shift_left3A_1410 = arith.constant 26 : i32
    %shift_left3A_1411 = vector.broadcast %shift_left3A_1410 : i32 to vector<128x512xi32>
    %shift_left3A_1412 = arith.shli %xor3A_1408, %shift_left3A_1411 : vector<128x512xi32>
    %shift_right_logical3A_1413 = arith.constant 6 : i32
    %shift_right_logical3A_1414 = vector.broadcast %shift_right_logical3A_1413 : i32 to vector<128x512xi32>
    %shift_right_logical3A_1415 = arith.shrui %xor3A_1408, %shift_right_logical3A_1414 : vector<128x512xi32>
    %or3A_1416 = arith.ori %shift_left3A_1412, %shift_right_logical3A_1415 : vector<128x512xi32>
    %xor3A_1417 = arith.xori %or3A_1416, %add3A_1409 : vector<128x512xi32>
    %add3A_1418 = arith.addi %add3A_1409, %xor3A_1417 : vector<128x512xi32>
    %shift_left3A_1419 = arith.constant 6 : i32
    %shift_left3A_1420 = vector.broadcast %shift_left3A_1419 : i32 to vector<128x512xi32>
    %shift_left3A_1421 = arith.shli %xor3A_1417, %shift_left3A_1420 : vector<128x512xi32>
    %shift_right_logical3A_1422 = arith.constant 26 : i32
    %shift_right_logical3A_1423 = vector.broadcast %shift_right_logical3A_1422 : i32 to vector<128x512xi32>
    %shift_right_logical3A_1424 = arith.shrui %xor3A_1417, %shift_right_logical3A_1423 : vector<128x512xi32>
    %or3A_1425 = arith.ori %shift_left3A_1421, %shift_right_logical3A_1424 : vector<128x512xi32>
    %xor3A_1426 = arith.xori %or3A_1425, %add3A_1418 : vector<128x512xi32>
    %add3A_1427 = arith.constant -1378843660 : i32
    %add3A_1428 = vector.broadcast %add3A_1427 : i32 to vector<128x512xi32>
    %add3A_1429 = arith.addi %add3A_1418, %add3A_1428 : vector<128x512xi32>
    %add3A_1430 = arith.constant -1244255484 : i32
    %add3A_1431 = vector.broadcast %add3A_1430 : i32 to vector<128x512xi32>
    %add3A_1432 = arith.addi %xor3A_1426, %add3A_1431 : vector<128x512xi32>
    %add3A_1433 = arith.addi %add3A_1429, %add3A_1432 : vector<128x512xi32>
    %shift_left3A_1434 = arith.constant 17 : i32
    %shift_left3A_1435 = vector.broadcast %shift_left3A_1434 : i32 to vector<128x512xi32>
    %shift_left3A_1436 = arith.shli %add3A_1432, %shift_left3A_1435 : vector<128x512xi32>
    %shift_right_logical3A_1437 = arith.constant 15 : i32
    %shift_right_logical3A_1438 = vector.broadcast %shift_right_logical3A_1437 : i32 to vector<128x512xi32>
    %shift_right_logical3A_1439 = arith.shrui %add3A_1432, %shift_right_logical3A_1438 : vector<128x512xi32>
    %or3A_1440 = arith.ori %shift_left3A_1436, %shift_right_logical3A_1439 : vector<128x512xi32>
    %xor3A_1441 = arith.xori %or3A_1440, %add3A_1433 : vector<128x512xi32>
    %add3A_1442 = arith.addi %add3A_1433, %xor3A_1441 : vector<128x512xi32>
    %shift_left3A_1443 = arith.constant 29 : i32
    %shift_left3A_1444 = vector.broadcast %shift_left3A_1443 : i32 to vector<128x512xi32>
    %shift_left3A_1445 = arith.shli %xor3A_1441, %shift_left3A_1444 : vector<128x512xi32>
    %shift_right_logical3A_1446 = arith.constant 3 : i32
    %shift_right_logical3A_1447 = vector.broadcast %shift_right_logical3A_1446 : i32 to vector<128x512xi32>
    %shift_right_logical3A_1448 = arith.shrui %xor3A_1441, %shift_right_logical3A_1447 : vector<128x512xi32>
    %or3A_1449 = arith.ori %shift_left3A_1445, %shift_right_logical3A_1448 : vector<128x512xi32>
    %xor3A_1450 = arith.xori %or3A_1449, %add3A_1442 : vector<128x512xi32>
    %add3A_1451 = arith.addi %add3A_1442, %xor3A_1450 : vector<128x512xi32>
    %shift_left3A_1452 = arith.constant 16 : i32
    %shift_left3A_1453 = vector.broadcast %shift_left3A_1452 : i32 to vector<128x512xi32>
    %shift_left3A_1454 = arith.shli %xor3A_1450, %shift_left3A_1453 : vector<128x512xi32>
    %shift_right_logical3A_1455 = arith.constant 16 : i32
    %shift_right_logical3A_1456 = vector.broadcast %shift_right_logical3A_1455 : i32 to vector<128x512xi32>
    %shift_right_logical3A_1457 = arith.shrui %xor3A_1450, %shift_right_logical3A_1456 : vector<128x512xi32>
    %or3A_1458 = arith.ori %shift_left3A_1454, %shift_right_logical3A_1457 : vector<128x512xi32>
    %xor3A_1459 = arith.xori %or3A_1458, %add3A_1451 : vector<128x512xi32>
    %add3A_1460 = arith.addi %add3A_1451, %xor3A_1459 : vector<128x512xi32>
    %shift_left3A_1461 = arith.constant 24 : i32
    %shift_left3A_1462 = vector.broadcast %shift_left3A_1461 : i32 to vector<128x512xi32>
    %shift_left3A_1463 = arith.shli %xor3A_1459, %shift_left3A_1462 : vector<128x512xi32>
    %shift_right_logical3A_1464 = arith.constant 8 : i32
    %shift_right_logical3A_1465 = vector.broadcast %shift_right_logical3A_1464 : i32 to vector<128x512xi32>
    %shift_right_logical3A_1466 = arith.shrui %xor3A_1459, %shift_right_logical3A_1465 : vector<128x512xi32>
    %or3A_1467 = arith.ori %shift_left3A_1463, %shift_right_logical3A_1466 : vector<128x512xi32>
    %xor3A_1468 = arith.xori %or3A_1467, %add3A_1460 : vector<128x512xi32>
    %add3A_1469 = arith.constant -1244255485 : i32
    %add3A_1470 = vector.broadcast %add3A_1469 : i32 to vector<128x512xi32>
    %add3A_1471 = arith.addi %add3A_1460, %add3A_1470 : vector<128x512xi32>
    %add3A_1472 = arith.constant 64467759 : i32
    %add3A_1473 = vector.broadcast %add3A_1472 : i32 to vector<128x512xi32>
    %add3A_1474 = arith.addi %xor3A_1468, %add3A_1473 : vector<128x512xi32>
    %add3A_1475 = arith.addi %add3A_1471, %add3A_1474 : vector<128x512xi32>
    %shift_left3A_1476 = arith.constant 13 : i32
    %shift_left3A_1477 = vector.broadcast %shift_left3A_1476 : i32 to vector<128x512xi32>
    %shift_left3A_1478 = arith.shli %add3A_1474, %shift_left3A_1477 : vector<128x512xi32>
    %shift_right_logical3A_1479 = arith.constant 19 : i32
    %shift_right_logical3A_1480 = vector.broadcast %shift_right_logical3A_1479 : i32 to vector<128x512xi32>
    %shift_right_logical3A_1481 = arith.shrui %add3A_1474, %shift_right_logical3A_1480 : vector<128x512xi32>
    %or3A_1482 = arith.ori %shift_left3A_1478, %shift_right_logical3A_1481 : vector<128x512xi32>
    %xor3A_1483 = arith.xori %or3A_1482, %add3A_1475 : vector<128x512xi32>
    %add3A_1484 = arith.addi %add3A_1475, %xor3A_1483 : vector<128x512xi32>
    %shift_left3A_1485 = arith.constant 15 : i32
    %shift_left3A_1486 = vector.broadcast %shift_left3A_1485 : i32 to vector<128x512xi32>
    %shift_left3A_1487 = arith.shli %xor3A_1483, %shift_left3A_1486 : vector<128x512xi32>
    %shift_right_logical3A_1488 = arith.constant 17 : i32
    %shift_right_logical3A_1489 = vector.broadcast %shift_right_logical3A_1488 : i32 to vector<128x512xi32>
    %shift_right_logical3A_1490 = arith.shrui %xor3A_1483, %shift_right_logical3A_1489 : vector<128x512xi32>
    %or3A_1491 = arith.ori %shift_left3A_1487, %shift_right_logical3A_1490 : vector<128x512xi32>
    %xor3A_1492 = arith.xori %or3A_1491, %add3A_1484 : vector<128x512xi32>
    %add3A_1493 = arith.addi %add3A_1484, %xor3A_1492 : vector<128x512xi32>
    %shift_left3A_1494 = arith.constant 26 : i32
    %shift_left3A_1495 = vector.broadcast %shift_left3A_1494 : i32 to vector<128x512xi32>
    %shift_left3A_1496 = arith.shli %xor3A_1492, %shift_left3A_1495 : vector<128x512xi32>
    %shift_right_logical3A_1497 = arith.constant 6 : i32
    %shift_right_logical3A_1498 = vector.broadcast %shift_right_logical3A_1497 : i32 to vector<128x512xi32>
    %shift_right_logical3A_1499 = arith.shrui %xor3A_1492, %shift_right_logical3A_1498 : vector<128x512xi32>
    %or3A_1500 = arith.ori %shift_left3A_1496, %shift_right_logical3A_1499 : vector<128x512xi32>
    %xor3A_1501 = arith.xori %or3A_1500, %add3A_1493 : vector<128x512xi32>
    %add3A_1502 = arith.addi %add3A_1493, %xor3A_1501 : vector<128x512xi32>
    %shift_left3A_1503 = arith.constant 6 : i32
    %shift_left3A_1504 = vector.broadcast %shift_left3A_1503 : i32 to vector<128x512xi32>
    %shift_left3A_1505 = arith.shli %xor3A_1501, %shift_left3A_1504 : vector<128x512xi32>
    %shift_right_logical3A_1506 = arith.constant 26 : i32
    %shift_right_logical3A_1507 = vector.broadcast %shift_right_logical3A_1506 : i32 to vector<128x512xi32>
    %shift_right_logical3A_1508 = arith.shrui %xor3A_1501, %shift_right_logical3A_1507 : vector<128x512xi32>
    %or3A_1509 = arith.ori %shift_left3A_1505, %shift_right_logical3A_1508 : vector<128x512xi32>
    %xor3A_1510 = arith.xori %or3A_1509, %add3A_1502 : vector<128x512xi32>
    %add3A_1511 = arith.constant 64467757 : i32
    %add3A_1512 = vector.broadcast %add3A_1511 : i32 to vector<128x512xi32>
    %add3A_1513 = arith.addi %add3A_1502, %add3A_1512 : vector<128x512xi32>
    %add3A_1514 = arith.constant -1378843657 : i32
    %add3A_1515 = vector.broadcast %add3A_1514 : i32 to vector<128x512xi32>
    %add3A_1516 = arith.addi %xor3A_1510, %add3A_1515 : vector<128x512xi32>
    %add3A_1517 = arith.addi %add3A_1513, %add3A_1516 : vector<128x512xi32>
    %shift_left3A_1518 = arith.constant 17 : i32
    %shift_left3A_1519 = vector.broadcast %shift_left3A_1518 : i32 to vector<128x512xi32>
    %shift_left3A_1520 = arith.shli %add3A_1516, %shift_left3A_1519 : vector<128x512xi32>
    %shift_right_logical3A_1521 = arith.constant 15 : i32
    %shift_right_logical3A_1522 = vector.broadcast %shift_right_logical3A_1521 : i32 to vector<128x512xi32>
    %shift_right_logical3A_1523 = arith.shrui %add3A_1516, %shift_right_logical3A_1522 : vector<128x512xi32>
    %or3A_1524 = arith.ori %shift_left3A_1520, %shift_right_logical3A_1523 : vector<128x512xi32>
    %xor3A_1525 = arith.xori %or3A_1524, %add3A_1517 : vector<128x512xi32>
    %add3A_1526 = arith.addi %add3A_1517, %xor3A_1525 : vector<128x512xi32>
    %shift_left3A_1527 = arith.constant 29 : i32
    %shift_left3A_1528 = vector.broadcast %shift_left3A_1527 : i32 to vector<128x512xi32>
    %shift_left3A_1529 = arith.shli %xor3A_1525, %shift_left3A_1528 : vector<128x512xi32>
    %shift_right_logical3A_1530 = arith.constant 3 : i32
    %shift_right_logical3A_1531 = vector.broadcast %shift_right_logical3A_1530 : i32 to vector<128x512xi32>
    %shift_right_logical3A_1532 = arith.shrui %xor3A_1525, %shift_right_logical3A_1531 : vector<128x512xi32>
    %or3A_1533 = arith.ori %shift_left3A_1529, %shift_right_logical3A_1532 : vector<128x512xi32>
    %xor3A_1534 = arith.xori %or3A_1533, %add3A_1526 : vector<128x512xi32>
    %add3A_1535 = arith.addi %add3A_1526, %xor3A_1534 : vector<128x512xi32>
    %shift_left3A_1536 = arith.constant 16 : i32
    %shift_left3A_1537 = vector.broadcast %shift_left3A_1536 : i32 to vector<128x512xi32>
    %shift_left3A_1538 = arith.shli %xor3A_1534, %shift_left3A_1537 : vector<128x512xi32>
    %shift_right_logical3A_1539 = arith.constant 16 : i32
    %shift_right_logical3A_1540 = vector.broadcast %shift_right_logical3A_1539 : i32 to vector<128x512xi32>
    %shift_right_logical3A_1541 = arith.shrui %xor3A_1534, %shift_right_logical3A_1540 : vector<128x512xi32>
    %or3A_1542 = arith.ori %shift_left3A_1538, %shift_right_logical3A_1541 : vector<128x512xi32>
    %xor3A_1543 = arith.xori %or3A_1542, %add3A_1535 : vector<128x512xi32>
    %add3A_1544 = arith.addi %add3A_1535, %xor3A_1543 : vector<128x512xi32>
    %shift_left3A_1545 = arith.constant 24 : i32
    %shift_left3A_1546 = vector.broadcast %shift_left3A_1545 : i32 to vector<128x512xi32>
    %shift_left3A_1547 = arith.shli %xor3A_1543, %shift_left3A_1546 : vector<128x512xi32>
    %shift_right_logical3A_1548 = arith.constant 8 : i32
    %shift_right_logical3A_1549 = vector.broadcast %shift_right_logical3A_1548 : i32 to vector<128x512xi32>
    %shift_right_logical3A_1550 = arith.shrui %xor3A_1543, %shift_right_logical3A_1549 : vector<128x512xi32>
    %or3A_1551 = arith.ori %shift_left3A_1547, %shift_right_logical3A_1550 : vector<128x512xi32>
    %xor3A_1552 = arith.xori %or3A_1551, %add3A_1544 : vector<128x512xi32>
    %add3A_1553 = arith.constant -1378843660 : i32
    %add3A_1554 = vector.broadcast %add3A_1553 : i32 to vector<128x512xi32>
    %add3A_1555 = arith.addi %add3A_1544, %add3A_1554 : vector<128x512xi32>
    %add3A_1556 = arith.constant -1244255481 : i32
    %add3A_1557 = vector.broadcast %add3A_1556 : i32 to vector<128x512xi32>
    %add3A_1558 = arith.addi %xor3A_1552, %add3A_1557 : vector<128x512xi32>
    %add3A_1559 = arith.addi %add3A_1555, %add3A_1558 : vector<128x512xi32>
    %shift_left3A_1560 = arith.constant 13 : i32
    %shift_left3A_1561 = vector.broadcast %shift_left3A_1560 : i32 to vector<128x512xi32>
    %shift_left3A_1562 = arith.shli %add3A_1558, %shift_left3A_1561 : vector<128x512xi32>
    %shift_right_logical3A_1563 = arith.constant 19 : i32
    %shift_right_logical3A_1564 = vector.broadcast %shift_right_logical3A_1563 : i32 to vector<128x512xi32>
    %shift_right_logical3A_1565 = arith.shrui %add3A_1558, %shift_right_logical3A_1564 : vector<128x512xi32>
    %or3A_1566 = arith.ori %shift_left3A_1562, %shift_right_logical3A_1565 : vector<128x512xi32>
    %xor3A_1567 = arith.xori %or3A_1566, %add3A_1559 : vector<128x512xi32>
    %add3A_1568 = arith.addi %add3A_1559, %xor3A_1567 : vector<128x512xi32>
    %shift_left3A_1569 = arith.constant 15 : i32
    %shift_left3A_1570 = vector.broadcast %shift_left3A_1569 : i32 to vector<128x512xi32>
    %shift_left3A_1571 = arith.shli %xor3A_1567, %shift_left3A_1570 : vector<128x512xi32>
    %shift_right_logical3A_1572 = arith.constant 17 : i32
    %shift_right_logical3A_1573 = vector.broadcast %shift_right_logical3A_1572 : i32 to vector<128x512xi32>
    %shift_right_logical3A_1574 = arith.shrui %xor3A_1567, %shift_right_logical3A_1573 : vector<128x512xi32>
    %or3A_1575 = arith.ori %shift_left3A_1571, %shift_right_logical3A_1574 : vector<128x512xi32>
    %xor3A_1576 = arith.xori %or3A_1575, %add3A_1568 : vector<128x512xi32>
    %add3A_1577 = arith.addi %add3A_1568, %xor3A_1576 : vector<128x512xi32>
    %shift_left3A_1578 = arith.constant 26 : i32
    %shift_left3A_1579 = vector.broadcast %shift_left3A_1578 : i32 to vector<128x512xi32>
    %shift_left3A_1580 = arith.shli %xor3A_1576, %shift_left3A_1579 : vector<128x512xi32>
    %shift_right_logical3A_1581 = arith.constant 6 : i32
    %shift_right_logical3A_1582 = vector.broadcast %shift_right_logical3A_1581 : i32 to vector<128x512xi32>
    %shift_right_logical3A_1583 = arith.shrui %xor3A_1576, %shift_right_logical3A_1582 : vector<128x512xi32>
    %or3A_1584 = arith.ori %shift_left3A_1580, %shift_right_logical3A_1583 : vector<128x512xi32>
    %xor3A_1585 = arith.xori %or3A_1584, %add3A_1577 : vector<128x512xi32>
    %add3A_1586 = arith.addi %add3A_1577, %xor3A_1585 : vector<128x512xi32>
    %shift_left3A_1587 = arith.constant 6 : i32
    %shift_left3A_1588 = vector.broadcast %shift_left3A_1587 : i32 to vector<128x512xi32>
    %shift_left3A_1589 = arith.shli %xor3A_1585, %shift_left3A_1588 : vector<128x512xi32>
    %shift_right_logical3A_1590 = arith.constant 26 : i32
    %shift_right_logical3A_1591 = vector.broadcast %shift_right_logical3A_1590 : i32 to vector<128x512xi32>
    %shift_right_logical3A_1592 = arith.shrui %xor3A_1585, %shift_right_logical3A_1591 : vector<128x512xi32>
    %or3A_1593 = arith.ori %shift_left3A_1589, %shift_right_logical3A_1592 : vector<128x512xi32>
    %xor3A_1594 = arith.xori %or3A_1593, %add3A_1586 : vector<128x512xi32>
    %add3A_1595 = arith.constant -1244255485 : i32
    %add3A_1596 = vector.broadcast %add3A_1595 : i32 to vector<128x512xi32>
    %add3A_1597 = arith.addi %add3A_1586, %add3A_1596 : vector<128x512xi32>
    %add3A_1598 = arith.constant 64467762 : i32
    %add3A_1599 = vector.broadcast %add3A_1598 : i32 to vector<128x512xi32>
    %add3A_1600 = arith.addi %xor3A_1594, %add3A_1599 : vector<128x512xi32>
    %xor3A_1601 = arith.xori %add3A_1597, %add3A_1600 : vector<128x512xi32>
    %shift_right_logical3A_1602 = arith.constant 9 : i32
    %shift_right_logical3A_1603 = vector.broadcast %shift_right_logical3A_1602 : i32 to vector<128x512xi32>
    %shift_right_logical3A_1604 = arith.shrui %xor3A_1601, %shift_right_logical3A_1603 : vector<128x512xi32>
    %or3A_1605 = arith.constant 1065353216 : i32
    %or3A_1606 = vector.broadcast %or3A_1605 : i32 to vector<128x512xi32>
    %or3A_1607 = arith.ori %shift_right_logical3A_1604, %or3A_1606 : vector<128x512xi32>
    %bitcast_convert_type3A_1608 = tpu.bitcast %or3A_1607 : vector<128x512xi32> -> vector<128x512xf32>
    %sub3A_1609 = arith.constant 1.000000e+00 : f32
    %sub3A_1610 = vector.broadcast %sub3A_1609 : f32 to vector<128x512xf32>
    %sub3A_1611 = arith.subf %bitcast_convert_type3A_1608, %sub3A_1610 : vector<128x512xf32>
    %mul3A_1612 = arith.constant 2.000000e+00 : f32
    %mul3A_1613 = vector.broadcast %mul3A_1612 : f32 to vector<128x512xf32>
    %mul3A_1614 = arith.mulf %sub3A_1611, %mul3A_1613 : vector<128x512xf32>
    %add3A_1615 = arith.constant -0.99999994 : f32
    %add3A_1616 = vector.broadcast %add3A_1615 : f32 to vector<128x512xf32>
    %add3A_1617 = arith.addf %mul3A_1614, %add3A_1616 : vector<128x512xf32>
    %max3A_1618 = arith.constant -0.99999994 : f32
    %max3A_1619 = vector.broadcast %max3A_1618 : f32 to vector<128x512xf32>
    %max3A_1620 = arith.maximumf %max3A_1619, %add3A_1617 : vector<128x512xf32>
    %sub3A_1621 = arith.constant 1.000000e+00 : f32
    %sub3A_1622 = vector.broadcast %sub3A_1621 : f32 to vector<128x512xf32>
    %sub3A_1623 = arith.subf %sub3A_1622, %max3A_1620 : vector<128x512xf32>
    %add3A_1624 = arith.constant 1.000000e+00 : f32
    %add3A_1625 = vector.broadcast %add3A_1624 : f32 to vector<128x512xf32>
    %add3A_1626 = arith.addf %add3A_1625, %max3A_1620 : vector<128x512xf32>
    %mul3A_1627 = arith.mulf %sub3A_1623, %add3A_1626 : vector<128x512xf32>
    %log3A_1628 = math.log %mul3A_1627 : vector<128x512xf32>
    %neg3A_1629 = arith.constant 0.000000e+00 : f32
    %neg3A_1630 = vector.broadcast %neg3A_1629 : f32 to vector<128x512xf32>
    %neg3A_1631 = arith.subf %neg3A_1630, %log3A_1628 : vector<128x512xf32>
    %sub3A_1632 = arith.constant 2.500000e+00 : f32
    %sub3A_1633 = vector.broadcast %sub3A_1632 : f32 to vector<128x512xf32>
    %sub3A_1634 = arith.subf %neg3A_1631, %sub3A_1633 : vector<128x512xf32>
    %broadcast_in_dim3A_1635 = arith.constant 2.81022636E-8 : f32
    %broadcast_in_dim3A_1636 = vector.broadcast %broadcast_in_dim3A_1635 : f32 to vector<128x512xf32>
    %mul3A_1637 = arith.mulf %broadcast_in_dim3A_1636, %sub3A_1634 : vector<128x512xf32>
    %add3A_1638 = arith.constant 3.43273939E-7 : f32
    %add3A_1639 = vector.broadcast %add3A_1638 : f32 to vector<128x512xf32>
    %add3A_1640 = arith.addf %add3A_1639, %mul3A_1637 : vector<128x512xf32>
    %mul3A_1641 = arith.mulf %add3A_1640, %sub3A_1634 : vector<128x512xf32>
    %add3A_1642 = arith.constant -3.5233877E-6 : f32
    %add3A_1643 = vector.broadcast %add3A_1642 : f32 to vector<128x512xf32>
    %add3A_1644 = arith.addf %add3A_1643, %mul3A_1641 : vector<128x512xf32>
    %mul3A_1645 = arith.mulf %add3A_1644, %sub3A_1634 : vector<128x512xf32>
    %add3A_1646 = arith.constant -4.39150654E-6 : f32
    %add3A_1647 = vector.broadcast %add3A_1646 : f32 to vector<128x512xf32>
    %add3A_1648 = arith.addf %add3A_1647, %mul3A_1645 : vector<128x512xf32>
    %mul3A_1649 = arith.mulf %add3A_1648, %sub3A_1634 : vector<128x512xf32>
    %add3A_1650 = arith.constant 2.1858087E-4 : f32
    %add3A_1651 = vector.broadcast %add3A_1650 : f32 to vector<128x512xf32>
    %add3A_1652 = arith.addf %add3A_1651, %mul3A_1649 : vector<128x512xf32>
    %mul3A_1653 = arith.mulf %add3A_1652, %sub3A_1634 : vector<128x512xf32>
    %add3A_1654 = arith.constant -0.00125372503 : f32
    %add3A_1655 = vector.broadcast %add3A_1654 : f32 to vector<128x512xf32>
    %add3A_1656 = arith.addf %add3A_1655, %mul3A_1653 : vector<128x512xf32>
    %mul3A_1657 = arith.mulf %add3A_1656, %sub3A_1634 : vector<128x512xf32>
    %add3A_1658 = arith.constant -0.00417768164 : f32
    %add3A_1659 = vector.broadcast %add3A_1658 : f32 to vector<128x512xf32>
    %add3A_1660 = arith.addf %add3A_1659, %mul3A_1657 : vector<128x512xf32>
    %mul3A_1661 = arith.mulf %add3A_1660, %sub3A_1634 : vector<128x512xf32>
    %add3A_1662 = arith.constant 0.246640727 : f32
    %add3A_1663 = vector.broadcast %add3A_1662 : f32 to vector<128x512xf32>
    %add3A_1664 = arith.addf %add3A_1663, %mul3A_1661 : vector<128x512xf32>
    %mul3A_1665 = arith.mulf %add3A_1664, %sub3A_1634 : vector<128x512xf32>
    %add3A_1666 = arith.constant 1.50140941 : f32
    %add3A_1667 = vector.broadcast %add3A_1666 : f32 to vector<128x512xf32>
    %add3A_1668 = arith.addf %add3A_1667, %mul3A_1665 : vector<128x512xf32>
    %sqrt3A_1669 = math.sqrt %neg3A_1631 : vector<128x512xf32>
    %sub3A_1670 = arith.constant 3.000000e+00 : f32
    %sub3A_1671 = vector.broadcast %sub3A_1670 : f32 to vector<128x512xf32>
    %sub3A_1672 = arith.subf %sqrt3A_1669, %sub3A_1671 : vector<128x512xf32>
    %broadcast_in_dim3A_1673 = arith.constant -2.00214257E-4 : f32
    %broadcast_in_dim3A_1674 = vector.broadcast %broadcast_in_dim3A_1673 : f32 to vector<128x512xf32>
    %mul3A_1675 = arith.mulf %broadcast_in_dim3A_1674, %sub3A_1672 : vector<128x512xf32>
    %add3A_1676 = arith.constant 1.00950558E-4 : f32
    %add3A_1677 = vector.broadcast %add3A_1676 : f32 to vector<128x512xf32>
    %add3A_1678 = arith.addf %add3A_1677, %mul3A_1675 : vector<128x512xf32>
    %mul3A_1679 = arith.mulf %add3A_1678, %sub3A_1672 : vector<128x512xf32>
    %add3A_1680 = arith.constant 0.00134934322 : f32
    %add3A_1681 = vector.broadcast %add3A_1680 : f32 to vector<128x512xf32>
    %add3A_1682 = arith.addf %add3A_1681, %mul3A_1679 : vector<128x512xf32>
    %mul3A_1683 = arith.mulf %add3A_1682, %sub3A_1672 : vector<128x512xf32>
    %add3A_1684 = arith.constant -0.00367342844 : f32
    %add3A_1685 = vector.broadcast %add3A_1684 : f32 to vector<128x512xf32>
    %add3A_1686 = arith.addf %add3A_1685, %mul3A_1683 : vector<128x512xf32>
    %mul3A_1687 = arith.mulf %add3A_1686, %sub3A_1672 : vector<128x512xf32>
    %add3A_1688 = arith.constant 0.00573950773 : f32
    %add3A_1689 = vector.broadcast %add3A_1688 : f32 to vector<128x512xf32>
    %add3A_1690 = arith.addf %add3A_1689, %mul3A_1687 : vector<128x512xf32>
    %mul3A_1691 = arith.mulf %add3A_1690, %sub3A_1672 : vector<128x512xf32>
    %add3A_1692 = arith.constant -0.0076224613 : f32
    %add3A_1693 = vector.broadcast %add3A_1692 : f32 to vector<128x512xf32>
    %add3A_1694 = arith.addf %add3A_1693, %mul3A_1691 : vector<128x512xf32>
    %mul3A_1695 = arith.mulf %add3A_1694, %sub3A_1672 : vector<128x512xf32>
    %add3A_1696 = arith.constant 0.00943887047 : f32
    %add3A_1697 = vector.broadcast %add3A_1696 : f32 to vector<128x512xf32>
    %add3A_1698 = arith.addf %add3A_1697, %mul3A_1695 : vector<128x512xf32>
    %mul3A_1699 = arith.mulf %add3A_1698, %sub3A_1672 : vector<128x512xf32>
    %add3A_1700 = arith.constant 1.00167406 : f32
    %add3A_1701 = vector.broadcast %add3A_1700 : f32 to vector<128x512xf32>
    %add3A_1702 = arith.addf %add3A_1701, %mul3A_1699 : vector<128x512xf32>
    %mul3A_1703 = arith.mulf %add3A_1702, %sub3A_1672 : vector<128x512xf32>
    %add3A_1704 = arith.constant 2.83297682 : f32
    %add3A_1705 = vector.broadcast %add3A_1704 : f32 to vector<128x512xf32>
    %add3A_1706 = arith.addf %add3A_1705, %mul3A_1703 : vector<128x512xf32>
    %lt3A_1707 = arith.constant 5.000000e+00 : f32
    %lt3A_1708 = vector.broadcast %lt3A_1707 : f32 to vector<128x512xf32>
    %lt3A_1709 = arith.cmpf olt, %neg3A_1631, %lt3A_1708 : vector<128x512xf32>
    %select_n3A_1710 = arith.select %lt3A_1709, %add3A_1668, %add3A_1706 : vector<128x512xi1>, vector<128x512xf32>
    %mul3A_1711 = arith.mulf %select_n3A_1710, %max3A_1620 : vector<128x512xf32>
    %mul3A_1712 = arith.constant 1.41421354 : f32
    %mul3A_1713 = vector.broadcast %mul3A_1712 : f32 to vector<128x512xf32>
    %mul3A_1714 = arith.mulf %mul3A_1713, %mul3A_1711 : vector<128x512xf32>
    %get3A_1715 = arith.constant 512 : index
    %get3A_1716 = arith.constant 0 : index
    %get3A_1717 = vector.load %arg4[%get3A_1715, %get3A_1716] : memref<1024x32xf32, #tpu.memory_space<vmem>>, vector<128x32xf32>
    %dot_general3A_1718 = arith.constant dense<0.000000e+00> : vector<128x512xf32>
    %dot_general3A_1719 = tpu.matmul %get3A_1717, %get3A_4, %dot_general3A_1718 {dimension_numbers = #tpu.dot_dimension_numbers<[1], [1], [0], [0], [0, 0, 1, 0], [], []>, transpose_lhs_hint = false} : vector<128x32xf32>, vector<512x32xf32>, vector<128x512xf32> -> vector<128x512xf32>
    %get3A_1720 = arith.constant 512 : index
    %get3A_1721 = arith.constant 0 : index
    %get3A_1722 = vector.load %arg5[%get3A_1720, %get3A_1721] : memref<1024x1xf32, #tpu.memory_space<vmem>>, vector<128x1xf32>
    %mul3A_1723 = vector.broadcast %get3A_1722 : vector<128x1xf32> to vector<128x512xf32>
    %mul3A_1724 = arith.mulf %mul3A_1723, %mul3A_1714 : vector<128x512xf32>
    %add3A_1725 = arith.addf %dot_general3A_1719, %mul3A_1724 : vector<128x512xf32>
    %swap3A_1726 = arith.constant 512 : index
    %swap3A_1727 = arith.constant 0 : index
    %swap3A_1728 = vector.load %arg3[%swap3A_1726, %swap3A_1727] : memref<1024x512xf32, #tpu.memory_space<vmem>>, vector<128x512xf32>
    tpu.vector_store %arg3[%swap3A_1726, %swap3A_1727], %add3A_1725 {strides = array<i32>} : memref<1024x512xf32, #tpu.memory_space<vmem>>, vector<128x512xf32>,
    %get3A_1729 = arith.constant 640 : index
    %get3A_1730 = arith.constant 0 : index
    %get3A_1731 = vector.load %arg6[%get3A_1729, %get3A_1730] : memref<1024x512xi32, #tpu.memory_space<vmem>>, vector<128x512xi32>
    %add3A_1732 = vector.broadcast %mul3A_2 : i32 to vector<128x512xi32>
    %add3A_1733 = arith.addi %get3A_1731, %add3A_1732 : vector<128x512xi32>
    %add3A_1734 = arith.constant -1314375903 : i32
    %add3A_1735 = vector.broadcast %add3A_1734 : i32 to vector<128x512xi32>
    %add3A_1736 = arith.addi %add3A_1733, %add3A_1735 : vector<128x512xi32>
    %add3A_1737 = arith.constant -1378843660 : i32
    %add3A_1738 = vector.broadcast %add3A_1737 : i32 to vector<128x512xi32>
    %add3A_1739 = arith.addi %add3A_1733, %add3A_1738 : vector<128x512xi32>
    %shift_left3A_1740 = arith.constant 13 : i32
    %shift_left3A_1741 = vector.broadcast %shift_left3A_1740 : i32 to vector<128x512xi32>
    %shift_left3A_1742 = arith.shli %add3A_1739, %shift_left3A_1741 : vector<128x512xi32>
    %shift_right_logical3A_1743 = arith.constant 19 : i32
    %shift_right_logical3A_1744 = vector.broadcast %shift_right_logical3A_1743 : i32 to vector<128x512xi32>
    %shift_right_logical3A_1745 = arith.shrui %add3A_1739, %shift_right_logical3A_1744 : vector<128x512xi32>
    %or3A_1746 = arith.ori %shift_left3A_1742, %shift_right_logical3A_1745 : vector<128x512xi32>
    %xor3A_1747 = arith.xori %or3A_1746, %add3A_1736 : vector<128x512xi32>
    %add3A_1748 = arith.addi %add3A_1736, %xor3A_1747 : vector<128x512xi32>
    %shift_left3A_1749 = arith.constant 15 : i32
    %shift_left3A_1750 = vector.broadcast %shift_left3A_1749 : i32 to vector<128x512xi32>
    %shift_left3A_1751 = arith.shli %xor3A_1747, %shift_left3A_1750 : vector<128x512xi32>
    %shift_right_logical3A_1752 = arith.constant 17 : i32
    %shift_right_logical3A_1753 = vector.broadcast %shift_right_logical3A_1752 : i32 to vector<128x512xi32>
    %shift_right_logical3A_1754 = arith.shrui %xor3A_1747, %shift_right_logical3A_1753 : vector<128x512xi32>
    %or3A_1755 = arith.ori %shift_left3A_1751, %shift_right_logical3A_1754 : vector<128x512xi32>
    %xor3A_1756 = arith.xori %or3A_1755, %add3A_1748 : vector<128x512xi32>
    %add3A_1757 = arith.addi %add3A_1748, %xor3A_1756 : vector<128x512xi32>
    %shift_left3A_1758 = arith.constant 26 : i32
    %shift_left3A_1759 = vector.broadcast %shift_left3A_1758 : i32 to vector<128x512xi32>
    %shift_left3A_1760 = arith.shli %xor3A_1756, %shift_left3A_1759 : vector<128x512xi32>
    %shift_right_logical3A_1761 = arith.constant 6 : i32
    %shift_right_logical3A_1762 = vector.broadcast %shift_right_logical3A_1761 : i32 to vector<128x512xi32>
    %shift_right_logical3A_1763 = arith.shrui %xor3A_1756, %shift_right_logical3A_1762 : vector<128x512xi32>
    %or3A_1764 = arith.ori %shift_left3A_1760, %shift_right_logical3A_1763 : vector<128x512xi32>
    %xor3A_1765 = arith.xori %or3A_1764, %add3A_1757 : vector<128x512xi32>
    %add3A_1766 = arith.addi %add3A_1757, %xor3A_1765 : vector<128x512xi32>
    %shift_left3A_1767 = arith.constant 6 : i32
    %shift_left3A_1768 = vector.broadcast %shift_left3A_1767 : i32 to vector<128x512xi32>
    %shift_left3A_1769 = arith.shli %xor3A_1765, %shift_left3A_1768 : vector<128x512xi32>
    %shift_right_logical3A_1770 = arith.constant 26 : i32
    %shift_right_logical3A_1771 = vector.broadcast %shift_right_logical3A_1770 : i32 to vector<128x512xi32>
    %shift_right_logical3A_1772 = arith.shrui %xor3A_1765, %shift_right_logical3A_1771 : vector<128x512xi32>
    %or3A_1773 = arith.ori %shift_left3A_1769, %shift_right_logical3A_1772 : vector<128x512xi32>
    %xor3A_1774 = arith.xori %or3A_1773, %add3A_1766 : vector<128x512xi32>
    %add3A_1775 = arith.constant -1378843660 : i32
    %add3A_1776 = vector.broadcast %add3A_1775 : i32 to vector<128x512xi32>
    %add3A_1777 = arith.addi %add3A_1766, %add3A_1776 : vector<128x512xi32>
    %add3A_1778 = arith.constant -1244255484 : i32
    %add3A_1779 = vector.broadcast %add3A_1778 : i32 to vector<128x512xi32>
    %add3A_1780 = arith.addi %xor3A_1774, %add3A_1779 : vector<128x512xi32>
    %add3A_1781 = arith.addi %add3A_1777, %add3A_1780 : vector<128x512xi32>
    %shift_left3A_1782 = arith.constant 17 : i32
    %shift_left3A_1783 = vector.broadcast %shift_left3A_1782 : i32 to vector<128x512xi32>
    %shift_left3A_1784 = arith.shli %add3A_1780, %shift_left3A_1783 : vector<128x512xi32>
    %shift_right_logical3A_1785 = arith.constant 15 : i32
    %shift_right_logical3A_1786 = vector.broadcast %shift_right_logical3A_1785 : i32 to vector<128x512xi32>
    %shift_right_logical3A_1787 = arith.shrui %add3A_1780, %shift_right_logical3A_1786 : vector<128x512xi32>
    %or3A_1788 = arith.ori %shift_left3A_1784, %shift_right_logical3A_1787 : vector<128x512xi32>
    %xor3A_1789 = arith.xori %or3A_1788, %add3A_1781 : vector<128x512xi32>
    %add3A_1790 = arith.addi %add3A_1781, %xor3A_1789 : vector<128x512xi32>
    %shift_left3A_1791 = arith.constant 29 : i32
    %shift_left3A_1792 = vector.broadcast %shift_left3A_1791 : i32 to vector<128x512xi32>
    %shift_left3A_1793 = arith.shli %xor3A_1789, %shift_left3A_1792 : vector<128x512xi32>
    %shift_right_logical3A_1794 = arith.constant 3 : i32
    %shift_right_logical3A_1795 = vector.broadcast %shift_right_logical3A_1794 : i32 to vector<128x512xi32>
    %shift_right_logical3A_1796 = arith.shrui %xor3A_1789, %shift_right_logical3A_1795 : vector<128x512xi32>
    %or3A_1797 = arith.ori %shift_left3A_1793, %shift_right_logical3A_1796 : vector<128x512xi32>
    %xor3A_1798 = arith.xori %or3A_1797, %add3A_1790 : vector<128x512xi32>
    %add3A_1799 = arith.addi %add3A_1790, %xor3A_1798 : vector<128x512xi32>
    %shift_left3A_1800 = arith.constant 16 : i32
    %shift_left3A_1801 = vector.broadcast %shift_left3A_1800 : i32 to vector<128x512xi32>
    %shift_left3A_1802 = arith.shli %xor3A_1798, %shift_left3A_1801 : vector<128x512xi32>
    %shift_right_logical3A_1803 = arith.constant 16 : i32
    %shift_right_logical3A_1804 = vector.broadcast %shift_right_logical3A_1803 : i32 to vector<128x512xi32>
    %shift_right_logical3A_1805 = arith.shrui %xor3A_1798, %shift_right_logical3A_1804 : vector<128x512xi32>
    %or3A_1806 = arith.ori %shift_left3A_1802, %shift_right_logical3A_1805 : vector<128x512xi32>
    %xor3A_1807 = arith.xori %or3A_1806, %add3A_1799 : vector<128x512xi32>
    %add3A_1808 = arith.addi %add3A_1799, %xor3A_1807 : vector<128x512xi32>
    %shift_left3A_1809 = arith.constant 24 : i32
    %shift_left3A_1810 = vector.broadcast %shift_left3A_1809 : i32 to vector<128x512xi32>
    %shift_left3A_1811 = arith.shli %xor3A_1807, %shift_left3A_1810 : vector<128x512xi32>
    %shift_right_logical3A_1812 = arith.constant 8 : i32
    %shift_right_logical3A_1813 = vector.broadcast %shift_right_logical3A_1812 : i32 to vector<128x512xi32>
    %shift_right_logical3A_1814 = arith.shrui %xor3A_1807, %shift_right_logical3A_1813 : vector<128x512xi32>
    %or3A_1815 = arith.ori %shift_left3A_1811, %shift_right_logical3A_1814 : vector<128x512xi32>
    %xor3A_1816 = arith.xori %or3A_1815, %add3A_1808 : vector<128x512xi32>
    %add3A_1817 = arith.constant -1244255485 : i32
    %add3A_1818 = vector.broadcast %add3A_1817 : i32 to vector<128x512xi32>
    %add3A_1819 = arith.addi %add3A_1808, %add3A_1818 : vector<128x512xi32>
    %add3A_1820 = arith.constant 64467759 : i32
    %add3A_1821 = vector.broadcast %add3A_1820 : i32 to vector<128x512xi32>
    %add3A_1822 = arith.addi %xor3A_1816, %add3A_1821 : vector<128x512xi32>
    %add3A_1823 = arith.addi %add3A_1819, %add3A_1822 : vector<128x512xi32>
    %shift_left3A_1824 = arith.constant 13 : i32
    %shift_left3A_1825 = vector.broadcast %shift_left3A_1824 : i32 to vector<128x512xi32>
    %shift_left3A_1826 = arith.shli %add3A_1822, %shift_left3A_1825 : vector<128x512xi32>
    %shift_right_logical3A_1827 = arith.constant 19 : i32
    %shift_right_logical3A_1828 = vector.broadcast %shift_right_logical3A_1827 : i32 to vector<128x512xi32>
    %shift_right_logical3A_1829 = arith.shrui %add3A_1822, %shift_right_logical3A_1828 : vector<128x512xi32>
    %or3A_1830 = arith.ori %shift_left3A_1826, %shift_right_logical3A_1829 : vector<128x512xi32>
    %xor3A_1831 = arith.xori %or3A_1830, %add3A_1823 : vector<128x512xi32>
    %add3A_1832 = arith.addi %add3A_1823, %xor3A_1831 : vector<128x512xi32>
    %shift_left3A_1833 = arith.constant 15 : i32
    %shift_left3A_1834 = vector.broadcast %shift_left3A_1833 : i32 to vector<128x512xi32>
    %shift_left3A_1835 = arith.shli %xor3A_1831, %shift_left3A_1834 : vector<128x512xi32>
    %shift_right_logical3A_1836 = arith.constant 17 : i32
    %shift_right_logical3A_1837 = vector.broadcast %shift_right_logical3A_1836 : i32 to vector<128x512xi32>
    %shift_right_logical3A_1838 = arith.shrui %xor3A_1831, %shift_right_logical3A_1837 : vector<128x512xi32>
    %or3A_1839 = arith.ori %shift_left3A_1835, %shift_right_logical3A_1838 : vector<128x512xi32>
    %xor3A_1840 = arith.xori %or3A_1839, %add3A_1832 : vector<128x512xi32>
    %add3A_1841 = arith.addi %add3A_1832, %xor3A_1840 : vector<128x512xi32>
    %shift_left3A_1842 = arith.constant 26 : i32
    %shift_left3A_1843 = vector.broadcast %shift_left3A_1842 : i32 to vector<128x512xi32>
    %shift_left3A_1844 = arith.shli %xor3A_1840, %shift_left3A_1843 : vector<128x512xi32>
    %shift_right_logical3A_1845 = arith.constant 6 : i32
    %shift_right_logical3A_1846 = vector.broadcast %shift_right_logical3A_1845 : i32 to vector<128x512xi32>
    %shift_right_logical3A_1847 = arith.shrui %xor3A_1840, %shift_right_logical3A_1846 : vector<128x512xi32>
    %or3A_1848 = arith.ori %shift_left3A_1844, %shift_right_logical3A_1847 : vector<128x512xi32>
    %xor3A_1849 = arith.xori %or3A_1848, %add3A_1841 : vector<128x512xi32>
    %add3A_1850 = arith.addi %add3A_1841, %xor3A_1849 : vector<128x512xi32>
    %shift_left3A_1851 = arith.constant 6 : i32
    %shift_left3A_1852 = vector.broadcast %shift_left3A_1851 : i32 to vector<128x512xi32>
    %shift_left3A_1853 = arith.shli %xor3A_1849, %shift_left3A_1852 : vector<128x512xi32>
    %shift_right_logical3A_1854 = arith.constant 26 : i32
    %shift_right_logical3A_1855 = vector.broadcast %shift_right_logical3A_1854 : i32 to vector<128x512xi32>
    %shift_right_logical3A_1856 = arith.shrui %xor3A_1849, %shift_right_logical3A_1855 : vector<128x512xi32>
    %or3A_1857 = arith.ori %shift_left3A_1853, %shift_right_logical3A_1856 : vector<128x512xi32>
    %xor3A_1858 = arith.xori %or3A_1857, %add3A_1850 : vector<128x512xi32>
    %add3A_1859 = arith.constant 64467757 : i32
    %add3A_1860 = vector.broadcast %add3A_1859 : i32 to vector<128x512xi32>
    %add3A_1861 = arith.addi %add3A_1850, %add3A_1860 : vector<128x512xi32>
    %add3A_1862 = arith.constant -1378843657 : i32
    %add3A_1863 = vector.broadcast %add3A_1862 : i32 to vector<128x512xi32>
    %add3A_1864 = arith.addi %xor3A_1858, %add3A_1863 : vector<128x512xi32>
    %add3A_1865 = arith.addi %add3A_1861, %add3A_1864 : vector<128x512xi32>
    %shift_left3A_1866 = arith.constant 17 : i32
    %shift_left3A_1867 = vector.broadcast %shift_left3A_1866 : i32 to vector<128x512xi32>
    %shift_left3A_1868 = arith.shli %add3A_1864, %shift_left3A_1867 : vector<128x512xi32>
    %shift_right_logical3A_1869 = arith.constant 15 : i32
    %shift_right_logical3A_1870 = vector.broadcast %shift_right_logical3A_1869 : i32 to vector<128x512xi32>
    %shift_right_logical3A_1871 = arith.shrui %add3A_1864, %shift_right_logical3A_1870 : vector<128x512xi32>
    %or3A_1872 = arith.ori %shift_left3A_1868, %shift_right_logical3A_1871 : vector<128x512xi32>
    %xor3A_1873 = arith.xori %or3A_1872, %add3A_1865 : vector<128x512xi32>
    %add3A_1874 = arith.addi %add3A_1865, %xor3A_1873 : vector<128x512xi32>
    %shift_left3A_1875 = arith.constant 29 : i32
    %shift_left3A_1876 = vector.broadcast %shift_left3A_1875 : i32 to vector<128x512xi32>
    %shift_left3A_1877 = arith.shli %xor3A_1873, %shift_left3A_1876 : vector<128x512xi32>
    %shift_right_logical3A_1878 = arith.constant 3 : i32
    %shift_right_logical3A_1879 = vector.broadcast %shift_right_logical3A_1878 : i32 to vector<128x512xi32>
    %shift_right_logical3A_1880 = arith.shrui %xor3A_1873, %shift_right_logical3A_1879 : vector<128x512xi32>
    %or3A_1881 = arith.ori %shift_left3A_1877, %shift_right_logical3A_1880 : vector<128x512xi32>
    %xor3A_1882 = arith.xori %or3A_1881, %add3A_1874 : vector<128x512xi32>
    %add3A_1883 = arith.addi %add3A_1874, %xor3A_1882 : vector<128x512xi32>
    %shift_left3A_1884 = arith.constant 16 : i32
    %shift_left3A_1885 = vector.broadcast %shift_left3A_1884 : i32 to vector<128x512xi32>
    %shift_left3A_1886 = arith.shli %xor3A_1882, %shift_left3A_1885 : vector<128x512xi32>
    %shift_right_logical3A_1887 = arith.constant 16 : i32
    %shift_right_logical3A_1888 = vector.broadcast %shift_right_logical3A_1887 : i32 to vector<128x512xi32>
    %shift_right_logical3A_1889 = arith.shrui %xor3A_1882, %shift_right_logical3A_1888 : vector<128x512xi32>
    %or3A_1890 = arith.ori %shift_left3A_1886, %shift_right_logical3A_1889 : vector<128x512xi32>
    %xor3A_1891 = arith.xori %or3A_1890, %add3A_1883 : vector<128x512xi32>
    %add3A_1892 = arith.addi %add3A_1883, %xor3A_1891 : vector<128x512xi32>
    %shift_left3A_1893 = arith.constant 24 : i32
    %shift_left3A_1894 = vector.broadcast %shift_left3A_1893 : i32 to vector<128x512xi32>
    %shift_left3A_1895 = arith.shli %xor3A_1891, %shift_left3A_1894 : vector<128x512xi32>
    %shift_right_logical3A_1896 = arith.constant 8 : i32
    %shift_right_logical3A_1897 = vector.broadcast %shift_right_logical3A_1896 : i32 to vector<128x512xi32>
    %shift_right_logical3A_1898 = arith.shrui %xor3A_1891, %shift_right_logical3A_1897 : vector<128x512xi32>
    %or3A_1899 = arith.ori %shift_left3A_1895, %shift_right_logical3A_1898 : vector<128x512xi32>
    %xor3A_1900 = arith.xori %or3A_1899, %add3A_1892 : vector<128x512xi32>
    %add3A_1901 = arith.constant -1378843660 : i32
    %add3A_1902 = vector.broadcast %add3A_1901 : i32 to vector<128x512xi32>
    %add3A_1903 = arith.addi %add3A_1892, %add3A_1902 : vector<128x512xi32>
    %add3A_1904 = arith.constant -1244255481 : i32
    %add3A_1905 = vector.broadcast %add3A_1904 : i32 to vector<128x512xi32>
    %add3A_1906 = arith.addi %xor3A_1900, %add3A_1905 : vector<128x512xi32>
    %add3A_1907 = arith.addi %add3A_1903, %add3A_1906 : vector<128x512xi32>
    %shift_left3A_1908 = arith.constant 13 : i32
    %shift_left3A_1909 = vector.broadcast %shift_left3A_1908 : i32 to vector<128x512xi32>
    %shift_left3A_1910 = arith.shli %add3A_1906, %shift_left3A_1909 : vector<128x512xi32>
    %shift_right_logical3A_1911 = arith.constant 19 : i32
    %shift_right_logical3A_1912 = vector.broadcast %shift_right_logical3A_1911 : i32 to vector<128x512xi32>
    %shift_right_logical3A_1913 = arith.shrui %add3A_1906, %shift_right_logical3A_1912 : vector<128x512xi32>
    %or3A_1914 = arith.ori %shift_left3A_1910, %shift_right_logical3A_1913 : vector<128x512xi32>
    %xor3A_1915 = arith.xori %or3A_1914, %add3A_1907 : vector<128x512xi32>
    %add3A_1916 = arith.addi %add3A_1907, %xor3A_1915 : vector<128x512xi32>
    %shift_left3A_1917 = arith.constant 15 : i32
    %shift_left3A_1918 = vector.broadcast %shift_left3A_1917 : i32 to vector<128x512xi32>
    %shift_left3A_1919 = arith.shli %xor3A_1915, %shift_left3A_1918 : vector<128x512xi32>
    %shift_right_logical3A_1920 = arith.constant 17 : i32
    %shift_right_logical3A_1921 = vector.broadcast %shift_right_logical3A_1920 : i32 to vector<128x512xi32>
    %shift_right_logical3A_1922 = arith.shrui %xor3A_1915, %shift_right_logical3A_1921 : vector<128x512xi32>
    %or3A_1923 = arith.ori %shift_left3A_1919, %shift_right_logical3A_1922 : vector<128x512xi32>
    %xor3A_1924 = arith.xori %or3A_1923, %add3A_1916 : vector<128x512xi32>
    %add3A_1925 = arith.addi %add3A_1916, %xor3A_1924 : vector<128x512xi32>
    %shift_left3A_1926 = arith.constant 26 : i32
    %shift_left3A_1927 = vector.broadcast %shift_left3A_1926 : i32 to vector<128x512xi32>
    %shift_left3A_1928 = arith.shli %xor3A_1924, %shift_left3A_1927 : vector<128x512xi32>
    %shift_right_logical3A_1929 = arith.constant 6 : i32
    %shift_right_logical3A_1930 = vector.broadcast %shift_right_logical3A_1929 : i32 to vector<128x512xi32>
    %shift_right_logical3A_1931 = arith.shrui %xor3A_1924, %shift_right_logical3A_1930 : vector<128x512xi32>
    %or3A_1932 = arith.ori %shift_left3A_1928, %shift_right_logical3A_1931 : vector<128x512xi32>
    %xor3A_1933 = arith.xori %or3A_1932, %add3A_1925 : vector<128x512xi32>
    %add3A_1934 = arith.addi %add3A_1925, %xor3A_1933 : vector<128x512xi32>
    %shift_left3A_1935 = arith.constant 6 : i32
    %shift_left3A_1936 = vector.broadcast %shift_left3A_1935 : i32 to vector<128x512xi32>
    %shift_left3A_1937 = arith.shli %xor3A_1933, %shift_left3A_1936 : vector<128x512xi32>
    %shift_right_logical3A_1938 = arith.constant 26 : i32
    %shift_right_logical3A_1939 = vector.broadcast %shift_right_logical3A_1938 : i32 to vector<128x512xi32>
    %shift_right_logical3A_1940 = arith.shrui %xor3A_1933, %shift_right_logical3A_1939 : vector<128x512xi32>
    %or3A_1941 = arith.ori %shift_left3A_1937, %shift_right_logical3A_1940 : vector<128x512xi32>
    %xor3A_1942 = arith.xori %or3A_1941, %add3A_1934 : vector<128x512xi32>
    %add3A_1943 = arith.constant -1244255485 : i32
    %add3A_1944 = vector.broadcast %add3A_1943 : i32 to vector<128x512xi32>
    %add3A_1945 = arith.addi %add3A_1934, %add3A_1944 : vector<128x512xi32>
    %add3A_1946 = arith.constant 64467762 : i32
    %add3A_1947 = vector.broadcast %add3A_1946 : i32 to vector<128x512xi32>
    %add3A_1948 = arith.addi %xor3A_1942, %add3A_1947 : vector<128x512xi32>
    %xor3A_1949 = arith.xori %add3A_1945, %add3A_1948 : vector<128x512xi32>
    %shift_right_logical3A_1950 = arith.constant 9 : i32
    %shift_right_logical3A_1951 = vector.broadcast %shift_right_logical3A_1950 : i32 to vector<128x512xi32>
    %shift_right_logical3A_1952 = arith.shrui %xor3A_1949, %shift_right_logical3A_1951 : vector<128x512xi32>
    %or3A_1953 = arith.constant 1065353216 : i32
    %or3A_1954 = vector.broadcast %or3A_1953 : i32 to vector<128x512xi32>
    %or3A_1955 = arith.ori %shift_right_logical3A_1952, %or3A_1954 : vector<128x512xi32>
    %bitcast_convert_type3A_1956 = tpu.bitcast %or3A_1955 : vector<128x512xi32> -> vector<128x512xf32>
    %sub3A_1957 = arith.constant 1.000000e+00 : f32
    %sub3A_1958 = vector.broadcast %sub3A_1957 : f32 to vector<128x512xf32>
    %sub3A_1959 = arith.subf %bitcast_convert_type3A_1956, %sub3A_1958 : vector<128x512xf32>
    %mul3A_1960 = arith.constant 2.000000e+00 : f32
    %mul3A_1961 = vector.broadcast %mul3A_1960 : f32 to vector<128x512xf32>
    %mul3A_1962 = arith.mulf %sub3A_1959, %mul3A_1961 : vector<128x512xf32>
    %add3A_1963 = arith.constant -0.99999994 : f32
    %add3A_1964 = vector.broadcast %add3A_1963 : f32 to vector<128x512xf32>
    %add3A_1965 = arith.addf %mul3A_1962, %add3A_1964 : vector<128x512xf32>
    %max3A_1966 = arith.constant -0.99999994 : f32
    %max3A_1967 = vector.broadcast %max3A_1966 : f32 to vector<128x512xf32>
    %max3A_1968 = arith.maximumf %max3A_1967, %add3A_1965 : vector<128x512xf32>
    %sub3A_1969 = arith.constant 1.000000e+00 : f32
    %sub3A_1970 = vector.broadcast %sub3A_1969 : f32 to vector<128x512xf32>
    %sub3A_1971 = arith.subf %sub3A_1970, %max3A_1968 : vector<128x512xf32>
    %add3A_1972 = arith.constant 1.000000e+00 : f32
    %add3A_1973 = vector.broadcast %add3A_1972 : f32 to vector<128x512xf32>
    %add3A_1974 = arith.addf %add3A_1973, %max3A_1968 : vector<128x512xf32>
    %mul3A_1975 = arith.mulf %sub3A_1971, %add3A_1974 : vector<128x512xf32>
    %log3A_1976 = math.log %mul3A_1975 : vector<128x512xf32>
    %neg3A_1977 = arith.constant 0.000000e+00 : f32
    %neg3A_1978 = vector.broadcast %neg3A_1977 : f32 to vector<128x512xf32>
    %neg3A_1979 = arith.subf %neg3A_1978, %log3A_1976 : vector<128x512xf32>
    %sub3A_1980 = arith.constant 2.500000e+00 : f32
    %sub3A_1981 = vector.broadcast %sub3A_1980 : f32 to vector<128x512xf32>
    %sub3A_1982 = arith.subf %neg3A_1979, %sub3A_1981 : vector<128x512xf32>
    %broadcast_in_dim3A_1983 = arith.constant 2.81022636E-8 : f32
    %broadcast_in_dim3A_1984 = vector.broadcast %broadcast_in_dim3A_1983 : f32 to vector<128x512xf32>
    %mul3A_1985 = arith.mulf %broadcast_in_dim3A_1984, %sub3A_1982 : vector<128x512xf32>
    %add3A_1986 = arith.constant 3.43273939E-7 : f32
    %add3A_1987 = vector.broadcast %add3A_1986 : f32 to vector<128x512xf32>
    %add3A_1988 = arith.addf %add3A_1987, %mul3A_1985 : vector<128x512xf32>
    %mul3A_1989 = arith.mulf %add3A_1988, %sub3A_1982 : vector<128x512xf32>
    %add3A_1990 = arith.constant -3.5233877E-6 : f32
    %add3A_1991 = vector.broadcast %add3A_1990 : f32 to vector<128x512xf32>
    %add3A_1992 = arith.addf %add3A_1991, %mul3A_1989 : vector<128x512xf32>
    %mul3A_1993 = arith.mulf %add3A_1992, %sub3A_1982 : vector<128x512xf32>
    %add3A_1994 = arith.constant -4.39150654E-6 : f32
    %add3A_1995 = vector.broadcast %add3A_1994 : f32 to vector<128x512xf32>
    %add3A_1996 = arith.addf %add3A_1995, %mul3A_1993 : vector<128x512xf32>
    %mul3A_1997 = arith.mulf %add3A_1996, %sub3A_1982 : vector<128x512xf32>
    %add3A_1998 = arith.constant 2.1858087E-4 : f32
    %add3A_1999 = vector.broadcast %add3A_1998 : f32 to vector<128x512xf32>
    %add3A_2000 = arith.addf %add3A_1999, %mul3A_1997 : vector<128x512xf32>
    %mul3A_2001 = arith.mulf %add3A_2000, %sub3A_1982 : vector<128x512xf32>
    %add3A_2002 = arith.constant -0.00125372503 : f32
    %add3A_2003 = vector.broadcast %add3A_2002 : f32 to vector<128x512xf32>
    %add3A_2004 = arith.addf %add3A_2003, %mul3A_2001 : vector<128x512xf32>
    %mul3A_2005 = arith.mulf %add3A_2004, %sub3A_1982 : vector<128x512xf32>
    %add3A_2006 = arith.constant -0.00417768164 : f32
    %add3A_2007 = vector.broadcast %add3A_2006 : f32 to vector<128x512xf32>
    %add3A_2008 = arith.addf %add3A_2007, %mul3A_2005 : vector<128x512xf32>
    %mul3A_2009 = arith.mulf %add3A_2008, %sub3A_1982 : vector<128x512xf32>
    %add3A_2010 = arith.constant 0.246640727 : f32
    %add3A_2011 = vector.broadcast %add3A_2010 : f32 to vector<128x512xf32>
    %add3A_2012 = arith.addf %add3A_2011, %mul3A_2009 : vector<128x512xf32>
    %mul3A_2013 = arith.mulf %add3A_2012, %sub3A_1982 : vector<128x512xf32>
    %add3A_2014 = arith.constant 1.50140941 : f32
    %add3A_2015 = vector.broadcast %add3A_2014 : f32 to vector<128x512xf32>
    %add3A_2016 = arith.addf %add3A_2015, %mul3A_2013 : vector<128x512xf32>
    %sqrt3A_2017 = math.sqrt %neg3A_1979 : vector<128x512xf32>
    %sub3A_2018 = arith.constant 3.000000e+00 : f32
    %sub3A_2019 = vector.broadcast %sub3A_2018 : f32 to vector<128x512xf32>
    %sub3A_2020 = arith.subf %sqrt3A_2017, %sub3A_2019 : vector<128x512xf32>
    %broadcast_in_dim3A_2021 = arith.constant -2.00214257E-4 : f32
    %broadcast_in_dim3A_2022 = vector.broadcast %broadcast_in_dim3A_2021 : f32 to vector<128x512xf32>
    %mul3A_2023 = arith.mulf %broadcast_in_dim3A_2022, %sub3A_2020 : vector<128x512xf32>
    %add3A_2024 = arith.constant 1.00950558E-4 : f32
    %add3A_2025 = vector.broadcast %add3A_2024 : f32 to vector<128x512xf32>
    %add3A_2026 = arith.addf %add3A_2025, %mul3A_2023 : vector<128x512xf32>
    %mul3A_2027 = arith.mulf %add3A_2026, %sub3A_2020 : vector<128x512xf32>
    %add3A_2028 = arith.constant 0.00134934322 : f32
    %add3A_2029 = vector.broadcast %add3A_2028 : f32 to vector<128x512xf32>
    %add3A_2030 = arith.addf %add3A_2029, %mul3A_2027 : vector<128x512xf32>
    %mul3A_2031 = arith.mulf %add3A_2030, %sub3A_2020 : vector<128x512xf32>
    %add3A_2032 = arith.constant -0.00367342844 : f32
    %add3A_2033 = vector.broadcast %add3A_2032 : f32 to vector<128x512xf32>
    %add3A_2034 = arith.addf %add3A_2033, %mul3A_2031 : vector<128x512xf32>
    %mul3A_2035 = arith.mulf %add3A_2034, %sub3A_2020 : vector<128x512xf32>
    %add3A_2036 = arith.constant 0.00573950773 : f32
    %add3A_2037 = vector.broadcast %add3A_2036 : f32 to vector<128x512xf32>
    %add3A_2038 = arith.addf %add3A_2037, %mul3A_2035 : vector<128x512xf32>
    %mul3A_2039 = arith.mulf %add3A_2038, %sub3A_2020 : vector<128x512xf32>
    %add3A_2040 = arith.constant -0.0076224613 : f32
    %add3A_2041 = vector.broadcast %add3A_2040 : f32 to vector<128x512xf32>
    %add3A_2042 = arith.addf %add3A_2041, %mul3A_2039 : vector<128x512xf32>
    %mul3A_2043 = arith.mulf %add3A_2042, %sub3A_2020 : vector<128x512xf32>
    %add3A_2044 = arith.constant 0.00943887047 : f32
    %add3A_2045 = vector.broadcast %add3A_2044 : f32 to vector<128x512xf32>
    %add3A_2046 = arith.addf %add3A_2045, %mul3A_2043 : vector<128x512xf32>
    %mul3A_2047 = arith.mulf %add3A_2046, %sub3A_2020 : vector<128x512xf32>
    %add3A_2048 = arith.constant 1.00167406 : f32
    %add3A_2049 = vector.broadcast %add3A_2048 : f32 to vector<128x512xf32>
    %add3A_2050 = arith.addf %add3A_2049, %mul3A_2047 : vector<128x512xf32>
    %mul3A_2051 = arith.mulf %add3A_2050, %sub3A_2020 : vector<128x512xf32>
    %add3A_2052 = arith.constant 2.83297682 : f32
    %add3A_2053 = vector.broadcast %add3A_2052 : f32 to vector<128x512xf32>
    %add3A_2054 = arith.addf %add3A_2053, %mul3A_2051 : vector<128x512xf32>
    %lt3A_2055 = arith.constant 5.000000e+00 : f32
    %lt3A_2056 = vector.broadcast %lt3A_2055 : f32 to vector<128x512xf32>
    %lt3A_2057 = arith.cmpf olt, %neg3A_1979, %lt3A_2056 : vector<128x512xf32>
    %select_n3A_2058 = arith.select %lt3A_2057, %add3A_2016, %add3A_2054 : vector<128x512xi1>, vector<128x512xf32>
    %mul3A_2059 = arith.mulf %select_n3A_2058, %max3A_1968 : vector<128x512xf32>
    %mul3A_2060 = arith.constant 1.41421354 : f32
    %mul3A_2061 = vector.broadcast %mul3A_2060 : f32 to vector<128x512xf32>
    %mul3A_2062 = arith.mulf %mul3A_2061, %mul3A_2059 : vector<128x512xf32>
    %get3A_2063 = arith.constant 640 : index
    %get3A_2064 = arith.constant 0 : index
    %get3A_2065 = vector.load %arg4[%get3A_2063, %get3A_2064] : memref<1024x32xf32, #tpu.memory_space<vmem>>, vector<128x32xf32>
    %dot_general3A_2066 = arith.constant dense<0.000000e+00> : vector<128x512xf32>
    %dot_general3A_2067 = tpu.matmul %get3A_2065, %get3A_4, %dot_general3A_2066 {dimension_numbers = #tpu.dot_dimension_numbers<[1], [1], [0], [0], [0, 0, 1, 0], [], []>, transpose_lhs_hint = false} : vector<128x32xf32>, vector<512x32xf32>, vector<128x512xf32> -> vector<128x512xf32>
    %get3A_2068 = arith.constant 640 : index
    %get3A_2069 = arith.constant 0 : index
    %get3A_2070 = vector.load %arg5[%get3A_2068, %get3A_2069] : memref<1024x1xf32, #tpu.memory_space<vmem>>, vector<128x1xf32>
    %mul3A_2071 = vector.broadcast %get3A_2070 : vector<128x1xf32> to vector<128x512xf32>
    %mul3A_2072 = arith.mulf %mul3A_2071, %mul3A_2062 : vector<128x512xf32>
    %add3A_2073 = arith.addf %dot_general3A_2067, %mul3A_2072 : vector<128x512xf32>
    %swap3A_2074 = arith.constant 640 : index
    %swap3A_2075 = arith.constant 0 : index
    %swap3A_2076 = vector.load %arg3[%swap3A_2074, %swap3A_2075] : memref<1024x512xf32, #tpu.memory_space<vmem>>, vector<128x512xf32>
    tpu.vector_store %arg3[%swap3A_2074, %swap3A_2075], %add3A_2073 {strides = array<i32>} : memref<1024x512xf32, #tpu.memory_space<vmem>>, vector<128x512xf32>,
    %get3A_2077 = arith.constant 768 : index
    %get3A_2078 = arith.constant 0 : index
    %get3A_2079 = vector.load %arg6[%get3A_2077, %get3A_2078] : memref<1024x512xi32, #tpu.memory_space<vmem>>, vector<128x512xi32>
    %add3A_2080 = vector.broadcast %mul3A_2 : i32 to vector<128x512xi32>
    %add3A_2081 = arith.addi %get3A_2079, %add3A_2080 : vector<128x512xi32>
    %add3A_2082 = arith.constant -1314375903 : i32
    %add3A_2083 = vector.broadcast %add3A_2082 : i32 to vector<128x512xi32>
    %add3A_2084 = arith.addi %add3A_2081, %add3A_2083 : vector<128x512xi32>
    %add3A_2085 = arith.constant -1378843660 : i32
    %add3A_2086 = vector.broadcast %add3A_2085 : i32 to vector<128x512xi32>
    %add3A_2087 = arith.addi %add3A_2081, %add3A_2086 : vector<128x512xi32>
    %shift_left3A_2088 = arith.constant 13 : i32
    %shift_left3A_2089 = vector.broadcast %shift_left3A_2088 : i32 to vector<128x512xi32>
    %shift_left3A_2090 = arith.shli %add3A_2087, %shift_left3A_2089 : vector<128x512xi32>
    %shift_right_logical3A_2091 = arith.constant 19 : i32
    %shift_right_logical3A_2092 = vector.broadcast %shift_right_logical3A_2091 : i32 to vector<128x512xi32>
    %shift_right_logical3A_2093 = arith.shrui %add3A_2087, %shift_right_logical3A_2092 : vector<128x512xi32>
    %or3A_2094 = arith.ori %shift_left3A_2090, %shift_right_logical3A_2093 : vector<128x512xi32>
    %xor3A_2095 = arith.xori %or3A_2094, %add3A_2084 : vector<128x512xi32>
    %add3A_2096 = arith.addi %add3A_2084, %xor3A_2095 : vector<128x512xi32>
    %shift_left3A_2097 = arith.constant 15 : i32
    %shift_left3A_2098 = vector.broadcast %shift_left3A_2097 : i32 to vector<128x512xi32>
    %shift_left3A_2099 = arith.shli %xor3A_2095, %shift_left3A_2098 : vector<128x512xi32>
    %shift_right_logical3A_2100 = arith.constant 17 : i32
    %shift_right_logical3A_2101 = vector.broadcast %shift_right_logical3A_2100 : i32 to vector<128x512xi32>
    %shift_right_logical3A_2102 = arith.shrui %xor3A_2095, %shift_right_logical3A_2101 : vector<128x512xi32>
    %or3A_2103 = arith.ori %shift_left3A_2099, %shift_right_logical3A_2102 : vector<128x512xi32>
    %xor3A_2104 = arith.xori %or3A_2103, %add3A_2096 : vector<128x512xi32>
    %add3A_2105 = arith.addi %add3A_2096, %xor3A_2104 : vector<128x512xi32>
    %shift_left3A_2106 = arith.constant 26 : i32
    %shift_left3A_2107 = vector.broadcast %shift_left3A_2106 : i32 to vector<128x512xi32>
    %shift_left3A_2108 = arith.shli %xor3A_2104, %shift_left3A_2107 : vector<128x512xi32>
    %shift_right_logical3A_2109 = arith.constant 6 : i32
    %shift_right_logical3A_2110 = vector.broadcast %shift_right_logical3A_2109 : i32 to vector<128x512xi32>
    %shift_right_logical3A_2111 = arith.shrui %xor3A_2104, %shift_right_logical3A_2110 : vector<128x512xi32>
    %or3A_2112 = arith.ori %shift_left3A_2108, %shift_right_logical3A_2111 : vector<128x512xi32>
    %xor3A_2113 = arith.xori %or3A_2112, %add3A_2105 : vector<128x512xi32>
    %add3A_2114 = arith.addi %add3A_2105, %xor3A_2113 : vector<128x512xi32>
    %shift_left3A_2115 = arith.constant 6 : i32
    %shift_left3A_2116 = vector.broadcast %shift_left3A_2115 : i32 to vector<128x512xi32>
    %shift_left3A_2117 = arith.shli %xor3A_2113, %shift_left3A_2116 : vector<128x512xi32>
    %shift_right_logical3A_2118 = arith.constant 26 : i32
    %shift_right_logical3A_2119 = vector.broadcast %shift_right_logical3A_2118 : i32 to vector<128x512xi32>
    %shift_right_logical3A_2120 = arith.shrui %xor3A_2113, %shift_right_logical3A_2119 : vector<128x512xi32>
    %or3A_2121 = arith.ori %shift_left3A_2117, %shift_right_logical3A_2120 : vector<128x512xi32>
    %xor3A_2122 = arith.xori %or3A_2121, %add3A_2114 : vector<128x512xi32>
    %add3A_2123 = arith.constant -1378843660 : i32
    %add3A_2124 = vector.broadcast %add3A_2123 : i32 to vector<128x512xi32>
    %add3A_2125 = arith.addi %add3A_2114, %add3A_2124 : vector<128x512xi32>
    %add3A_2126 = arith.constant -1244255484 : i32
    %add3A_2127 = vector.broadcast %add3A_2126 : i32 to vector<128x512xi32>
    %add3A_2128 = arith.addi %xor3A_2122, %add3A_2127 : vector<128x512xi32>
    %add3A_2129 = arith.addi %add3A_2125, %add3A_2128 : vector<128x512xi32>
    %shift_left3A_2130 = arith.constant 17 : i32
    %shift_left3A_2131 = vector.broadcast %shift_left3A_2130 : i32 to vector<128x512xi32>
    %shift_left3A_2132 = arith.shli %add3A_2128, %shift_left3A_2131 : vector<128x512xi32>
    %shift_right_logical3A_2133 = arith.constant 15 : i32
    %shift_right_logical3A_2134 = vector.broadcast %shift_right_logical3A_2133 : i32 to vector<128x512xi32>
    %shift_right_logical3A_2135 = arith.shrui %add3A_2128, %shift_right_logical3A_2134 : vector<128x512xi32>
    %or3A_2136 = arith.ori %shift_left3A_2132, %shift_right_logical3A_2135 : vector<128x512xi32>
    %xor3A_2137 = arith.xori %or3A_2136, %add3A_2129 : vector<128x512xi32>
    %add3A_2138 = arith.addi %add3A_2129, %xor3A_2137 : vector<128x512xi32>
    %shift_left3A_2139 = arith.constant 29 : i32
    %shift_left3A_2140 = vector.broadcast %shift_left3A_2139 : i32 to vector<128x512xi32>
    %shift_left3A_2141 = arith.shli %xor3A_2137, %shift_left3A_2140 : vector<128x512xi32>
    %shift_right_logical3A_2142 = arith.constant 3 : i32
    %shift_right_logical3A_2143 = vector.broadcast %shift_right_logical3A_2142 : i32 to vector<128x512xi32>
    %shift_right_logical3A_2144 = arith.shrui %xor3A_2137, %shift_right_logical3A_2143 : vector<128x512xi32>
    %or3A_2145 = arith.ori %shift_left3A_2141, %shift_right_logical3A_2144 : vector<128x512xi32>
    %xor3A_2146 = arith.xori %or3A_2145, %add3A_2138 : vector<128x512xi32>
    %add3A_2147 = arith.addi %add3A_2138, %xor3A_2146 : vector<128x512xi32>
    %shift_left3A_2148 = arith.constant 16 : i32
    %shift_left3A_2149 = vector.broadcast %shift_left3A_2148 : i32 to vector<128x512xi32>
    %shift_left3A_2150 = arith.shli %xor3A_2146, %shift_left3A_2149 : vector<128x512xi32>
    %shift_right_logical3A_2151 = arith.constant 16 : i32
    %shift_right_logical3A_2152 = vector.broadcast %shift_right_logical3A_2151 : i32 to vector<128x512xi32>
    %shift_right_logical3A_2153 = arith.shrui %xor3A_2146, %shift_right_logical3A_2152 : vector<128x512xi32>
    %or3A_2154 = arith.ori %shift_left3A_2150, %shift_right_logical3A_2153 : vector<128x512xi32>
    %xor3A_2155 = arith.xori %or3A_2154, %add3A_2147 : vector<128x512xi32>
    %add3A_2156 = arith.addi %add3A_2147, %xor3A_2155 : vector<128x512xi32>
    %shift_left3A_2157 = arith.constant 24 : i32
    %shift_left3A_2158 = vector.broadcast %shift_left3A_2157 : i32 to vector<128x512xi32>
    %shift_left3A_2159 = arith.shli %xor3A_2155, %shift_left3A_2158 : vector<128x512xi32>
    %shift_right_logical3A_2160 = arith.constant 8 : i32
    %shift_right_logical3A_2161 = vector.broadcast %shift_right_logical3A_2160 : i32 to vector<128x512xi32>
    %shift_right_logical3A_2162 = arith.shrui %xor3A_2155, %shift_right_logical3A_2161 : vector<128x512xi32>
    %or3A_2163 = arith.ori %shift_left3A_2159, %shift_right_logical3A_2162 : vector<128x512xi32>
    %xor3A_2164 = arith.xori %or3A_2163, %add3A_2156 : vector<128x512xi32>
    %add3A_2165 = arith.constant -1244255485 : i32
    %add3A_2166 = vector.broadcast %add3A_2165 : i32 to vector<128x512xi32>
    %add3A_2167 = arith.addi %add3A_2156, %add3A_2166 : vector<128x512xi32>
    %add3A_2168 = arith.constant 64467759 : i32
    %add3A_2169 = vector.broadcast %add3A_2168 : i32 to vector<128x512xi32>
    %add3A_2170 = arith.addi %xor3A_2164, %add3A_2169 : vector<128x512xi32>
    %add3A_2171 = arith.addi %add3A_2167, %add3A_2170 : vector<128x512xi32>
    %shift_left3A_2172 = arith.constant 13 : i32
    %shift_left3A_2173 = vector.broadcast %shift_left3A_2172 : i32 to vector<128x512xi32>
    %shift_left3A_2174 = arith.shli %add3A_2170, %shift_left3A_2173 : vector<128x512xi32>
    %shift_right_logical3A_2175 = arith.constant 19 : i32
    %shift_right_logical3A_2176 = vector.broadcast %shift_right_logical3A_2175 : i32 to vector<128x512xi32>
    %shift_right_logical3A_2177 = arith.shrui %add3A_2170, %shift_right_logical3A_2176 : vector<128x512xi32>
    %or3A_2178 = arith.ori %shift_left3A_2174, %shift_right_logical3A_2177 : vector<128x512xi32>
    %xor3A_2179 = arith.xori %or3A_2178, %add3A_2171 : vector<128x512xi32>
    %add3A_2180 = arith.addi %add3A_2171, %xor3A_2179 : vector<128x512xi32>
    %shift_left3A_2181 = arith.constant 15 : i32
    %shift_left3A_2182 = vector.broadcast %shift_left3A_2181 : i32 to vector<128x512xi32>
    %shift_left3A_2183 = arith.shli %xor3A_2179, %shift_left3A_2182 : vector<128x512xi32>
    %shift_right_logical3A_2184 = arith.constant 17 : i32
    %shift_right_logical3A_2185 = vector.broadcast %shift_right_logical3A_2184 : i32 to vector<128x512xi32>
    %shift_right_logical3A_2186 = arith.shrui %xor3A_2179, %shift_right_logical3A_2185 : vector<128x512xi32>
    %or3A_2187 = arith.ori %shift_left3A_2183, %shift_right_logical3A_2186 : vector<128x512xi32>
    %xor3A_2188 = arith.xori %or3A_2187, %add3A_2180 : vector<128x512xi32>
    %add3A_2189 = arith.addi %add3A_2180, %xor3A_2188 : vector<128x512xi32>
    %shift_left3A_2190 = arith.constant 26 : i32
    %shift_left3A_2191 = vector.broadcast %shift_left3A_2190 : i32 to vector<128x512xi32>
    %shift_left3A_2192 = arith.shli %xor3A_2188, %shift_left3A_2191 : vector<128x512xi32>
    %shift_right_logical3A_2193 = arith.constant 6 : i32
    %shift_right_logical3A_2194 = vector.broadcast %shift_right_logical3A_2193 : i32 to vector<128x512xi32>
    %shift_right_logical3A_2195 = arith.shrui %xor3A_2188, %shift_right_logical3A_2194 : vector<128x512xi32>
    %or3A_2196 = arith.ori %shift_left3A_2192, %shift_right_logical3A_2195 : vector<128x512xi32>
    %xor3A_2197 = arith.xori %or3A_2196, %add3A_2189 : vector<128x512xi32>
    %add3A_2198 = arith.addi %add3A_2189, %xor3A_2197 : vector<128x512xi32>
    %shift_left3A_2199 = arith.constant 6 : i32
    %shift_left3A_2200 = vector.broadcast %shift_left3A_2199 : i32 to vector<128x512xi32>
    %shift_left3A_2201 = arith.shli %xor3A_2197, %shift_left3A_2200 : vector<128x512xi32>
    %shift_right_logical3A_2202 = arith.constant 26 : i32
    %shift_right_logical3A_2203 = vector.broadcast %shift_right_logical3A_2202 : i32 to vector<128x512xi32>
    %shift_right_logical3A_2204 = arith.shrui %xor3A_2197, %shift_right_logical3A_2203 : vector<128x512xi32>
    %or3A_2205 = arith.ori %shift_left3A_2201, %shift_right_logical3A_2204 : vector<128x512xi32>
    %xor3A_2206 = arith.xori %or3A_2205, %add3A_2198 : vector<128x512xi32>
    %add3A_2207 = arith.constant 64467757 : i32
    %add3A_2208 = vector.broadcast %add3A_2207 : i32 to vector<128x512xi32>
    %add3A_2209 = arith.addi %add3A_2198, %add3A_2208 : vector<128x512xi32>
    %add3A_2210 = arith.constant -1378843657 : i32
    %add3A_2211 = vector.broadcast %add3A_2210 : i32 to vector<128x512xi32>
    %add3A_2212 = arith.addi %xor3A_2206, %add3A_2211 : vector<128x512xi32>
    %add3A_2213 = arith.addi %add3A_2209, %add3A_2212 : vector<128x512xi32>
    %shift_left3A_2214 = arith.constant 17 : i32
    %shift_left3A_2215 = vector.broadcast %shift_left3A_2214 : i32 to vector<128x512xi32>
    %shift_left3A_2216 = arith.shli %add3A_2212, %shift_left3A_2215 : vector<128x512xi32>
    %shift_right_logical3A_2217 = arith.constant 15 : i32
    %shift_right_logical3A_2218 = vector.broadcast %shift_right_logical3A_2217 : i32 to vector<128x512xi32>
    %shift_right_logical3A_2219 = arith.shrui %add3A_2212, %shift_right_logical3A_2218 : vector<128x512xi32>
    %or3A_2220 = arith.ori %shift_left3A_2216, %shift_right_logical3A_2219 : vector<128x512xi32>
    %xor3A_2221 = arith.xori %or3A_2220, %add3A_2213 : vector<128x512xi32>
    %add3A_2222 = arith.addi %add3A_2213, %xor3A_2221 : vector<128x512xi32>
    %shift_left3A_2223 = arith.constant 29 : i32
    %shift_left3A_2224 = vector.broadcast %shift_left3A_2223 : i32 to vector<128x512xi32>
    %shift_left3A_2225 = arith.shli %xor3A_2221, %shift_left3A_2224 : vector<128x512xi32>
    %shift_right_logical3A_2226 = arith.constant 3 : i32
    %shift_right_logical3A_2227 = vector.broadcast %shift_right_logical3A_2226 : i32 to vector<128x512xi32>
    %shift_right_logical3A_2228 = arith.shrui %xor3A_2221, %shift_right_logical3A_2227 : vector<128x512xi32>
    %or3A_2229 = arith.ori %shift_left3A_2225, %shift_right_logical3A_2228 : vector<128x512xi32>
    %xor3A_2230 = arith.xori %or3A_2229, %add3A_2222 : vector<128x512xi32>
    %add3A_2231 = arith.addi %add3A_2222, %xor3A_2230 : vector<128x512xi32>
    %shift_left3A_2232 = arith.constant 16 : i32
    %shift_left3A_2233 = vector.broadcast %shift_left3A_2232 : i32 to vector<128x512xi32>
    %shift_left3A_2234 = arith.shli %xor3A_2230, %shift_left3A_2233 : vector<128x512xi32>
    %shift_right_logical3A_2235 = arith.constant 16 : i32
    %shift_right_logical3A_2236 = vector.broadcast %shift_right_logical3A_2235 : i32 to vector<128x512xi32>
    %shift_right_logical3A_2237 = arith.shrui %xor3A_2230, %shift_right_logical3A_2236 : vector<128x512xi32>
    %or3A_2238 = arith.ori %shift_left3A_2234, %shift_right_logical3A_2237 : vector<128x512xi32>
    %xor3A_2239 = arith.xori %or3A_2238, %add3A_2231 : vector<128x512xi32>
    %add3A_2240 = arith.addi %add3A_2231, %xor3A_2239 : vector<128x512xi32>
    %shift_left3A_2241 = arith.constant 24 : i32
    %shift_left3A_2242 = vector.broadcast %shift_left3A_2241 : i32 to vector<128x512xi32>
    %shift_left3A_2243 = arith.shli %xor3A_2239, %shift_left3A_2242 : vector<128x512xi32>
    %shift_right_logical3A_2244 = arith.constant 8 : i32
    %shift_right_logical3A_2245 = vector.broadcast %shift_right_logical3A_2244 : i32 to vector<128x512xi32>
    %shift_right_logical3A_2246 = arith.shrui %xor3A_2239, %shift_right_logical3A_2245 : vector<128x512xi32>
    %or3A_2247 = arith.ori %shift_left3A_2243, %shift_right_logical3A_2246 : vector<128x512xi32>
    %xor3A_2248 = arith.xori %or3A_2247, %add3A_2240 : vector<128x512xi32>
    %add3A_2249 = arith.constant -1378843660 : i32
    %add3A_2250 = vector.broadcast %add3A_2249 : i32 to vector<128x512xi32>
    %add3A_2251 = arith.addi %add3A_2240, %add3A_2250 : vector<128x512xi32>
    %add3A_2252 = arith.constant -1244255481 : i32
    %add3A_2253 = vector.broadcast %add3A_2252 : i32 to vector<128x512xi32>
    %add3A_2254 = arith.addi %xor3A_2248, %add3A_2253 : vector<128x512xi32>
    %add3A_2255 = arith.addi %add3A_2251, %add3A_2254 : vector<128x512xi32>
    %shift_left3A_2256 = arith.constant 13 : i32
    %shift_left3A_2257 = vector.broadcast %shift_left3A_2256 : i32 to vector<128x512xi32>
    %shift_left3A_2258 = arith.shli %add3A_2254, %shift_left3A_2257 : vector<128x512xi32>
    %shift_right_logical3A_2259 = arith.constant 19 : i32
    %shift_right_logical3A_2260 = vector.broadcast %shift_right_logical3A_2259 : i32 to vector<128x512xi32>
    %shift_right_logical3A_2261 = arith.shrui %add3A_2254, %shift_right_logical3A_2260 : vector<128x512xi32>
    %or3A_2262 = arith.ori %shift_left3A_2258, %shift_right_logical3A_2261 : vector<128x512xi32>
    %xor3A_2263 = arith.xori %or3A_2262, %add3A_2255 : vector<128x512xi32>
    %add3A_2264 = arith.addi %add3A_2255, %xor3A_2263 : vector<128x512xi32>
    %shift_left3A_2265 = arith.constant 15 : i32
    %shift_left3A_2266 = vector.broadcast %shift_left3A_2265 : i32 to vector<128x512xi32>
    %shift_left3A_2267 = arith.shli %xor3A_2263, %shift_left3A_2266 : vector<128x512xi32>
    %shift_right_logical3A_2268 = arith.constant 17 : i32
    %shift_right_logical3A_2269 = vector.broadcast %shift_right_logical3A_2268 : i32 to vector<128x512xi32>
    %shift_right_logical3A_2270 = arith.shrui %xor3A_2263, %shift_right_logical3A_2269 : vector<128x512xi32>
    %or3A_2271 = arith.ori %shift_left3A_2267, %shift_right_logical3A_2270 : vector<128x512xi32>
    %xor3A_2272 = arith.xori %or3A_2271, %add3A_2264 : vector<128x512xi32>
    %add3A_2273 = arith.addi %add3A_2264, %xor3A_2272 : vector<128x512xi32>
    %shift_left3A_2274 = arith.constant 26 : i32
    %shift_left3A_2275 = vector.broadcast %shift_left3A_2274 : i32 to vector<128x512xi32>
    %shift_left3A_2276 = arith.shli %xor3A_2272, %shift_left3A_2275 : vector<128x512xi32>
    %shift_right_logical3A_2277 = arith.constant 6 : i32
    %shift_right_logical3A_2278 = vector.broadcast %shift_right_logical3A_2277 : i32 to vector<128x512xi32>
    %shift_right_logical3A_2279 = arith.shrui %xor3A_2272, %shift_right_logical3A_2278 : vector<128x512xi32>
    %or3A_2280 = arith.ori %shift_left3A_2276, %shift_right_logical3A_2279 : vector<128x512xi32>
    %xor3A_2281 = arith.xori %or3A_2280, %add3A_2273 : vector<128x512xi32>
    %add3A_2282 = arith.addi %add3A_2273, %xor3A_2281 : vector<128x512xi32>
    %shift_left3A_2283 = arith.constant 6 : i32
    %shift_left3A_2284 = vector.broadcast %shift_left3A_2283 : i32 to vector<128x512xi32>
    %shift_left3A_2285 = arith.shli %xor3A_2281, %shift_left3A_2284 : vector<128x512xi32>
    %shift_right_logical3A_2286 = arith.constant 26 : i32
    %shift_right_logical3A_2287 = vector.broadcast %shift_right_logical3A_2286 : i32 to vector<128x512xi32>
    %shift_right_logical3A_2288 = arith.shrui %xor3A_2281, %shift_right_logical3A_2287 : vector<128x512xi32>
    %or3A_2289 = arith.ori %shift_left3A_2285, %shift_right_logical3A_2288 : vector<128x512xi32>
    %xor3A_2290 = arith.xori %or3A_2289, %add3A_2282 : vector<128x512xi32>
    %add3A_2291 = arith.constant -1244255485 : i32
    %add3A_2292 = vector.broadcast %add3A_2291 : i32 to vector<128x512xi32>
    %add3A_2293 = arith.addi %add3A_2282, %add3A_2292 : vector<128x512xi32>
    %add3A_2294 = arith.constant 64467762 : i32
    %add3A_2295 = vector.broadcast %add3A_2294 : i32 to vector<128x512xi32>
    %add3A_2296 = arith.addi %xor3A_2290, %add3A_2295 : vector<128x512xi32>
    %xor3A_2297 = arith.xori %add3A_2293, %add3A_2296 : vector<128x512xi32>
    %shift_right_logical3A_2298 = arith.constant 9 : i32
    %shift_right_logical3A_2299 = vector.broadcast %shift_right_logical3A_2298 : i32 to vector<128x512xi32>
    %shift_right_logical3A_2300 = arith.shrui %xor3A_2297, %shift_right_logical3A_2299 : vector<128x512xi32>
    %or3A_2301 = arith.constant 1065353216 : i32
    %or3A_2302 = vector.broadcast %or3A_2301 : i32 to vector<128x512xi32>
    %or3A_2303 = arith.ori %shift_right_logical3A_2300, %or3A_2302 : vector<128x512xi32>
    %bitcast_convert_type3A_2304 = tpu.bitcast %or3A_2303 : vector<128x512xi32> -> vector<128x512xf32>
    %sub3A_2305 = arith.constant 1.000000e+00 : f32
    %sub3A_2306 = vector.broadcast %sub3A_2305 : f32 to vector<128x512xf32>
    %sub3A_2307 = arith.subf %bitcast_convert_type3A_2304, %sub3A_2306 : vector<128x512xf32>
    %mul3A_2308 = arith.constant 2.000000e+00 : f32
    %mul3A_2309 = vector.broadcast %mul3A_2308 : f32 to vector<128x512xf32>
    %mul3A_2310 = arith.mulf %sub3A_2307, %mul3A_2309 : vector<128x512xf32>
    %add3A_2311 = arith.constant -0.99999994 : f32
    %add3A_2312 = vector.broadcast %add3A_2311 : f32 to vector<128x512xf32>
    %add3A_2313 = arith.addf %mul3A_2310, %add3A_2312 : vector<128x512xf32>
    %max3A_2314 = arith.constant -0.99999994 : f32
    %max3A_2315 = vector.broadcast %max3A_2314 : f32 to vector<128x512xf32>
    %max3A_2316 = arith.maximumf %max3A_2315, %add3A_2313 : vector<128x512xf32>
    %sub3A_2317 = arith.constant 1.000000e+00 : f32
    %sub3A_2318 = vector.broadcast %sub3A_2317 : f32 to vector<128x512xf32>
    %sub3A_2319 = arith.subf %sub3A_2318, %max3A_2316 : vector<128x512xf32>
    %add3A_2320 = arith.constant 1.000000e+00 : f32
    %add3A_2321 = vector.broadcast %add3A_2320 : f32 to vector<128x512xf32>
    %add3A_2322 = arith.addf %add3A_2321, %max3A_2316 : vector<128x512xf32>
    %mul3A_2323 = arith.mulf %sub3A_2319, %add3A_2322 : vector<128x512xf32>
    %log3A_2324 = math.log %mul3A_2323 : vector<128x512xf32>
    %neg3A_2325 = arith.constant 0.000000e+00 : f32
    %neg3A_2326 = vector.broadcast %neg3A_2325 : f32 to vector<128x512xf32>
    %neg3A_2327 = arith.subf %neg3A_2326, %log3A_2324 : vector<128x512xf32>
    %sub3A_2328 = arith.constant 2.500000e+00 : f32
    %sub3A_2329 = vector.broadcast %sub3A_2328 : f32 to vector<128x512xf32>
    %sub3A_2330 = arith.subf %neg3A_2327, %sub3A_2329 : vector<128x512xf32>
    %broadcast_in_dim3A_2331 = arith.constant 2.81022636E-8 : f32
    %broadcast_in_dim3A_2332 = vector.broadcast %broadcast_in_dim3A_2331 : f32 to vector<128x512xf32>
    %mul3A_2333 = arith.mulf %broadcast_in_dim3A_2332, %sub3A_2330 : vector<128x512xf32>
    %add3A_2334 = arith.constant 3.43273939E-7 : f32
    %add3A_2335 = vector.broadcast %add3A_2334 : f32 to vector<128x512xf32>
    %add3A_2336 = arith.addf %add3A_2335, %mul3A_2333 : vector<128x512xf32>
    %mul3A_2337 = arith.mulf %add3A_2336, %sub3A_2330 : vector<128x512xf32>
    %add3A_2338 = arith.constant -3.5233877E-6 : f32
    %add3A_2339 = vector.broadcast %add3A_2338 : f32 to vector<128x512xf32>
    %add3A_2340 = arith.addf %add3A_2339, %mul3A_2337 : vector<128x512xf32>
    %mul3A_2341 = arith.mulf %add3A_2340, %sub3A_2330 : vector<128x512xf32>
    %add3A_2342 = arith.constant -4.39150654E-6 : f32
    %add3A_2343 = vector.broadcast %add3A_2342 : f32 to vector<128x512xf32>
    %add3A_2344 = arith.addf %add3A_2343, %mul3A_2341 : vector<128x512xf32>
    %mul3A_2345 = arith.mulf %add3A_2344, %sub3A_2330 : vector<128x512xf32>
    %add3A_2346 = arith.constant 2.1858087E-4 : f32
    %add3A_2347 = vector.broadcast %add3A_2346 : f32 to vector<128x512xf32>
    %add3A_2348 = arith.addf %add3A_2347, %mul3A_2345 : vector<128x512xf32>
    %mul3A_2349 = arith.mulf %add3A_2348, %sub3A_2330 : vector<128x512xf32>
    %add3A_2350 = arith.constant -0.00125372503 : f32
    %add3A_2351 = vector.broadcast %add3A_2350 : f32 to vector<128x512xf32>
    %add3A_2352 = arith.addf %add3A_2351, %mul3A_2349 : vector<128x512xf32>
    %mul3A_2353 = arith.mulf %add3A_2352, %sub3A_2330 : vector<128x512xf32>
    %add3A_2354 = arith.constant -0.00417768164 : f32
    %add3A_2355 = vector.broadcast %add3A_2354 : f32 to vector<128x512xf32>
    %add3A_2356 = arith.addf %add3A_2355, %mul3A_2353 : vector<128x512xf32>
    %mul3A_2357 = arith.mulf %add3A_2356, %sub3A_2330 : vector<128x512xf32>
    %add3A_2358 = arith.constant 0.246640727 : f32
    %add3A_2359 = vector.broadcast %add3A_2358 : f32 to vector<128x512xf32>
    %add3A_2360 = arith.addf %add3A_2359, %mul3A_2357 : vector<128x512xf32>
    %mul3A_2361 = arith.mulf %add3A_2360, %sub3A_2330 : vector<128x512xf32>
    %add3A_2362 = arith.constant 1.50140941 : f32
    %add3A_2363 = vector.broadcast %add3A_2362 : f32 to vector<128x512xf32>
    %add3A_2364 = arith.addf %add3A_2363, %mul3A_2361 : vector<128x512xf32>
    %sqrt3A_2365 = math.sqrt %neg3A_2327 : vector<128x512xf32>
    %sub3A_2366 = arith.constant 3.000000e+00 : f32
    %sub3A_2367 = vector.broadcast %sub3A_2366 : f32 to vector<128x512xf32>
    %sub3A_2368 = arith.subf %sqrt3A_2365, %sub3A_2367 : vector<128x512xf32>
    %broadcast_in_dim3A_2369 = arith.constant -2.00214257E-4 : f32
    %broadcast_in_dim3A_2370 = vector.broadcast %broadcast_in_dim3A_2369 : f32 to vector<128x512xf32>
    %mul3A_2371 = arith.mulf %broadcast_in_dim3A_2370, %sub3A_2368 : vector<128x512xf32>
    %add3A_2372 = arith.constant 1.00950558E-4 : f32
    %add3A_2373 = vector.broadcast %add3A_2372 : f32 to vector<128x512xf32>
    %add3A_2374 = arith.addf %add3A_2373, %mul3A_2371 : vector<128x512xf32>
    %mul3A_2375 = arith.mulf %add3A_2374, %sub3A_2368 : vector<128x512xf32>
    %add3A_2376 = arith.constant 0.00134934322 : f32
    %add3A_2377 = vector.broadcast %add3A_2376 : f32 to vector<128x512xf32>
    %add3A_2378 = arith.addf %add3A_2377, %mul3A_2375 : vector<128x512xf32>
    %mul3A_2379 = arith.mulf %add3A_2378, %sub3A_2368 : vector<128x512xf32>
    %add3A_2380 = arith.constant -0.00367342844 : f32
    %add3A_2381 = vector.broadcast %add3A_2380 : f32 to vector<128x512xf32>
    %add3A_2382 = arith.addf %add3A_2381, %mul3A_2379 : vector<128x512xf32>
    %mul3A_2383 = arith.mulf %add3A_2382, %sub3A_2368 : vector<128x512xf32>
    %add3A_2384 = arith.constant 0.00573950773 : f32
    %add3A_2385 = vector.broadcast %add3A_2384 : f32 to vector<128x512xf32>
    %add3A_2386 = arith.addf %add3A_2385, %mul3A_2383 : vector<128x512xf32>
    %mul3A_2387 = arith.mulf %add3A_2386, %sub3A_2368 : vector<128x512xf32>
    %add3A_2388 = arith.constant -0.0076224613 : f32
    %add3A_2389 = vector.broadcast %add3A_2388 : f32 to vector<128x512xf32>
    %add3A_2390 = arith.addf %add3A_2389, %mul3A_2387 : vector<128x512xf32>
    %mul3A_2391 = arith.mulf %add3A_2390, %sub3A_2368 : vector<128x512xf32>
    %add3A_2392 = arith.constant 0.00943887047 : f32
    %add3A_2393 = vector.broadcast %add3A_2392 : f32 to vector<128x512xf32>
    %add3A_2394 = arith.addf %add3A_2393, %mul3A_2391 : vector<128x512xf32>
    %mul3A_2395 = arith.mulf %add3A_2394, %sub3A_2368 : vector<128x512xf32>
    %add3A_2396 = arith.constant 1.00167406 : f32
    %add3A_2397 = vector.broadcast %add3A_2396 : f32 to vector<128x512xf32>
    %add3A_2398 = arith.addf %add3A_2397, %mul3A_2395 : vector<128x512xf32>
    %mul3A_2399 = arith.mulf %add3A_2398, %sub3A_2368 : vector<128x512xf32>
    %add3A_2400 = arith.constant 2.83297682 : f32
    %add3A_2401 = vector.broadcast %add3A_2400 : f32 to vector<128x512xf32>
    %add3A_2402 = arith.addf %add3A_2401, %mul3A_2399 : vector<128x512xf32>
    %lt3A_2403 = arith.constant 5.000000e+00 : f32
    %lt3A_2404 = vector.broadcast %lt3A_2403 : f32 to vector<128x512xf32>
    %lt3A_2405 = arith.cmpf olt, %neg3A_2327, %lt3A_2404 : vector<128x512xf32>
    %select_n3A_2406 = arith.select %lt3A_2405, %add3A_2364, %add3A_2402 : vector<128x512xi1>, vector<128x512xf32>
    %mul3A_2407 = arith.mulf %select_n3A_2406, %max3A_2316 : vector<128x512xf32>
    %mul3A_2408 = arith.constant 1.41421354 : f32
    %mul3A_2409 = vector.broadcast %mul3A_2408 : f32 to vector<128x512xf32>
    %mul3A_2410 = arith.mulf %mul3A_2409, %mul3A_2407 : vector<128x512xf32>
    %get3A_2411 = arith.constant 768 : index
    %get3A_2412 = arith.constant 0 : index
    %get3A_2413 = vector.load %arg4[%get3A_2411, %get3A_2412] : memref<1024x32xf32, #tpu.memory_space<vmem>>, vector<128x32xf32>
    %dot_general3A_2414 = arith.constant dense<0.000000e+00> : vector<128x512xf32>
    %dot_general3A_2415 = tpu.matmul %get3A_2413, %get3A_4, %dot_general3A_2414 {dimension_numbers = #tpu.dot_dimension_numbers<[1], [1], [0], [0], [0, 0, 1, 0], [], []>, transpose_lhs_hint = false} : vector<128x32xf32>, vector<512x32xf32>, vector<128x512xf32> -> vector<128x512xf32>
    %get3A_2416 = arith.constant 768 : index
    %get3A_2417 = arith.constant 0 : index
    %get3A_2418 = vector.load %arg5[%get3A_2416, %get3A_2417] : memref<1024x1xf32, #tpu.memory_space<vmem>>, vector<128x1xf32>
    %mul3A_2419 = vector.broadcast %get3A_2418 : vector<128x1xf32> to vector<128x512xf32>
    %mul3A_2420 = arith.mulf %mul3A_2419, %mul3A_2410 : vector<128x512xf32>
    %add3A_2421 = arith.addf %dot_general3A_2415, %mul3A_2420 : vector<128x512xf32>
    %swap3A_2422 = arith.constant 768 : index
    %swap3A_2423 = arith.constant 0 : index
    %swap3A_2424 = vector.load %arg3[%swap3A_2422, %swap3A_2423] : memref<1024x512xf32, #tpu.memory_space<vmem>>, vector<128x512xf32>
    tpu.vector_store %arg3[%swap3A_2422, %swap3A_2423], %add3A_2421 {strides = array<i32>} : memref<1024x512xf32, #tpu.memory_space<vmem>>, vector<128x512xf32>,
    %get3A_2425 = arith.constant 896 : index
    %get3A_2426 = arith.constant 0 : index
    %get3A_2427 = vector.load %arg6[%get3A_2425, %get3A_2426] : memref<1024x512xi32, #tpu.memory_space<vmem>>, vector<128x512xi32>
    %add3A_2428 = vector.broadcast %mul3A_2 : i32 to vector<128x512xi32>
    %add3A_2429 = arith.addi %get3A_2427, %add3A_2428 : vector<128x512xi32>
    %add3A_2430 = arith.constant -1314375903 : i32
    %add3A_2431 = vector.broadcast %add3A_2430 : i32 to vector<128x512xi32>
    %add3A_2432 = arith.addi %add3A_2429, %add3A_2431 : vector<128x512xi32>
    %add3A_2433 = arith.constant -1378843660 : i32
    %add3A_2434 = vector.broadcast %add3A_2433 : i32 to vector<128x512xi32>
    %add3A_2435 = arith.addi %add3A_2429, %add3A_2434 : vector<128x512xi32>
    %shift_left3A_2436 = arith.constant 13 : i32
    %shift_left3A_2437 = vector.broadcast %shift_left3A_2436 : i32 to vector<128x512xi32>
    %shift_left3A_2438 = arith.shli %add3A_2435, %shift_left3A_2437 : vector<128x512xi32>
    %shift_right_logical3A_2439 = arith.constant 19 : i32
    %shift_right_logical3A_2440 = vector.broadcast %shift_right_logical3A_2439 : i32 to vector<128x512xi32>
    %shift_right_logical3A_2441 = arith.shrui %add3A_2435, %shift_right_logical3A_2440 : vector<128x512xi32>
    %or3A_2442 = arith.ori %shift_left3A_2438, %shift_right_logical3A_2441 : vector<128x512xi32>
    %xor3A_2443 = arith.xori %or3A_2442, %add3A_2432 : vector<128x512xi32>
    %add3A_2444 = arith.addi %add3A_2432, %xor3A_2443 : vector<128x512xi32>
    %shift_left3A_2445 = arith.constant 15 : i32
    %shift_left3A_2446 = vector.broadcast %shift_left3A_2445 : i32 to vector<128x512xi32>
    %shift_left3A_2447 = arith.shli %xor3A_2443, %shift_left3A_2446 : vector<128x512xi32>
    %shift_right_logical3A_2448 = arith.constant 17 : i32
    %shift_right_logical3A_2449 = vector.broadcast %shift_right_logical3A_2448 : i32 to vector<128x512xi32>
    %shift_right_logical3A_2450 = arith.shrui %xor3A_2443, %shift_right_logical3A_2449 : vector<128x512xi32>
    %or3A_2451 = arith.ori %shift_left3A_2447, %shift_right_logical3A_2450 : vector<128x512xi32>
    %xor3A_2452 = arith.xori %or3A_2451, %add3A_2444 : vector<128x512xi32>
    %add3A_2453 = arith.addi %add3A_2444, %xor3A_2452 : vector<128x512xi32>
    %shift_left3A_2454 = arith.constant 26 : i32
    %shift_left3A_2455 = vector.broadcast %shift_left3A_2454 : i32 to vector<128x512xi32>
    %shift_left3A_2456 = arith.shli %xor3A_2452, %shift_left3A_2455 : vector<128x512xi32>
    %shift_right_logical3A_2457 = arith.constant 6 : i32
    %shift_right_logical3A_2458 = vector.broadcast %shift_right_logical3A_2457 : i32 to vector<128x512xi32>
    %shift_right_logical3A_2459 = arith.shrui %xor3A_2452, %shift_right_logical3A_2458 : vector<128x512xi32>
    %or3A_2460 = arith.ori %shift_left3A_2456, %shift_right_logical3A_2459 : vector<128x512xi32>
    %xor3A_2461 = arith.xori %or3A_2460, %add3A_2453 : vector<128x512xi32>
    %add3A_2462 = arith.addi %add3A_2453, %xor3A_2461 : vector<128x512xi32>
    %shift_left3A_2463 = arith.constant 6 : i32
    %shift_left3A_2464 = vector.broadcast %shift_left3A_2463 : i32 to vector<128x512xi32>
    %shift_left3A_2465 = arith.shli %xor3A_2461, %shift_left3A_2464 : vector<128x512xi32>
    %shift_right_logical3A_2466 = arith.constant 26 : i32
    %shift_right_logical3A_2467 = vector.broadcast %shift_right_logical3A_2466 : i32 to vector<128x512xi32>
    %shift_right_logical3A_2468 = arith.shrui %xor3A_2461, %shift_right_logical3A_2467 : vector<128x512xi32>
    %or3A_2469 = arith.ori %shift_left3A_2465, %shift_right_logical3A_2468 : vector<128x512xi32>
    %xor3A_2470 = arith.xori %or3A_2469, %add3A_2462 : vector<128x512xi32>
    %add3A_2471 = arith.constant -1378843660 : i32
    %add3A_2472 = vector.broadcast %add3A_2471 : i32 to vector<128x512xi32>
    %add3A_2473 = arith.addi %add3A_2462, %add3A_2472 : vector<128x512xi32>
    %add3A_2474 = arith.constant -1244255484 : i32
    %add3A_2475 = vector.broadcast %add3A_2474 : i32 to vector<128x512xi32>
    %add3A_2476 = arith.addi %xor3A_2470, %add3A_2475 : vector<128x512xi32>
    %add3A_2477 = arith.addi %add3A_2473, %add3A_2476 : vector<128x512xi32>
    %shift_left3A_2478 = arith.constant 17 : i32
    %shift_left3A_2479 = vector.broadcast %shift_left3A_2478 : i32 to vector<128x512xi32>
    %shift_left3A_2480 = arith.shli %add3A_2476, %shift_left3A_2479 : vector<128x512xi32>
    %shift_right_logical3A_2481 = arith.constant 15 : i32
    %shift_right_logical3A_2482 = vector.broadcast %shift_right_logical3A_2481 : i32 to vector<128x512xi32>
    %shift_right_logical3A_2483 = arith.shrui %add3A_2476, %shift_right_logical3A_2482 : vector<128x512xi32>
    %or3A_2484 = arith.ori %shift_left3A_2480, %shift_right_logical3A_2483 : vector<128x512xi32>
    %xor3A_2485 = arith.xori %or3A_2484, %add3A_2477 : vector<128x512xi32>
    %add3A_2486 = arith.addi %add3A_2477, %xor3A_2485 : vector<128x512xi32>
    %shift_left3A_2487 = arith.constant 29 : i32
    %shift_left3A_2488 = vector.broadcast %shift_left3A_2487 : i32 to vector<128x512xi32>
    %shift_left3A_2489 = arith.shli %xor3A_2485, %shift_left3A_2488 : vector<128x512xi32>
    %shift_right_logical3A_2490 = arith.constant 3 : i32
    %shift_right_logical3A_2491 = vector.broadcast %shift_right_logical3A_2490 : i32 to vector<128x512xi32>
    %shift_right_logical3A_2492 = arith.shrui %xor3A_2485, %shift_right_logical3A_2491 : vector<128x512xi32>
    %or3A_2493 = arith.ori %shift_left3A_2489, %shift_right_logical3A_2492 : vector<128x512xi32>
    %xor3A_2494 = arith.xori %or3A_2493, %add3A_2486 : vector<128x512xi32>
    %add3A_2495 = arith.addi %add3A_2486, %xor3A_2494 : vector<128x512xi32>
    %shift_left3A_2496 = arith.constant 16 : i32
    %shift_left3A_2497 = vector.broadcast %shift_left3A_2496 : i32 to vector<128x512xi32>
    %shift_left3A_2498 = arith.shli %xor3A_2494, %shift_left3A_2497 : vector<128x512xi32>
    %shift_right_logical3A_2499 = arith.constant 16 : i32
    %shift_right_logical3A_2500 = vector.broadcast %shift_right_logical3A_2499 : i32 to vector<128x512xi32>
    %shift_right_logical3A_2501 = arith.shrui %xor3A_2494, %shift_right_logical3A_2500 : vector<128x512xi32>
    %or3A_2502 = arith.ori %shift_left3A_2498, %shift_right_logical3A_2501 : vector<128x512xi32>
    %xor3A_2503 = arith.xori %or3A_2502, %add3A_2495 : vector<128x512xi32>
    %add3A_2504 = arith.addi %add3A_2495, %xor3A_2503 : vector<128x512xi32>
    %shift_left3A_2505 = arith.constant 24 : i32
    %shift_left3A_2506 = vector.broadcast %shift_left3A_2505 : i32 to vector<128x512xi32>
    %shift_left3A_2507 = arith.shli %xor3A_2503, %shift_left3A_2506 : vector<128x512xi32>
    %shift_right_logical3A_2508 = arith.constant 8 : i32
    %shift_right_logical3A_2509 = vector.broadcast %shift_right_logical3A_2508 : i32 to vector<128x512xi32>
    %shift_right_logical3A_2510 = arith.shrui %xor3A_2503, %shift_right_logical3A_2509 : vector<128x512xi32>
    %or3A_2511 = arith.ori %shift_left3A_2507, %shift_right_logical3A_2510 : vector<128x512xi32>
    %xor3A_2512 = arith.xori %or3A_2511, %add3A_2504 : vector<128x512xi32>
    %add3A_2513 = arith.constant -1244255485 : i32
    %add3A_2514 = vector.broadcast %add3A_2513 : i32 to vector<128x512xi32>
    %add3A_2515 = arith.addi %add3A_2504, %add3A_2514 : vector<128x512xi32>
    %add3A_2516 = arith.constant 64467759 : i32
    %add3A_2517 = vector.broadcast %add3A_2516 : i32 to vector<128x512xi32>
    %add3A_2518 = arith.addi %xor3A_2512, %add3A_2517 : vector<128x512xi32>
    %add3A_2519 = arith.addi %add3A_2515, %add3A_2518 : vector<128x512xi32>
    %shift_left3A_2520 = arith.constant 13 : i32
    %shift_left3A_2521 = vector.broadcast %shift_left3A_2520 : i32 to vector<128x512xi32>
    %shift_left3A_2522 = arith.shli %add3A_2518, %shift_left3A_2521 : vector<128x512xi32>
    %shift_right_logical3A_2523 = arith.constant 19 : i32
    %shift_right_logical3A_2524 = vector.broadcast %shift_right_logical3A_2523 : i32 to vector<128x512xi32>
    %shift_right_logical3A_2525 = arith.shrui %add3A_2518, %shift_right_logical3A_2524 : vector<128x512xi32>
    %or3A_2526 = arith.ori %shift_left3A_2522, %shift_right_logical3A_2525 : vector<128x512xi32>
    %xor3A_2527 = arith.xori %or3A_2526, %add3A_2519 : vector<128x512xi32>
    %add3A_2528 = arith.addi %add3A_2519, %xor3A_2527 : vector<128x512xi32>
    %shift_left3A_2529 = arith.constant 15 : i32
    %shift_left3A_2530 = vector.broadcast %shift_left3A_2529 : i32 to vector<128x512xi32>
    %shift_left3A_2531 = arith.shli %xor3A_2527, %shift_left3A_2530 : vector<128x512xi32>
    %shift_right_logical3A_2532 = arith.constant 17 : i32
    %shift_right_logical3A_2533 = vector.broadcast %shift_right_logical3A_2532 : i32 to vector<128x512xi32>
    %shift_right_logical3A_2534 = arith.shrui %xor3A_2527, %shift_right_logical3A_2533 : vector<128x512xi32>
    %or3A_2535 = arith.ori %shift_left3A_2531, %shift_right_logical3A_2534 : vector<128x512xi32>
    %xor3A_2536 = arith.xori %or3A_2535, %add3A_2528 : vector<128x512xi32>
    %add3A_2537 = arith.addi %add3A_2528, %xor3A_2536 : vector<128x512xi32>
    %shift_left3A_2538 = arith.constant 26 : i32
    %shift_left3A_2539 = vector.broadcast %shift_left3A_2538 : i32 to vector<128x512xi32>
    %shift_left3A_2540 = arith.shli %xor3A_2536, %shift_left3A_2539 : vector<128x512xi32>
    %shift_right_logical3A_2541 = arith.constant 6 : i32
    %shift_right_logical3A_2542 = vector.broadcast %shift_right_logical3A_2541 : i32 to vector<128x512xi32>
    %shift_right_logical3A_2543 = arith.shrui %xor3A_2536, %shift_right_logical3A_2542 : vector<128x512xi32>
    %or3A_2544 = arith.ori %shift_left3A_2540, %shift_right_logical3A_2543 : vector<128x512xi32>
    %xor3A_2545 = arith.xori %or3A_2544, %add3A_2537 : vector<128x512xi32>
    %add3A_2546 = arith.addi %add3A_2537, %xor3A_2545 : vector<128x512xi32>
    %shift_left3A_2547 = arith.constant 6 : i32
    %shift_left3A_2548 = vector.broadcast %shift_left3A_2547 : i32 to vector<128x512xi32>
    %shift_left3A_2549 = arith.shli %xor3A_2545, %shift_left3A_2548 : vector<128x512xi32>
    %shift_right_logical3A_2550 = arith.constant 26 : i32
    %shift_right_logical3A_2551 = vector.broadcast %shift_right_logical3A_2550 : i32 to vector<128x512xi32>
    %shift_right_logical3A_2552 = arith.shrui %xor3A_2545, %shift_right_logical3A_2551 : vector<128x512xi32>
    %or3A_2553 = arith.ori %shift_left3A_2549, %shift_right_logical3A_2552 : vector<128x512xi32>
    %xor3A_2554 = arith.xori %or3A_2553, %add3A_2546 : vector<128x512xi32>
    %add3A_2555 = arith.constant 64467757 : i32
    %add3A_2556 = vector.broadcast %add3A_2555 : i32 to vector<128x512xi32>
    %add3A_2557 = arith.addi %add3A_2546, %add3A_2556 : vector<128x512xi32>
    %add3A_2558 = arith.constant -1378843657 : i32
    %add3A_2559 = vector.broadcast %add3A_2558 : i32 to vector<128x512xi32>
    %add3A_2560 = arith.addi %xor3A_2554, %add3A_2559 : vector<128x512xi32>
    %add3A_2561 = arith.addi %add3A_2557, %add3A_2560 : vector<128x512xi32>
    %shift_left3A_2562 = arith.constant 17 : i32
    %shift_left3A_2563 = vector.broadcast %shift_left3A_2562 : i32 to vector<128x512xi32>
    %shift_left3A_2564 = arith.shli %add3A_2560, %shift_left3A_2563 : vector<128x512xi32>
    %shift_right_logical3A_2565 = arith.constant 15 : i32
    %shift_right_logical3A_2566 = vector.broadcast %shift_right_logical3A_2565 : i32 to vector<128x512xi32>
    %shift_right_logical3A_2567 = arith.shrui %add3A_2560, %shift_right_logical3A_2566 : vector<128x512xi32>
    %or3A_2568 = arith.ori %shift_left3A_2564, %shift_right_logical3A_2567 : vector<128x512xi32>
    %xor3A_2569 = arith.xori %or3A_2568, %add3A_2561 : vector<128x512xi32>
    %add3A_2570 = arith.addi %add3A_2561, %xor3A_2569 : vector<128x512xi32>
    %shift_left3A_2571 = arith.constant 29 : i32
    %shift_left3A_2572 = vector.broadcast %shift_left3A_2571 : i32 to vector<128x512xi32>
    %shift_left3A_2573 = arith.shli %xor3A_2569, %shift_left3A_2572 : vector<128x512xi32>
    %shift_right_logical3A_2574 = arith.constant 3 : i32
    %shift_right_logical3A_2575 = vector.broadcast %shift_right_logical3A_2574 : i32 to vector<128x512xi32>
    %shift_right_logical3A_2576 = arith.shrui %xor3A_2569, %shift_right_logical3A_2575 : vector<128x512xi32>
    %or3A_2577 = arith.ori %shift_left3A_2573, %shift_right_logical3A_2576 : vector<128x512xi32>
    %xor3A_2578 = arith.xori %or3A_2577, %add3A_2570 : vector<128x512xi32>
    %add3A_2579 = arith.addi %add3A_2570, %xor3A_2578 : vector<128x512xi32>
    %shift_left3A_2580 = arith.constant 16 : i32
    %shift_left3A_2581 = vector.broadcast %shift_left3A_2580 : i32 to vector<128x512xi32>
    %shift_left3A_2582 = arith.shli %xor3A_2578, %shift_left3A_2581 : vector<128x512xi32>
    %shift_right_logical3A_2583 = arith.constant 16 : i32
    %shift_right_logical3A_2584 = vector.broadcast %shift_right_logical3A_2583 : i32 to vector<128x512xi32>
    %shift_right_logical3A_2585 = arith.shrui %xor3A_2578, %shift_right_logical3A_2584 : vector<128x512xi32>
    %or3A_2586 = arith.ori %shift_left3A_2582, %shift_right_logical3A_2585 : vector<128x512xi32>
    %xor3A_2587 = arith.xori %or3A_2586, %add3A_2579 : vector<128x512xi32>
    %add3A_2588 = arith.addi %add3A_2579, %xor3A_2587 : vector<128x512xi32>
    %shift_left3A_2589 = arith.constant 24 : i32
    %shift_left3A_2590 = vector.broadcast %shift_left3A_2589 : i32 to vector<128x512xi32>
    %shift_left3A_2591 = arith.shli %xor3A_2587, %shift_left3A_2590 : vector<128x512xi32>
    %shift_right_logical3A_2592 = arith.constant 8 : i32
    %shift_right_logical3A_2593 = vector.broadcast %shift_right_logical3A_2592 : i32 to vector<128x512xi32>
    %shift_right_logical3A_2594 = arith.shrui %xor3A_2587, %shift_right_logical3A_2593 : vector<128x512xi32>
    %or3A_2595 = arith.ori %shift_left3A_2591, %shift_right_logical3A_2594 : vector<128x512xi32>
    %xor3A_2596 = arith.xori %or3A_2595, %add3A_2588 : vector<128x512xi32>
    %add3A_2597 = arith.constant -1378843660 : i32
    %add3A_2598 = vector.broadcast %add3A_2597 : i32 to vector<128x512xi32>
    %add3A_2599 = arith.addi %add3A_2588, %add3A_2598 : vector<128x512xi32>
    %add3A_2600 = arith.constant -1244255481 : i32
    %add3A_2601 = vector.broadcast %add3A_2600 : i32 to vector<128x512xi32>
    %add3A_2602 = arith.addi %xor3A_2596, %add3A_2601 : vector<128x512xi32>
    %add3A_2603 = arith.addi %add3A_2599, %add3A_2602 : vector<128x512xi32>
    %shift_left3A_2604 = arith.constant 13 : i32
    %shift_left3A_2605 = vector.broadcast %shift_left3A_2604 : i32 to vector<128x512xi32>
    %shift_left3A_2606 = arith.shli %add3A_2602, %shift_left3A_2605 : vector<128x512xi32>
    %shift_right_logical3A_2607 = arith.constant 19 : i32
    %shift_right_logical3A_2608 = vector.broadcast %shift_right_logical3A_2607 : i32 to vector<128x512xi32>
    %shift_right_logical3A_2609 = arith.shrui %add3A_2602, %shift_right_logical3A_2608 : vector<128x512xi32>
    %or3A_2610 = arith.ori %shift_left3A_2606, %shift_right_logical3A_2609 : vector<128x512xi32>
    %xor3A_2611 = arith.xori %or3A_2610, %add3A_2603 : vector<128x512xi32>
    %add3A_2612 = arith.addi %add3A_2603, %xor3A_2611 : vector<128x512xi32>
    %shift_left3A_2613 = arith.constant 15 : i32
    %shift_left3A_2614 = vector.broadcast %shift_left3A_2613 : i32 to vector<128x512xi32>
    %shift_left3A_2615 = arith.shli %xor3A_2611, %shift_left3A_2614 : vector<128x512xi32>
    %shift_right_logical3A_2616 = arith.constant 17 : i32
    %shift_right_logical3A_2617 = vector.broadcast %shift_right_logical3A_2616 : i32 to vector<128x512xi32>
    %shift_right_logical3A_2618 = arith.shrui %xor3A_2611, %shift_right_logical3A_2617 : vector<128x512xi32>
    %or3A_2619 = arith.ori %shift_left3A_2615, %shift_right_logical3A_2618 : vector<128x512xi32>
    %xor3A_2620 = arith.xori %or3A_2619, %add3A_2612 : vector<128x512xi32>
    %add3A_2621 = arith.addi %add3A_2612, %xor3A_2620 : vector<128x512xi32>
    %shift_left3A_2622 = arith.constant 26 : i32
    %shift_left3A_2623 = vector.broadcast %shift_left3A_2622 : i32 to vector<128x512xi32>
    %shift_left3A_2624 = arith.shli %xor3A_2620, %shift_left3A_2623 : vector<128x512xi32>
    %shift_right_logical3A_2625 = arith.constant 6 : i32
    %shift_right_logical3A_2626 = vector.broadcast %shift_right_logical3A_2625 : i32 to vector<128x512xi32>
    %shift_right_logical3A_2627 = arith.shrui %xor3A_2620, %shift_right_logical3A_2626 : vector<128x512xi32>
    %or3A_2628 = arith.ori %shift_left3A_2624, %shift_right_logical3A_2627 : vector<128x512xi32>
    %xor3A_2629 = arith.xori %or3A_2628, %add3A_2621 : vector<128x512xi32>
    %add3A_2630 = arith.addi %add3A_2621, %xor3A_2629 : vector<128x512xi32>
    %shift_left3A_2631 = arith.constant 6 : i32
    %shift_left3A_2632 = vector.broadcast %shift_left3A_2631 : i32 to vector<128x512xi32>
    %shift_left3A_2633 = arith.shli %xor3A_2629, %shift_left3A_2632 : vector<128x512xi32>
    %shift_right_logical3A_2634 = arith.constant 26 : i32
    %shift_right_logical3A_2635 = vector.broadcast %shift_right_logical3A_2634 : i32 to vector<128x512xi32>
    %shift_right_logical3A_2636 = arith.shrui %xor3A_2629, %shift_right_logical3A_2635 : vector<128x512xi32>
    %or3A_2637 = arith.ori %shift_left3A_2633, %shift_right_logical3A_2636 : vector<128x512xi32>
    %xor3A_2638 = arith.xori %or3A_2637, %add3A_2630 : vector<128x512xi32>
    %add3A_2639 = arith.constant -1244255485 : i32
    %add3A_2640 = vector.broadcast %add3A_2639 : i32 to vector<128x512xi32>
    %add3A_2641 = arith.addi %add3A_2630, %add3A_2640 : vector<128x512xi32>
    %add3A_2642 = arith.constant 64467762 : i32
    %add3A_2643 = vector.broadcast %add3A_2642 : i32 to vector<128x512xi32>
    %add3A_2644 = arith.addi %xor3A_2638, %add3A_2643 : vector<128x512xi32>
    %xor3A_2645 = arith.xori %add3A_2641, %add3A_2644 : vector<128x512xi32>
    %shift_right_logical3A_2646 = arith.constant 9 : i32
    %shift_right_logical3A_2647 = vector.broadcast %shift_right_logical3A_2646 : i32 to vector<128x512xi32>
    %shift_right_logical3A_2648 = arith.shrui %xor3A_2645, %shift_right_logical3A_2647 : vector<128x512xi32>
    %or3A_2649 = arith.constant 1065353216 : i32
    %or3A_2650 = vector.broadcast %or3A_2649 : i32 to vector<128x512xi32>
    %or3A_2651 = arith.ori %shift_right_logical3A_2648, %or3A_2650 : vector<128x512xi32>
    %bitcast_convert_type3A_2652 = tpu.bitcast %or3A_2651 : vector<128x512xi32> -> vector<128x512xf32>
    %sub3A_2653 = arith.constant 1.000000e+00 : f32
    %sub3A_2654 = vector.broadcast %sub3A_2653 : f32 to vector<128x512xf32>
    %sub3A_2655 = arith.subf %bitcast_convert_type3A_2652, %sub3A_2654 : vector<128x512xf32>
    %mul3A_2656 = arith.constant 2.000000e+00 : f32
    %mul3A_2657 = vector.broadcast %mul3A_2656 : f32 to vector<128x512xf32>
    %mul3A_2658 = arith.mulf %sub3A_2655, %mul3A_2657 : vector<128x512xf32>
    %add3A_2659 = arith.constant -0.99999994 : f32
    %add3A_2660 = vector.broadcast %add3A_2659 : f32 to vector<128x512xf32>
    %add3A_2661 = arith.addf %mul3A_2658, %add3A_2660 : vector<128x512xf32>
    %max3A_2662 = arith.constant -0.99999994 : f32
    %max3A_2663 = vector.broadcast %max3A_2662 : f32 to vector<128x512xf32>
    %max3A_2664 = arith.maximumf %max3A_2663, %add3A_2661 : vector<128x512xf32>
    %sub3A_2665 = arith.constant 1.000000e+00 : f32
    %sub3A_2666 = vector.broadcast %sub3A_2665 : f32 to vector<128x512xf32>
    %sub3A_2667 = arith.subf %sub3A_2666, %max3A_2664 : vector<128x512xf32>
    %add3A_2668 = arith.constant 1.000000e+00 : f32
    %add3A_2669 = vector.broadcast %add3A_2668 : f32 to vector<128x512xf32>
    %add3A_2670 = arith.addf %add3A_2669, %max3A_2664 : vector<128x512xf32>
    %mul3A_2671 = arith.mulf %sub3A_2667, %add3A_2670 : vector<128x512xf32>
    %log3A_2672 = math.log %mul3A_2671 : vector<128x512xf32>
    %neg3A_2673 = arith.constant 0.000000e+00 : f32
    %neg3A_2674 = vector.broadcast %neg3A_2673 : f32 to vector<128x512xf32>
    %neg3A_2675 = arith.subf %neg3A_2674, %log3A_2672 : vector<128x512xf32>
    %sub3A_2676 = arith.constant 2.500000e+00 : f32
    %sub3A_2677 = vector.broadcast %sub3A_2676 : f32 to vector<128x512xf32>
    %sub3A_2678 = arith.subf %neg3A_2675, %sub3A_2677 : vector<128x512xf32>
    %broadcast_in_dim3A_2679 = arith.constant 2.81022636E-8 : f32
    %broadcast_in_dim3A_2680 = vector.broadcast %broadcast_in_dim3A_2679 : f32 to vector<128x512xf32>
    %mul3A_2681 = arith.mulf %broadcast_in_dim3A_2680, %sub3A_2678 : vector<128x512xf32>
    %add3A_2682 = arith.constant 3.43273939E-7 : f32
    %add3A_2683 = vector.broadcast %add3A_2682 : f32 to vector<128x512xf32>
    %add3A_2684 = arith.addf %add3A_2683, %mul3A_2681 : vector<128x512xf32>
    %mul3A_2685 = arith.mulf %add3A_2684, %sub3A_2678 : vector<128x512xf32>
    %add3A_2686 = arith.constant -3.5233877E-6 : f32
    %add3A_2687 = vector.broadcast %add3A_2686 : f32 to vector<128x512xf32>
    %add3A_2688 = arith.addf %add3A_2687, %mul3A_2685 : vector<128x512xf32>
    %mul3A_2689 = arith.mulf %add3A_2688, %sub3A_2678 : vector<128x512xf32>
    %add3A_2690 = arith.constant -4.39150654E-6 : f32
    %add3A_2691 = vector.broadcast %add3A_2690 : f32 to vector<128x512xf32>
    %add3A_2692 = arith.addf %add3A_2691, %mul3A_2689 : vector<128x512xf32>
    %mul3A_2693 = arith.mulf %add3A_2692, %sub3A_2678 : vector<128x512xf32>
    %add3A_2694 = arith.constant 2.1858087E-4 : f32
    %add3A_2695 = vector.broadcast %add3A_2694 : f32 to vector<128x512xf32>
    %add3A_2696 = arith.addf %add3A_2695, %mul3A_2693 : vector<128x512xf32>
    %mul3A_2697 = arith.mulf %add3A_2696, %sub3A_2678 : vector<128x512xf32>
    %add3A_2698 = arith.constant -0.00125372503 : f32
    %add3A_2699 = vector.broadcast %add3A_2698 : f32 to vector<128x512xf32>
    %add3A_2700 = arith.addf %add3A_2699, %mul3A_2697 : vector<128x512xf32>
    %mul3A_2701 = arith.mulf %add3A_2700, %sub3A_2678 : vector<128x512xf32>
    %add3A_2702 = arith.constant -0.00417768164 : f32
    %add3A_2703 = vector.broadcast %add3A_2702 : f32 to vector<128x512xf32>
    %add3A_2704 = arith.addf %add3A_2703, %mul3A_2701 : vector<128x512xf32>
    %mul3A_2705 = arith.mulf %add3A_2704, %sub3A_2678 : vector<128x512xf32>
    %add3A_2706 = arith.constant 0.246640727 : f32
    %add3A_2707 = vector.broadcast %add3A_2706 : f32 to vector<128x512xf32>
    %add3A_2708 = arith.addf %add3A_2707, %mul3A_2705 : vector<128x512xf32>
    %mul3A_2709 = arith.mulf %add3A_2708, %sub3A_2678 : vector<128x512xf32>
    %add3A_2710 = arith.constant 1.50140941 : f32
    %add3A_2711 = vector.broadcast %add3A_2710 : f32 to vector<128x512xf32>
    %add3A_2712 = arith.addf %add3A_2711, %mul3A_2709 : vector<128x512xf32>
    %sqrt3A_2713 = math.sqrt %neg3A_2675 : vector<128x512xf32>
    %sub3A_2714 = arith.constant 3.000000e+00 : f32
    %sub3A_2715 = vector.broadcast %sub3A_2714 : f32 to vector<128x512xf32>
    %sub3A_2716 = arith.subf %sqrt3A_2713, %sub3A_2715 : vector<128x512xf32>
    %broadcast_in_dim3A_2717 = arith.constant -2.00214257E-4 : f32
    %broadcast_in_dim3A_2718 = vector.broadcast %broadcast_in_dim3A_2717 : f32 to vector<128x512xf32>
    %mul3A_2719 = arith.mulf %broadcast_in_dim3A_2718, %sub3A_2716 : vector<128x512xf32>
    %add3A_2720 = arith.constant 1.00950558E-4 : f32
    %add3A_2721 = vector.broadcast %add3A_2720 : f32 to vector<128x512xf32>
    %add3A_2722 = arith.addf %add3A_2721, %mul3A_2719 : vector<128x512xf32>
    %mul3A_2723 = arith.mulf %add3A_2722, %sub3A_2716 : vector<128x512xf32>
    %add3A_2724 = arith.constant 0.00134934322 : f32
    %add3A_2725 = vector.broadcast %add3A_2724 : f32 to vector<128x512xf32>
    %add3A_2726 = arith.addf %add3A_2725, %mul3A_2723 : vector<128x512xf32>
    %mul3A_2727 = arith.mulf %add3A_2726, %sub3A_2716 : vector<128x512xf32>
    %add3A_2728 = arith.constant -0.00367342844 : f32
    %add3A_2729 = vector.broadcast %add3A_2728 : f32 to vector<128x512xf32>
    %add3A_2730 = arith.addf %add3A_2729, %mul3A_2727 : vector<128x512xf32>
    %mul3A_2731 = arith.mulf %add3A_2730, %sub3A_2716 : vector<128x512xf32>
    %add3A_2732 = arith.constant 0.00573950773 : f32
    %add3A_2733 = vector.broadcast %add3A_2732 : f32 to vector<128x512xf32>
    %add3A_2734 = arith.addf %add3A_2733, %mul3A_2731 : vector<128x512xf32>
    %mul3A_2735 = arith.mulf %add3A_2734, %sub3A_2716 : vector<128x512xf32>
    %add3A_2736 = arith.constant -0.0076224613 : f32
    %add3A_2737 = vector.broadcast %add3A_2736 : f32 to vector<128x512xf32>
    %add3A_2738 = arith.addf %add3A_2737, %mul3A_2735 : vector<128x512xf32>
    %mul3A_2739 = arith.mulf %add3A_2738, %sub3A_2716 : vector<128x512xf32>
    %add3A_2740 = arith.constant 0.00943887047 : f32
    %add3A_2741 = vector.broadcast %add3A_2740 : f32 to vector<128x512xf32>
    %add3A_2742 = arith.addf %add3A_2741, %mul3A_2739 : vector<128x512xf32>
    %mul3A_2743 = arith.mulf %add3A_2742, %sub3A_2716 : vector<128x512xf32>
    %add3A_2744 = arith.constant 1.00167406 : f32
    %add3A_2745 = vector.broadcast %add3A_2744 : f32 to vector<128x512xf32>
    %add3A_2746 = arith.addf %add3A_2745, %mul3A_2743 : vector<128x512xf32>
    %mul3A_2747 = arith.mulf %add3A_2746, %sub3A_2716 : vector<128x512xf32>
    %add3A_2748 = arith.constant 2.83297682 : f32
    %add3A_2749 = vector.broadcast %add3A_2748 : f32 to vector<128x512xf32>
    %add3A_2750 = arith.addf %add3A_2749, %mul3A_2747 : vector<128x512xf32>
    %lt3A_2751 = arith.constant 5.000000e+00 : f32
    %lt3A_2752 = vector.broadcast %lt3A_2751 : f32 to vector<128x512xf32>
    %lt3A_2753 = arith.cmpf olt, %neg3A_2675, %lt3A_2752 : vector<128x512xf32>
    %select_n3A_2754 = arith.select %lt3A_2753, %add3A_2712, %add3A_2750 : vector<128x512xi1>, vector<128x512xf32>
    %mul3A_2755 = arith.mulf %select_n3A_2754, %max3A_2664 : vector<128x512xf32>
    %mul3A_2756 = arith.constant 1.41421354 : f32
    %mul3A_2757 = vector.broadcast %mul3A_2756 : f32 to vector<128x512xf32>
    %mul3A_2758 = arith.mulf %mul3A_2757, %mul3A_2755 : vector<128x512xf32>
    %get3A_2759 = arith.constant 896 : index
    %get3A_2760 = arith.constant 0 : index
    %get3A_2761 = vector.load %arg4[%get3A_2759, %get3A_2760] : memref<1024x32xf32, #tpu.memory_space<vmem>>, vector<128x32xf32>
    %dot_general3A_2762 = arith.constant dense<0.000000e+00> : vector<128x512xf32>
    %dot_general3A_2763 = tpu.matmul %get3A_2761, %get3A_4, %dot_general3A_2762 {dimension_numbers = #tpu.dot_dimension_numbers<[1], [1], [0], [0], [0, 0, 1, 0], [], []>, transpose_lhs_hint = false} : vector<128x32xf32>, vector<512x32xf32>, vector<128x512xf32> -> vector<128x512xf32>
    %get3A_2764 = arith.constant 896 : index
    %get3A_2765 = arith.constant 0 : index
    %get3A_2766 = vector.load %arg5[%get3A_2764, %get3A_2765] : memref<1024x1xf32, #tpu.memory_space<vmem>>, vector<128x1xf32>
    %mul3A_2767 = vector.broadcast %get3A_2766 : vector<128x1xf32> to vector<128x512xf32>
    %mul3A_2768 = arith.mulf %mul3A_2767, %mul3A_2758 : vector<128x512xf32>
    %add3A_2769 = arith.addf %dot_general3A_2763, %mul3A_2768 : vector<128x512xf32>
    %swap3A_2770 = arith.constant 896 : index
    %swap3A_2771 = arith.constant 0 : index
    %swap3A_2772 = vector.load %arg3[%swap3A_2770, %swap3A_2771] : memref<1024x512xf32, #tpu.memory_space<vmem>>, vector<128x512xf32>
    tpu.vector_store %arg3[%swap3A_2770, %swap3A_2771], %add3A_2769 {strides = array<i32>} : memref<1024x512xf32, #tpu.memory_space<vmem>>, vector<128x512xf32>,
    return
  }
  func.func @transform_0(%arg0: i32) -> (i32, i32) {
    %c0_i32 = arith.constant 0 : i32
    %c0_i32_0 = arith.constant 0 : i32
    %c0_i32_1 = arith.constant 0 : i32
    return %c0_i32, %c0_i32_0 : i32, i32
  }
  func.func @transform_1(%arg0: i32) -> (i32, i32) {
    %c0_i32 = arith.constant 0 : i32
    %c0_i32_0 = arith.constant 0 : i32
    return %arg0, %c0_i32 : i32, i32
  }
  func.func @transform_2(%arg0: i32) -> (i32, i32) {
    %c0_i32 = arith.constant 0 : i32
    %c0_i32_0 = arith.constant 0 : i32
    return %c0_i32, %arg0 : i32, i32
  }
}

</mosaic_0001>

<sc_bundles>
// kernel: kernel.5.cloned.1.call-start
scs
__scs_entry_jumppad:
0x0: {  	(pc) =	sbr.rel $0x88, $3  }
0x1: {  	(tag) =	ssettag $0x0;
	lr =	simm.s32 $0x1  }
0x2: {  	[smem:$0x3F9E] =	sst lr;
	_ =	strace $0xD0000000  }
0x3: {  	_ = 	snop  }
0x4: {  	_ = 	snop  }
0x5: {  	_ = 	snop  }
0x6: {  	_ = 	snop  }
0x7: {  	_ = 	snop  }
__scs_overlays_trampoline_lowered:
0x8: {  	[smem:$0x3FAD] =	sst s0  }
0x9: {  	[smem:$0x3FAE] =	sst s1  }
0xa: {  	[smem:$0x3FAF] =	sst s2  }
0xb: {  	[smem:$0x3FB0] =	sst s3  }
0xc: {  	[smem:$0x3FB1] =	sst s4  }
0xd: {  	[smem:$0x3FB2] =	sst s5  }
0xe: {  	[smem:$0x3FB3] =	sst s6  }
0xf: {  	[smem:$0x3FB4] =	sst s7  }
0x10: {  	[smem:$0x3FB5] =	sst s8  }
0x11: {  	[smem:$0x3FB6] =	sst s9;
	s0 =	simm.s32 @!p0 $0x0  }
0x12: {  	s1 =	sld [smem:$0x3F9C];
	s0 =	simm.s32 @p0 $0x1  }
0x13: {  	[smem:$0x3FB7] =	sst s0;
	s0 =	simm.s32 @!p1 $0x0  }
0x14: {  	s2 =	sld [smem:$0x3F9B];
	s0 =	simm.s32 @p1 $0x1  }
0x15: {  	[smem:$0x3FB8] =	sst s0;
	s0 =	simm.s32 @!p2 $0x0  }
0x16: {  	s3 =	sld [smem:$0x3FDB];
	s0 =	simm.s32 @p2 $0x1  }
0x17: {  	s4 =	simm.s32 $0x1BF5;
	[smem:$0x3FBA] =	sst s0  }
0x18: {  	s0 =	sld [smem:$0x3F9D];
	_ =	swait.ge [sflag:s4], $0x0  }
0x19: {  	s7 =	sld [smem:$0x3F9E]  }
0x1a: {  	s8 =	sadd.s32 $0xFFFFE003, lr  }
0x1b: {  	s9 =	sadd.s32 $0xFFFFFEF7, lr;
	s5 =	simm.s32 $0xFFFFFFFF;
	p2 =	slt.u32 s8, $0xFFFFF086  }
0x1c: {  	p1 =	slt.u32 s9, $0xF7A;
	s5 =	simm.s32 @!p2 $0x0  }
0x1d: {  	s5 =	simm.s32 @p1 $0x1;
	p0 =	seq.s32 s7, s2  }
0x1e: {  	s7 =	smul.u32 @!p0 $0xF7A, s2;
	p2 =	seq.s32 @!p0 s5, $0x0  }
0x1f: {  	s9 =	smul.u32 $0xF7A, s1;
	s8 =	simm.s32 @!p0 $0x1BF5;
	p2 =	por !p2, p0  }
0x20: {  	[sflag:s8] =	ssyncset.s32 @!p0 $0xFFFFF086;
	s6 =	sadd.s32 @!p0 s3, s7;
	s7 =	simm.s32 @!p0 $0x108  }
0x21: {  	s3 =	sadd.s32 s3, s9;
	s6 =	sadd.s32 @!p0 $0x88, s6;
	s7 =	simm.s32 @p2 $0x1082  }
0x22: {  	[simem:s7], [sflag:s8] =	dma.local @!p0 [hbm:s6], $0xF7A  }
0x23: {  	s9 =	sor.u32 $0xD0000000, s2;
	s6 =	simm.s32 $0x108;
	_ =	swait.ge @!p0 [sflag:s8], $0x0  }
0x24: {  	s3 =	sadd.s32 $0x88, s3;
	s6 =	simm.s32 @!p1 $0x1082;
	[sflag:s4] =	ssyncset.s32 $0xFFFFF086  }
0x25: {  	[simem:s6], [sflag:s4] =	dma.local [hbm:s3], $0xF7A  }
0x26: {  	[smem:$0x3F9E] =	sst s1;
	(tag) =	ssettag s2;
	_ =	strace s9  }
0x27: {  	s1 =	sld [smem:$0x3FAE]  }
0x28: {  	s2 =	sld [smem:$0x3FAF]  }
0x29: {  	s4 =	sld [smem:$0x3FB1]  }
0x2a: {  	p0 =	seq.s32 s5, $0x0;
	s5 =	sld [smem:$0x3FB2]  }
0x2b: {  	s6 =	sld [smem:$0x3FB3]  }
0x2c: {  	s7 =	sld [smem:$0x3FB4]  }
0x2d: {  	s3 =	simm.s32 $0x108;
	s8 =	sld [smem:$0x3FB5]  }
0x2e: {  	s3 =	simm.s32 @!p0 $0x1082;
	s9 =	sld [smem:$0x3FB6]  }
0x2f: {  	lr =	sadd.s32 s0, s3;
	s0 =	sld [smem:$0x3FAD]  }
0x30: {  	s3 =	sld [smem:$0x3FB0]  }
0x31: {  	[smem:$0x3FB9] =	sst s10  }
0x32: {  	s10 =	sld [smem:$0x3FB7];
	_ =	sdelay $0x3  }
0x33: {  	p0 =	seq.s32 s10, $0x1;
	s10 =	sld [smem:$0x3FB9];
	_ =	sdelay $0x3  }
0x34: {  	[smem:$0x3FB9] =	sst s10  }
0x35: {  	s10 =	sld [smem:$0x3FB8];
	_ =	sdelay $0x3  }
0x36: {  	p1 =	seq.s32 s10, $0x1;
	s10 =	sld [smem:$0x3FB9];
	_ =	sdelay $0x3  }
0x37: {  	[smem:$0x3FB9] =	sst s10  }
0x38: {  	s10 =	sld [smem:$0x3FBA]  }
0x39: {  	_ = 	snop;
	(pc) =	sbr.ind lr, $3  }
0x3a: {  	_ = 	snop  }
0x3b: {  	_ = 	snop  }
0x3c: {  	p2 =	seq.s32 s10, $0x1;
	s10 =	sld [smem:$0x3FB9]  }
0x3d: {  	_ =	shalt  }
0x3e: {  	_ =	shalt  }
0x3f: {  	_ =	shalt  }
0x40: {  	_ =	shalt  }
0x41: {  	_ =	shalt  }
0x42: {  	_ =	shalt  }
0x43: {  	_ =	shalt  }
0x44: {  	_ =	shalt  }
0x45: {  	_ =	shalt  }
0x46: {  	_ =	shalt  }
0x47: {  	_ =	shalt  }
0x48: {  	_ =	shalt  }
0x49: {  	_ =	shalt  }
0x4a: {  	_ =	shalt  }
0x4b: {  	_ =	shalt  }
0x4c: {  	_ =	shalt  }
0x4d: {  	_ =	shalt  }
0x4e: {  	_ =	shalt  }
0x4f: {  	_ =	shalt  }
0x50: {  	_ =	shalt  }
0x51: {  	_ =	shalt  }
0x52: {  	_ =	shalt  }
0x53: {  	_ =	shalt  }
0x54: {  	_ =	shalt  }
0x55: {  	_ =	shalt  }
0x56: {  	_ =	shalt  }
0x57: {  	_ =	shalt  }
0x58: {  	_ =	shalt  }
0x59: {  	_ =	shalt  }
0x5a: {  	_ =	shalt  }
0x5b: {  	_ =	shalt  }
0x5c: {  	_ =	shalt  }
0x5d: {  	_ =	shalt  }
0x5e: {  	_ =	shalt  }
0x5f: {  	_ =	shalt  }
0x60: {  	_ =	shalt  }
0x61: {  	_ =	shalt  }
0x62: {  	_ =	shalt  }
0x63: {  	_ =	shalt  }
0x64: {  	_ =	shalt  }
0x65: {  	_ =	shalt  }
0x66: {  	_ =	shalt  }
0x67: {  	_ =	shalt  }
0x68: {  	_ =	shalt  }
0x69: {  	_ =	shalt  }
0x6a: {  	_ =	shalt  }
0x6b: {  	_ =	shalt  }
0x6c: {  	_ =	shalt  }
0x6d: {  	_ =	shalt  }
0x6e: {  	_ =	shalt  }
0x6f: {  	_ =	shalt  }
0x70: {  	_ =	shalt  }
0x71: {  	_ =	shalt  }
0x72: {  	_ =	shalt  }
0x73: {  	_ =	shalt  }
0x74: {  	_ =	shalt  }
0x75: {  	_ =	shalt  }
0x76: {  	_ =	shalt  }
0x77: {  	_ =	shalt  }
0x78: {  	_ =	shalt  }
0x79: {  	_ =	shalt  }
0x7a: {  	_ =	shalt  }
0x7b: {  	_ =	shalt  }
0x7c: {  	_ =	shalt  }
0x7d: {  	_ =	shalt  }
0x7e: {  	_ =	shalt  }
0x7f: {  	_ =	shalt  }
0x80: {  	_ =	shalt  }
0x81: {  	_ =	shalt  }
0x82: {  	_ =	shalt  }
0x83: {  	_ =	shalt  }
0x84: {  	_ =	shalt  }
0x85: {  	_ =	shalt  }
0x86: {  	_ =	shalt  }
0x87: {  	_ =	shalt  }
.Lfunc_end0:
.L_simem_size_0:
called_computation_lowered:
.L_overlay_start_0:
0x88: {  	s2 =	sld [smem:$0x3FD9]  }
0x89: {  	s3 =	sld [smem:$0x3FFE];
	_ =	sdelay $0x1  }
0x8a: {  	s1 =	srdreg.scid  }
0x8b: {  	s0 =	sand.u32 $0x1, s1  }
0x8c: {  	s17 =	sshll.u32 s0, $0xA;
	s2 =	sadd.s32 s3, s2  }
0x8d: {  	s2 =	sadd.s32 s2, s17  }
0x8e: {  	[smem:$0x3FC5] =	sst s2  }
0x8f: {  	_ = 	snop  }
0x90: {  	s2 =	sld [smem:$0x3FD0];
	(tm) =	ssettm $0x1  }
0x91: {  	s18 =	sld [smem:$0x3FFB];
	_ =	sdelay $0x3  }
0x92: {  	_ =	strace s18  }
0x93: {  	s3 =	sld [smem:$0x3FFC];
	_ =	sdelay $0x3  }
0x94: {  	_ =	strace s3  }
0x95: {  	s3 =	sld [smem:$0x3FFD];
	_ =	sdelay $0x3  }
0x96: {  	_ =	strace s3  }
0x97: {  	_ =	strace $0x8FFFFFFF  }
0x98: {  	s19 =	sld [smem:$0x3FDB];
	_ =	sdelay $0x1  }
0x99: {  	s4 =	simm.s32 $_scs_section_size  }
0x9a: {  	s5 =	simm.s32 $_size__tile_overlayer_lowered;
	s6 =	simm.s32 $_tile_overlayer_lowered  }
0x9b: {  	s22 =	simm.s32 $0x1BFF;
	s21 =	sshll.u32 s6, $0x1;
	s3 =	sadd.s32 s4, s19  }
0x9c: {  	s7 =	simm.s32 $0x0;
	s20 =	sshll.u32 s5, $0x1;
	s5 =	sadd.s32 s21, s3  }
0x9d: {  	[timem:s7], [sflag:s22] =	dma.local [hbm:s5], s20  }
0x9e: {  	_ =	swait.ge [sflag:s22], s20  }
0x9f: {  	s4 =	ssub.s32 $0x0, s20;
	[sflag:s22] =	ssyncset.done $0x0  }
0xa0: {  	[sflag:s22] =	ssyncadd.s32 s4;
	_ =	sdelay $0x1  }
0xa1: {  	s23 =	simm.s32 $0x1B8B  }
0xa2: {  	_ =	swait.ge [sflag:s23], $0x1  }
0xa3: {  	[sflag:s23] =	ssyncset.done $0x0  }
0xa4: {  	s25 =	simm.s32 $0x1B8E;
	s24 =	sld [smem:$0x3FFE];
	[sflag:s23] =	ssyncadd.s32 $0xFFFFFFFF  }
0xa5: {  	s26 =	simm.s32 $execute0_lowered;
	[smem:$0x3FD2] =	sst s25  }
0xa6: {  	s5 =	sshll.u32 s26, $0x1;
	_ =	strace $0x80000046;
	[dreg:$0x1] =	wrdreg $0xFFFFFFFF  }
0xa7: {  	s28 =	simm.s32 $_size_execute0_lowered;
	s3 =	sadd.s32 s3, s5;
	[dreg:$0x0] =	wrdreg $0x0  }
0xa8: {  	s5 =	sshll.u32 s28, $0x1;
	[dreg:$0x2] =	wrdreg s3  }
0xa9: {  	[dreg:$0x3] =	wrdreg s5  }
0xaa: {  	[dreg:$0x4] =	wrdreg $0xC0  }
0xab: {  	_ =	task [dreg:s7], $0x5FFFF  }
0xac: {  	[dreg:$0x1] =	wrdreg $0xFFFFFFFF  }
0xad: {  	[dreg:$0x0] =	wrdreg $0x60  }
0xae: {  	[dreg:$0x2] =	wrdreg s2  }
0xaf: {  	[dreg:$0x3] =	wrdreg s24  }
0xb0: {  	[dreg:$0x4] =	wrdreg $0x9  }
0xb1: {  	_ =	task.clear_ibuf [dreg:s7], $0x5FFFF;
	_ =	strace $0x90000046  }
0xb2: {  	s29 =	simm.s32 $0x9;
	_ =	strace $0x80000048  }
0xb3: {  	_ =	swait.ge [sflag:s29], $0x1  }
0xb4: {  	[sflag:s29] =	ssyncadd.s32 $0xFFFFFFFF  }
0xb5: {  	_ =	strace $0x90000048  }
0xb6: {  	_ =	sfence  }
0xb7: {  	s30 =	sld [smem:$0x0];
	_ =	sdelay $0x2  }
0xb8: {  	s31 =	sshll.u32 s1, $0xD;
	s1 =	sshrl.u32 s1, $0x2  }
0xb9: {  	s3 =	sand.u32 $0x4000, s31;
	s1 =	sadd.s32 s1, s30  }
0xba: {  	s0 =	sor.u32 s3, s0;
	s1 =	sshll.u32 s1, $0x11  }
0xbb: {  	s0 =	sor.u32 s1, s0  }
0xbc: {  	s0 =	sadd.s32 $0x8F2B, s0  }
0xbd: {  	[sflag:s0] =	ssyncadd.remote.s32 $0x1  }
0xbe: {  	_ =	sfence.sel $0xFFFF  }
0xbf: {  	[dreg:$0x0] =	wrdreg $0xFFFFFFFF;
	(pc) =	sbr.abs _section_cstart, $3  }
0xc0: {  	[dreg:$0x1] =	wrdreg $0xFFFFFFFF  }
0xc1: {  	_ =	task.clear_ibuf [dreg:s7], $0x2FFFF;
	_ =	strace $0x9FFFFFFF  }
0xc2: {  	(tm) =	ssettm $0x7FFFFFFF  }
0xc3: {  	_ =	shalt  }
tec
execute0_lowered:
.L_overlay_start_1:
0x0: {  	(tag) =	ssettag $0x1  }
0x1: {  	s1 =	stileid.u32  }
0x2: {  	p0 =	sgt.u32 s1, $0x7  }
.Ltmp0:
0x3: {  	_ = 	snop;
	(pc) =	sbr.rel @p0 .LBB2_4-.Ltmp0, $4  }
0x4: {  	s2 =	rddreg [dreg:$0x0]  }
0x5: {  	s10 =	rddreg [dreg:$0x1];
	s3 =	simm.s32 $0x0  }
0x6: {  	[smem:$0x7FF] =	sst s3  }
0x7: {  	s0 =	rddreg [dreg:$0x2];
	_ =	strace $0x80000047  }
0x8: {  	s4 =	srdreg.scid  }
0x9: {  	s29 =	sshll.u32 s1, $0x1;
	s8 =	sand.u32 $0x1, s4  }
0xa: {  	s5 =	sadd.s32 $0x800, s10;
	s6 =	sor.u32 s8, s29  }
0xb: {  	s4 =	simm.s32 $0x2;
	s5 =	sadd.s32 s5, s6  }
0xc: {  	[tilespmem:s3], [sflag:$0x2] =	stream.linear.gather [hbm4b:s5+s3], $0x8, $0x38;
	[tilespmem:$0xC80] =	vst v63  }
0xd: {  	_ =	swait.ge [sflag:s4], $0x8  }
0xe: {  	[sflag:s4] =	ssyncset.done $0x0  }
0xf: {  	[sflag:s4] =	ssyncadd.s32 $0xFFFFFFF8  }
0x10: {  	v0 =	vld.msk [tilespmem:$0x0], $0xff;
	_ =	sdelay $0x4  }
0x11: {  	v1 =	vshrl.u32 v0, $0x3  }
0x12: {  	v1 =	vmul.u32 $0x18, v1  }
0x13: {  	v2 =	vlaneseq.u32;
	v3 =	vand.u32 $0x7, v0  }
0x14: {  	v0 =	vand.u32 $0x7, v2;
	v2 =	vshrl.u32 v2, $0x3;
	v3 =	vor.u32 v3, v1  }
0x15: {  	v1 =	vmul.u32 $0x8, v2;
	v2 =	vperm.xlane v3, v0;
	_ =	sdelay $0x1  }
0x16: {  	v2 =	vadd.s32 v1, v2;
	_ =	sdelay $0x1  }
0x17: {  	s12 =	ssub.s32 $0x2, s8  }
0x18: {  	s7 =	simm.s32 $0x80;
	s9 =	simm.s32 $0x1;
	s13 =	sshrl.u32 s12, $0x1  }
0x19: {  	vm0 =	vmmov $0xffff;
	s8 =	simm.s32 $0x880;
	s11 =	smul.u32 $0x180, s6;
	s31 =	ssub.s32 s12, s13  }
0x1a: {  	[tilespmem:s7], [sflag:$0x1] =	stream.indirect_vreg.gather [hbm4b:s2+s3], $0x80, v2, vm0, $0xb8;
	[tilespmem:$0xC80] =	vst v63  }
0x1b: {  	vm1 =	vmmov $0xff;
	s6 =	sadd.s32 $0x100, s2;
	s30 =	sadd.s32 s11, s10;
	s11 =	smax.u32 s31, $0x1  }
0x1c: {  	[tilespmem:s8], [sflag:$0x1] =	stream.indirect_vreg.gather [hbm4b:s6+s3], $0x80, v2, vm1, $0xb8;
	[tilespmem:$0xC80] =	vst v63  }
0x1d: {  	p0 =	sne.s32 s11, $0x1;
	_ =	swait.ge [sflag:s9], $0xC00  }
.Ltmp1:
0x1e: {  	[sflag:s9] =	ssyncset.done $0x0;
	(pc) =	sbr.rel @!p0 .LBB2_3-.Ltmp1, $4  }
0x1f: {  	s10 =	sadd.s32 $0xA00, s30;
	[sflag:s9] =	ssyncadd.s32 $0xFFFFF400  }
0x20: {  	[hbm4b:s10+s3] =	stream.linear.scatter [tilespmem:s7], [sflag:$0x2], $0xC00, $0x38;
	[tilespmem:$0xC80] =	vst v63  }
0x21: {  	_ =	swait.ge [sflag:s4], $0xC00  }
0x22: {  	s11 =	sadd.s32 $0xFFFFFFFF, s11;
	[sflag:s4] =	ssyncset.done $0x0  }
.LBB2_2:
0x23: {  	p0 =	sne.s32 s11, $0x1;
	s11 =	sadd.s32 $0xFFFFFFFF, s11;
	[sflag:s4] =	ssyncadd.s32 $0xFFFFF400  }
0x24: {  	[tilespmem:s3], [sflag:$0x2] =	stream.linear.gather [hbm4b:s5+s3], $0x8, $0x38;
	[tilespmem:$0xC80] =	vst v63  }
0x25: {  	_ =	swait.ge [sflag:s4], $0x8  }
0x26: {  	[sflag:s4] =	ssyncset.done $0x0  }
0x27: {  	[sflag:s4] =	ssyncadd.s32 $0xFFFFFFF8  }
0x28: {  	v2 =	vld.msk [tilespmem:$0x0], $0xff;
	_ =	sdelay $0x4  }
0x29: {  	v3 =	vshrl.u32 v2, $0x3  }
0x2a: {  	v3 =	vmul.u32 $0x18, v3  }
0x2b: {  	v2 =	vand.u32 $0x7, v2  }
0x2c: {  	v2 =	vor.u32 v2, v3  }
0x2d: {  	v2 =	vperm.xlane v2, v0;
	_ =	sdelay $0x1  }
0x2e: {  	v2 =	vadd.s32 v1, v2;
	_ =	sdelay $0x4  }
0x2f: {  	[tilespmem:s7], [sflag:$0x1] =	stream.indirect_vreg.gather [hbm4b:s2+s3], $0x80, v2, vm0, $0xb8;
	[tilespmem:$0xC80] =	vst v63  }
0x30: {  	_ = 	snop  }
0x31: {  	[tilespmem:s8], [sflag:$0x1] =	stream.indirect_vreg.gather [hbm4b:s6+s3], $0x80, v2, vm1, $0xb8;
	[tilespmem:$0xC80] =	vst v63  }
0x32: {  	_ =	swait.ge [sflag:s9], $0xC00  }
.Ltmp2:
0x33: {  	[sflag:s9] =	ssyncset.done $0x0;
	(pc) =	sbr.rel @p0 .LBB2_2-.Ltmp2, $4  }
0x34: {  	[sflag:s9] =	ssyncadd.s32 $0xFFFFF400  }
0x35: {  	[hbm4b:s10+s3] =	stream.linear.scatter [tilespmem:s7], [sflag:$0x2], $0xC00, $0x38;
	[tilespmem:$0xC80] =	vst v63  }
0x36: {  	_ =	swait.ge [sflag:s4], $0xC00  }
0x37: {  	[sflag:s4] =	ssyncset.done $0x0  }
.LBB2_3:
0x38: {  	[sflag:s4] =	ssyncadd.s32 $0xFFFFF400  }
.LBB2_4:
0x39: {  	_ =	sfence.sel $0x180000  }
0x3a: {  	[bflag:$0x0] =	sbarrier.arrive $0xFFFF  }
0x3b: {  	p0 =	sne.s32 s1, $0x0;
	_ =	strace $0x90000047  }
0x3c: {  	s0 =	sadd.s32 @!p0 $0x100000, s0;
	[bflag:$0x2] =	sbarrier.arrive $0xFFFF  }
0x3d: {  	[sflag:s0] =	ssyncadd.tile.s32 @!p0 $0x1;
	_ =	shalt  }
.Lfunc_end2:
_tile_overlayer_lowered:
.L_overlay_start_2:
0x3e: {  	(tag) =	ssettag $0x2  }
0x3f: {  	s0 =	rddreg [dreg:$0x0];
	s2 =	stileid.u32  }
0x40: {  	s1 =	rddreg [dreg:$0x1];
	p0 =	sne.s32 s2, $0x0  }
0x41: {  	s3 =	rddreg [dreg:$0x2];
	[bflag:$0x3] =	sbarrier.arrive $0xFFFF;
	s2 =	simm.s32 @!p0 $0x1C02  }
0x42: {  	[timem:s3], [sflag:s2] =	dma.local @!p0 [hbm:s0], s1  }
0x43: {  	s0 =	simm.s32 @!p0 $0x2  }
0x44: {  	_ =	swait.ge @!p0 [sflag:s0], s1  }
0x45: {  	s1 =	ssub.s32 @!p0 $0x0, s1;
	[sflag:s0] =	ssyncset.done @!p0 $0x0  }
0x46: {  	[sflag:s0] =	ssyncadd.s32 @!p0 s1  }
0x47: {  	[bflag:$0x3] =	sbarrier.arrive $0xFFFF  }
0x48: {  	_ =	shalt  }

</sc_bundles>
